<compile_context>
chip_gen: v7x
topology: tpu7x:2x2x1
jax: 0.10.2.dev20260603
libtpu: 0.0.44.dev20260713+nightly
codegen_flags: <defaults>
</compile_context>

<pallas_src>
import functools

import jax
import jax.numpy as jnp
from jax import lax
from jax.experimental import pallas as pl
from jax.experimental.pallas import tpu as pltpu
from jax.experimental.pallas import tpu_sc as plsc

T, B, D = 2048, 16, 512
TCUT = 768
CH = 32
NBUF = 3
NC, NS, NLANE = 2, 16, 16
NW = NC * NS
GROUPS = D // NLANE
TBLK = 128


def _make_sc_kernel():
    mesh = plsc.VectorSubcoreMesh(core_axis_name="c", subcore_axis_name="s")

    @functools.partial(
        pl.kernel,
        mesh=mesh,
        out_type=jax.ShapeDtypeStruct((NW, B, NLANE), jnp.float32),
        scratch_types=[
            pltpu.VMEM((2 * NLANE,), jnp.int32),
            pltpu.VMEM((NBUF * CH, 1, D), jnp.float32),
            pltpu.VMEM((NBUF * CH, 1, D), jnp.float32),
            pltpu.VMEM((B, NLANE), jnp.float32),
            pltpu.SemaphoreType.DMA((NBUF,)),
            pltpu.SemaphoreType.DMA((NBUF,)),
        ],
    )
    def k(y_hbm, d_hbm, sl_hbm, out_hbm,
          sl_v, ybuf, dbuf, ov, sem_y, sem_d):
        wid = lax.axis_index("s") * NC + lax.axis_index("c")

        pltpu.sync_copy(sl_hbm, sl_v.at[pl.ds(0, NLANE)])
        zero16 = jnp.zeros((NLANE,), jnp.float32)
        for i in range(B):
            ov[i, pl.ds(0, NLANE)] = zero16

        def tail_len(b):
            return jnp.maximum(sl_v[pl.ds(b, NLANE)][0] - TCUT, 0)

        V = lax.fori_loop(0, B, lambda b, v: v + tail_len(b), jnp.int32(0))
        gs = (wid * V) // NW
        ge = ((wid + 1) * V) // NW

        def seg_body(b, cum):
            Lpb = tail_len(b)
            lo = jnp.maximum(gs, cum)
            hi = jnp.minimum(ge, cum + Lpb)
            tlo = TCUT + (lo - cum)
            thi = TCUT + (hi - cum)
            ncb = (thi - tlo + (CH - 1)) // CH

            def issue(c, par):
                t0 = tlo + c * CH
                t0c = jnp.minimum(t0, T - CH)
                pltpu.async_copy(
                    y_hbm.at[pl.ds(t0c, CH), pl.ds(b, 1), pl.ds(0, D)],
                    ybuf.at[pl.ds(par * CH, CH)], sem_y.at[par])
                pltpu.async_copy(
                    d_hbm.at[pl.ds(t0c, CH), pl.ds(b, 1), pl.ds(0, D)],
                    dbuf.at[pl.ds(par * CH, CH)], sem_d.at[par])

            for pre in range(NBUF - 1):
                @pl.when(ncb > pre)
                def _(pre=pre):
                    issue(jnp.int32(pre), jnp.int32(pre))

            def chunk_body(c, acc):
                par = lax.rem(c, NBUF)

                @pl.when(c + (NBUF - 1) < ncb)
                def _():
                    issue(c + (NBUF - 1), lax.rem(c + (NBUF - 1), NBUF))

                pltpu.make_async_copy(
                    y_hbm.at[pl.ds(0, CH), pl.ds(b, 1), pl.ds(0, D)],
                    ybuf.at[pl.ds(par * CH, CH)], sem_y.at[par]).wait()
                pltpu.make_async_copy(
                    d_hbm.at[pl.ds(0, CH), pl.ds(b, 1), pl.ds(0, D)],
                    dbuf.at[pl.ds(par * CH, CH)], sem_d.at[par]).wait()

                t0 = tlo + c * CH
                t0c = jnp.minimum(t0, T - CH)
                base = par * CH
                i0 = base + (t0 - t0c)
                i1 = base + (jnp.minimum(thi, t0 + CH) - t0c)

                def row_body(i, racc):
                    r = racc
                    for g in range(GROUPS):
                        yv = ybuf[i, 0, pl.ds(g * NLANE, NLANE)]
                        dv = dbuf[i, 0, pl.ds(g * NLANE, NLANE)]
                        df = dv - yv
                        r = r + df * df
                    return r

                return lax.fori_loop(i0, i1, row_body, acc)

            seg = lax.fori_loop(0, ncb, chunk_body,
                                jnp.zeros((NLANE,), jnp.float32))
            cur = ov[b, pl.ds(0, NLANE)]
            ov[b, pl.ds(0, NLANE)] = cur + seg
            return cum + Lpb

        lax.fori_loop(0, B, seg_body, jnp.int32(0))
        pltpu.sync_copy(ov, out_hbm.at[wid])

    return k


_sc_tail_partials = _make_sc_kernel()


def _tc_prefix_body(sl_ref, y_ref, d_ref, o_ref):
    i = pl.program_id(0)
    df = d_ref[...] - y_ref[...]
    sq = df * df
    t = lax.broadcasted_iota(jnp.int32, (TBLK, B, 1), 0) + i * TBLK
    mask = t < sl_ref[...][:, :, None]
    part = jnp.sum(jnp.where(mask, sq, 0.0), axis=0)

    @pl.when(i == 0)
    def _():
        o_ref[...] = jnp.zeros_like(o_ref)

    o_ref[...] += part


_tc_prefix_sums = pl.pallas_call(
    _tc_prefix_body,
    grid=(TCUT // TBLK,),
    in_specs=[
        pl.BlockSpec((1, B), lambda i: (0, 0)),
        pl.BlockSpec((TBLK, B, D), lambda i: (i, 0, 0)),
        pl.BlockSpec((TBLK, B, D), lambda i: (i, 0, 0)),
    ],
    out_specs=pl.BlockSpec((B, D), lambda i: (0, 0)),
    out_shape=jax.ShapeDtypeStruct((B, D), jnp.float32),
)


def kernel(y_pred, data, seq_len):
    sl = seq_len.astype(jnp.int32)
    sc_part = _sc_tail_partials(y_pred, data, sl)
    tc_part = _tc_prefix_sums(sl.reshape(1, B), y_pred, data)
    per_b = jnp.sum(sc_part, axis=(0, 2)) + jnp.sum(tc_part, axis=1)
    inv = 1.0 / (sl.astype(jnp.float32) * jnp.float32(D * B))
    return jnp.sum(per_b * inv)

# --- scband reference (transcript-rebuilt; emitter-appended) ---
"""Pipeline reference for scband-per-seq-mseloss-37434934952248 (READ-ONLY COPY).

The authoritative reference and input builder live on the scoring server;
editing this copy changes nothing except your own understanding.
"""

import jax, jax.numpy as jnp
import numpy as np


def setup_inputs(seed: int = 0) -> dict:
    key = jax.random.key(seed)
    k1, k2, k3 = jax.random.split(key, 3)
    T, B, D = 2048, 16, 512
    y_pred = jax.random.normal(k1, (T, B, D), dtype=jnp.float32)
    data = jax.random.normal(k2, (T, B, D), dtype=jnp.float32)
    # sequence lengths in [1, 2048] to avoid empty sequences (MSE of empty slice is undefined)
    seq_len = jnp.maximum(jax.random.randint(k3, (B,), 0, 2048), 1)
    return {"y_pred": y_pred, "data": data, "seq_len": seq_len}


def reference(y_pred, data, seq_len):
    # Faithful translation of PerSeqMSELoss.forward:
    #   mse_i = mean((data[:L_i, i] - y_pred[:L_i, i])**2)  over the valid prefix of each sequence
    #   loss  = mean_i(mse_i)
    # Implemented with a validity mask instead of a Python loop over dynamic slices.
    T, B, D = data.shape
    mask = (jnp.arange(T)[:, None] < seq_len[None, :]).astype(data.dtype)  # [T, B]
    sq = (data - y_pred) ** 2                                              # [T, B, D]
    per_seq_sum = jnp.sum(sq * mask[:, :, None], axis=(0, 2))              # [B]
    per_seq_count = seq_len.astype(data.dtype) * jnp.asarray(D, data.dtype)
    per_seq_mse = per_seq_sum / per_seq_count                               # [B]
    return jnp.mean(per_seq_mse)

if __name__ == "__main__":
    import jax
    _d = setup_inputs()
    print(jax.jit(kernel)(*tuple(_d.values())))

</pallas_src>

<mosaic_0001>
#map = affine_map<(d0, d1) -> (0, 0, 0)>
#map1 = affine_map<(d0, d1) -> (0)>
module attributes {stable_mosaic.version = 14 : i64} {
  func.func @k(%arg0: i32, %arg1: i32, %arg2: memref<2048x16x512xf32, #tpu.memory_space<hbm>>, %arg3: memref<2048x16x512xf32, #tpu.memory_space<hbm>>, %arg4: memref<16xi32, #tpu.memory_space<hbm>>, %arg5: memref<32x16x16xf32, #tpu.memory_space<hbm>>, %arg6: memref<32xi32, #tpu.memory_space<vmem>>, %arg7: memref<96x1x512xf32, #tpu.memory_space<vmem>>, %arg8: memref<96x1x512xf32, #tpu.memory_space<vmem>>, %arg9: memref<16x16xf32, #tpu.memory_space<vmem>>, %arg10: memref<3x!tpu.dma_semaphore, #tpu.memory_space<semaphore_mem>>, %arg11: memref<3x!tpu.dma_semaphore, #tpu.memory_space<semaphore_mem>>) attributes {dimension_semantics = [#tpu.dimension_semantics<core_parallel>, #tpu.dimension_semantics<subcore_parallel>], iteration_bounds = array<i64: 2, 16>, scalar_prefetch = 0 : i64, scratch_operands = 6 : i64, tpu.core_type = #tpu.core_type<sc_vector_subcore>, window_params = [{transform_indices = #map}, {transform_indices = #map}, {transform_indices = #map1}, {transform_indices = #map}]} {
    %mul3A = arith.constant 2 : i32
    %mul3A_0 = arith.muli %arg1, %mul3A : i32
    %add3A = arith.addi %mul3A_0, %arg0 : i32
    "tpu.region"() ({
      %run_scoped3A = tpu.sem_alloc : memref<!tpu.dma_semaphore, #tpu.memory_space<semaphore_mem>>
      %dma_start3A = arith.constant 0 : i32
      %dma_start3A_154 = tpu.memref_slice %arg6[%dma_start3A] : memref<32xi32, #tpu.memory_space<vmem>> -> memref<16xi32, #tpu.memory_space<vmem>>
      %dma_start3A_155 = arith.constant 0 : i32
      %dma_start3A_156 = tpu.memref_slice %arg6[%dma_start3A_155] : memref<32xi32, #tpu.memory_space<vmem>> -> memref<16xi32, #tpu.memory_space<vmem>>
      tpu.enqueue_dma source(%arg4 : memref<16xi32, #tpu.memory_space<hbm>>) target(%dma_start3A_156 : memref<16xi32, #tpu.memory_space<vmem>>) target_semaphore(%run_scoped3A : memref<!tpu.dma_semaphore, #tpu.memory_space<semaphore_mem>>)
      %dma_wait3A = arith.constant 0 : i32
      %dma_wait3A_157 = tpu.memref_slice %arg6[%dma_wait3A] : memref<32xi32, #tpu.memory_space<vmem>> -> memref<16xi32, #tpu.memory_space<vmem>>
      %dma_wait3A_158 = arith.constant 0 : i32
      %dma_wait3A_159 = tpu.memref_slice %arg6[%dma_wait3A_158] : memref<32xi32, #tpu.memory_space<vmem>> -> memref<16xi32, #tpu.memory_space<vmem>>
      tpu.wait_dma2 semaphore(%run_scoped3A : memref<!tpu.dma_semaphore, #tpu.memory_space<semaphore_mem>>) src(%arg4 : memref<16xi32, #tpu.memory_space<hbm>>) dst(%dma_wait3A_159 : memref<16xi32, #tpu.memory_space<vmem>>)
      tpu.yield
    }) : () -> ()
    %broadcast_in_dim3A = arith.constant 0.000000e+00 : f32
    %broadcast_in_dim3A_1 = vector.broadcast %broadcast_in_dim3A : f32 to vector<16xf32>
    %swap3A = arith.constant 0 : i32
    %swap3A_2 = arith.index_cast %swap3A : i32 to index
    %swap3A_3 = arith.constant 0 : index
    %swap3A_4 = tpu.vector_load %arg9[%swap3A_2, %swap3A_3] {strides = array<i32>} : memref<16x16xf32, #tpu.memory_space<vmem>>, vector<1x16xf32>,
    %swap3A_5 = vector.shape_cast %swap3A_4 : vector<1x16xf32> to vector<16xf32>
    %swap3A_6 = vector.shape_cast %broadcast_in_dim3A_1 : vector<16xf32> to vector<1x16xf32>
    tpu.vector_store %arg9[%swap3A_2, %swap3A_3], %swap3A_6 {strides = array<i32>} : memref<16x16xf32, #tpu.memory_space<vmem>>, vector<1x16xf32>,
    %swap3A_7 = arith.constant 1 : i32
    %swap3A_8 = arith.index_cast %swap3A_7 : i32 to index
    %swap3A_9 = arith.constant 0 : index
    %swap3A_10 = tpu.vector_load %arg9[%swap3A_8, %swap3A_9] {strides = array<i32>} : memref<16x16xf32, #tpu.memory_space<vmem>>, vector<1x16xf32>,
    %swap3A_11 = vector.shape_cast %swap3A_10 : vector<1x16xf32> to vector<16xf32>
    %swap3A_12 = vector.shape_cast %broadcast_in_dim3A_1 : vector<16xf32> to vector<1x16xf32>
    tpu.vector_store %arg9[%swap3A_8, %swap3A_9], %swap3A_12 {strides = array<i32>} : memref<16x16xf32, #tpu.memory_space<vmem>>, vector<1x16xf32>,
    %swap3A_13 = arith.constant 2 : i32
    %swap3A_14 = arith.index_cast %swap3A_13 : i32 to index
    %swap3A_15 = arith.constant 0 : index
    %swap3A_16 = tpu.vector_load %arg9[%swap3A_14, %swap3A_15] {strides = array<i32>} : memref<16x16xf32, #tpu.memory_space<vmem>>, vector<1x16xf32>,
    %swap3A_17 = vector.shape_cast %swap3A_16 : vector<1x16xf32> to vector<16xf32>
    %swap3A_18 = vector.shape_cast %broadcast_in_dim3A_1 : vector<16xf32> to vector<1x16xf32>
    tpu.vector_store %arg9[%swap3A_14, %swap3A_15], %swap3A_18 {strides = array<i32>} : memref<16x16xf32, #tpu.memory_space<vmem>>, vector<1x16xf32>,
    %swap3A_19 = arith.constant 3 : i32
    %swap3A_20 = arith.index_cast %swap3A_19 : i32 to index
    %swap3A_21 = arith.constant 0 : index
    %swap3A_22 = tpu.vector_load %arg9[%swap3A_20, %swap3A_21] {strides = array<i32>} : memref<16x16xf32, #tpu.memory_space<vmem>>, vector<1x16xf32>,
    %swap3A_23 = vector.shape_cast %swap3A_22 : vector<1x16xf32> to vector<16xf32>
    %swap3A_24 = vector.shape_cast %broadcast_in_dim3A_1 : vector<16xf32> to vector<1x16xf32>
    tpu.vector_store %arg9[%swap3A_20, %swap3A_21], %swap3A_24 {strides = array<i32>} : memref<16x16xf32, #tpu.memory_space<vmem>>, vector<1x16xf32>,
    %swap3A_25 = arith.constant 4 : i32
    %swap3A_26 = arith.index_cast %swap3A_25 : i32 to index
    %swap3A_27 = arith.constant 0 : index
    %swap3A_28 = tpu.vector_load %arg9[%swap3A_26, %swap3A_27] {strides = array<i32>} : memref<16x16xf32, #tpu.memory_space<vmem>>, vector<1x16xf32>,
    %swap3A_29 = vector.shape_cast %swap3A_28 : vector<1x16xf32> to vector<16xf32>
    %swap3A_30 = vector.shape_cast %broadcast_in_dim3A_1 : vector<16xf32> to vector<1x16xf32>
    tpu.vector_store %arg9[%swap3A_26, %swap3A_27], %swap3A_30 {strides = array<i32>} : memref<16x16xf32, #tpu.memory_space<vmem>>, vector<1x16xf32>,
    %swap3A_31 = arith.constant 5 : i32
    %swap3A_32 = arith.index_cast %swap3A_31 : i32 to index
    %swap3A_33 = arith.constant 0 : index
    %swap3A_34 = tpu.vector_load %arg9[%swap3A_32, %swap3A_33] {strides = array<i32>} : memref<16x16xf32, #tpu.memory_space<vmem>>, vector<1x16xf32>,
    %swap3A_35 = vector.shape_cast %swap3A_34 : vector<1x16xf32> to vector<16xf32>
    %swap3A_36 = vector.shape_cast %broadcast_in_dim3A_1 : vector<16xf32> to vector<1x16xf32>
    tpu.vector_store %arg9[%swap3A_32, %swap3A_33], %swap3A_36 {strides = array<i32>} : memref<16x16xf32, #tpu.memory_space<vmem>>, vector<1x16xf32>,
    %swap3A_37 = arith.constant 6 : i32
    %swap3A_38 = arith.index_cast %swap3A_37 : i32 to index
    %swap3A_39 = arith.constant 0 : index
    %swap3A_40 = tpu.vector_load %arg9[%swap3A_38, %swap3A_39] {strides = array<i32>} : memref<16x16xf32, #tpu.memory_space<vmem>>, vector<1x16xf32>,
    %swap3A_41 = vector.shape_cast %swap3A_40 : vector<1x16xf32> to vector<16xf32>
    %swap3A_42 = vector.shape_cast %broadcast_in_dim3A_1 : vector<16xf32> to vector<1x16xf32>
    tpu.vector_store %arg9[%swap3A_38, %swap3A_39], %swap3A_42 {strides = array<i32>} : memref<16x16xf32, #tpu.memory_space<vmem>>, vector<1x16xf32>,
    %swap3A_43 = arith.constant 7 : i32
    %swap3A_44 = arith.index_cast %swap3A_43 : i32 to index
    %swap3A_45 = arith.constant 0 : index
    %swap3A_46 = tpu.vector_load %arg9[%swap3A_44, %swap3A_45] {strides = array<i32>} : memref<16x16xf32, #tpu.memory_space<vmem>>, vector<1x16xf32>,
    %swap3A_47 = vector.shape_cast %swap3A_46 : vector<1x16xf32> to vector<16xf32>
    %swap3A_48 = vector.shape_cast %broadcast_in_dim3A_1 : vector<16xf32> to vector<1x16xf32>
    tpu.vector_store %arg9[%swap3A_44, %swap3A_45], %swap3A_48 {strides = array<i32>} : memref<16x16xf32, #tpu.memory_space<vmem>>, vector<1x16xf32>,
    %swap3A_49 = arith.constant 8 : i32
    %swap3A_50 = arith.index_cast %swap3A_49 : i32 to index
    %swap3A_51 = arith.constant 0 : index
    %swap3A_52 = tpu.vector_load %arg9[%swap3A_50, %swap3A_51] {strides = array<i32>} : memref<16x16xf32, #tpu.memory_space<vmem>>, vector<1x16xf32>,
    %swap3A_53 = vector.shape_cast %swap3A_52 : vector<1x16xf32> to vector<16xf32>
    %swap3A_54 = vector.shape_cast %broadcast_in_dim3A_1 : vector<16xf32> to vector<1x16xf32>
    tpu.vector_store %arg9[%swap3A_50, %swap3A_51], %swap3A_54 {strides = array<i32>} : memref<16x16xf32, #tpu.memory_space<vmem>>, vector<1x16xf32>,
    %swap3A_55 = arith.constant 9 : i32
    %swap3A_56 = arith.index_cast %swap3A_55 : i32 to index
    %swap3A_57 = arith.constant 0 : index
    %swap3A_58 = tpu.vector_load %arg9[%swap3A_56, %swap3A_57] {strides = array<i32>} : memref<16x16xf32, #tpu.memory_space<vmem>>, vector<1x16xf32>,
    %swap3A_59 = vector.shape_cast %swap3A_58 : vector<1x16xf32> to vector<16xf32>
    %swap3A_60 = vector.shape_cast %broadcast_in_dim3A_1 : vector<16xf32> to vector<1x16xf32>
    tpu.vector_store %arg9[%swap3A_56, %swap3A_57], %swap3A_60 {strides = array<i32>} : memref<16x16xf32, #tpu.memory_space<vmem>>, vector<1x16xf32>,
    %swap3A_61 = arith.constant 10 : i32
    %swap3A_62 = arith.index_cast %swap3A_61 : i32 to index
    %swap3A_63 = arith.constant 0 : index
    %swap3A_64 = tpu.vector_load %arg9[%swap3A_62, %swap3A_63] {strides = array<i32>} : memref<16x16xf32, #tpu.memory_space<vmem>>, vector<1x16xf32>,
    %swap3A_65 = vector.shape_cast %swap3A_64 : vector<1x16xf32> to vector<16xf32>
    %swap3A_66 = vector.shape_cast %broadcast_in_dim3A_1 : vector<16xf32> to vector<1x16xf32>
    tpu.vector_store %arg9[%swap3A_62, %swap3A_63], %swap3A_66 {strides = array<i32>} : memref<16x16xf32, #tpu.memory_space<vmem>>, vector<1x16xf32>,
    %swap3A_67 = arith.constant 11 : i32
    %swap3A_68 = arith.index_cast %swap3A_67 : i32 to index
    %swap3A_69 = arith.constant 0 : index
    %swap3A_70 = tpu.vector_load %arg9[%swap3A_68, %swap3A_69] {strides = array<i32>} : memref<16x16xf32, #tpu.memory_space<vmem>>, vector<1x16xf32>,
    %swap3A_71 = vector.shape_cast %swap3A_70 : vector<1x16xf32> to vector<16xf32>
    %swap3A_72 = vector.shape_cast %broadcast_in_dim3A_1 : vector<16xf32> to vector<1x16xf32>
    tpu.vector_store %arg9[%swap3A_68, %swap3A_69], %swap3A_72 {strides = array<i32>} : memref<16x16xf32, #tpu.memory_space<vmem>>, vector<1x16xf32>,
    %swap3A_73 = arith.constant 12 : i32
    %swap3A_74 = arith.index_cast %swap3A_73 : i32 to index
    %swap3A_75 = arith.constant 0 : index
    %swap3A_76 = tpu.vector_load %arg9[%swap3A_74, %swap3A_75] {strides = array<i32>} : memref<16x16xf32, #tpu.memory_space<vmem>>, vector<1x16xf32>,
    %swap3A_77 = vector.shape_cast %swap3A_76 : vector<1x16xf32> to vector<16xf32>
    %swap3A_78 = vector.shape_cast %broadcast_in_dim3A_1 : vector<16xf32> to vector<1x16xf32>
    tpu.vector_store %arg9[%swap3A_74, %swap3A_75], %swap3A_78 {strides = array<i32>} : memref<16x16xf32, #tpu.memory_space<vmem>>, vector<1x16xf32>,
    %swap3A_79 = arith.constant 13 : i32
    %swap3A_80 = arith.index_cast %swap3A_79 : i32 to index
    %swap3A_81 = arith.constant 0 : index
    %swap3A_82 = tpu.vector_load %arg9[%swap3A_80, %swap3A_81] {strides = array<i32>} : memref<16x16xf32, #tpu.memory_space<vmem>>, vector<1x16xf32>,
    %swap3A_83 = vector.shape_cast %swap3A_82 : vector<1x16xf32> to vector<16xf32>
    %swap3A_84 = vector.shape_cast %broadcast_in_dim3A_1 : vector<16xf32> to vector<1x16xf32>
    tpu.vector_store %arg9[%swap3A_80, %swap3A_81], %swap3A_84 {strides = array<i32>} : memref<16x16xf32, #tpu.memory_space<vmem>>, vector<1x16xf32>,
    %swap3A_85 = arith.constant 14 : i32
    %swap3A_86 = arith.index_cast %swap3A_85 : i32 to index
    %swap3A_87 = arith.constant 0 : index
    %swap3A_88 = tpu.vector_load %arg9[%swap3A_86, %swap3A_87] {strides = array<i32>} : memref<16x16xf32, #tpu.memory_space<vmem>>, vector<1x16xf32>,
    %swap3A_89 = vector.shape_cast %swap3A_88 : vector<1x16xf32> to vector<16xf32>
    %swap3A_90 = vector.shape_cast %broadcast_in_dim3A_1 : vector<16xf32> to vector<1x16xf32>
    tpu.vector_store %arg9[%swap3A_86, %swap3A_87], %swap3A_90 {strides = array<i32>} : memref<16x16xf32, #tpu.memory_space<vmem>>, vector<1x16xf32>,
    %swap3A_91 = arith.constant 15 : i32
    %swap3A_92 = arith.index_cast %swap3A_91 : i32 to index
    %swap3A_93 = arith.constant 0 : index
    %swap3A_94 = tpu.vector_load %arg9[%swap3A_92, %swap3A_93] {strides = array<i32>} : memref<16x16xf32, #tpu.memory_space<vmem>>, vector<1x16xf32>,
    %swap3A_95 = vector.shape_cast %swap3A_94 : vector<1x16xf32> to vector<16xf32>
    %swap3A_96 = vector.shape_cast %broadcast_in_dim3A_1 : vector<16xf32> to vector<1x16xf32>
    tpu.vector_store %arg9[%swap3A_92, %swap3A_93], %swap3A_96 {strides = array<i32>} : memref<16x16xf32, #tpu.memory_space<vmem>>, vector<1x16xf32>,
    %scan3A = arith.constant 0 : i32
    %scan3A_97 = arith.constant 0 : i32
    %scan3A_98 = arith.constant 16 : i32
    %scan3A_99 = arith.addi %scan3A_97, %scan3A_98 : i32
    %scan3A_100 = arith.constant 1 : i32
    %scan3A_101 = scf.for %scan3A_154 = %scan3A_97 to %scan3A_99 step %scan3A_100 iter_args(%scan3A_155 = %scan3A) -> (i32)  : i32 {
      %get3A = arith.index_cast %scan3A_154 : i32 to index
      %get3A_156 = tpu.vector_load %arg6[%get3A] {strides = array<i32>} : memref<32xi32, #tpu.memory_space<vmem>>, vector<16xi32>,
      %get3A_157 = vector.shape_cast %get3A_156 : vector<16xi32> to vector<16xi32>
      %slice3A = vector.extract_strided_slice %get3A_157 {offsets = [0], sizes = [1], strides = [1]} : vector<16xi32> to vector<1xi32>
      %squeeze3A = vector.extract %slice3A[0] : i32 from vector<1xi32>
      %sub3A_158 = arith.constant 768 : i32
      %sub3A_159 = arith.subi %squeeze3A, %sub3A_158 : i32
      %max3A = arith.constant 0 : i32
      %max3A_160 = arith.maxsi %sub3A_159, %max3A : i32
      %add3A_161 = arith.addi %scan3A_155, %max3A_160 : i32
      scf.yield %add3A_161 : i32
    }
    %scan3A_102 = arith.constant 16 : i32
    %mul3A_103 = arith.muli %add3A, %scan3A_101 : i32
    %jit3A = arith.constant 32 : i32
    %div3A = arith.divsi %mul3A_103, %jit3A : i32
    %sign3A = arith.constant 0 : i32
    %sign3A_104 = arith.cmpi sgt, %mul3A_103, %sign3A : i32
    %sign3A_105 = arith.extui %sign3A_104 : i1 to i32
    %sign3A_106 = arith.constant 0 : i32
    %sign3A_107 = arith.cmpi slt, %mul3A_103, %sign3A_106 : i32
    %sign3A_108 = arith.extui %sign3A_107 : i1 to i32
    %sign3A_109 = arith.subi %sign3A_105, %sign3A_108 : i32
    %sign3A_110 = arith.constant 0 : i32
    %sign3A_111 = arith.cmpi sgt, %jit3A, %sign3A_110 : i32
    %sign3A_112 = arith.extui %sign3A_111 : i1 to i32
    %sign3A_113 = arith.constant 0 : i32
    %sign3A_114 = arith.cmpi slt, %jit3A, %sign3A_113 : i32
    %sign3A_115 = arith.extui %sign3A_114 : i1 to i32
    %sign3A_116 = arith.subi %sign3A_112, %sign3A_115 : i32
    %ne3A = arith.cmpi ne, %sign3A_109, %sign3A_116 : i32
    %rem3A = arith.remsi %mul3A_103, %jit3A : i32
    %ne3A_117 = arith.constant 0 : i32
    %ne3A_118 = arith.cmpi ne, %rem3A, %ne3A_117 : i32
    %and3A = arith.andi %ne3A, %ne3A_118 : i1
    %sub3A = arith.constant 1 : i32
    %sub3A_119 = arith.subi %div3A, %sub3A : i32
    %select_n3A = arith.select %and3A, %sub3A_119, %div3A : i32
    %add3A_120 = arith.constant 1 : i32
    %add3A_121 = arith.addi %add3A, %add3A_120 : i32
    %mul3A_122 = arith.muli %add3A_121, %scan3A_101 : i32
    %jit3A_123 = arith.constant 32 : i32
    %div3A_124 = arith.divsi %mul3A_122, %jit3A_123 : i32
    %sign3A_125 = arith.constant 0 : i32
    %sign3A_126 = arith.cmpi sgt, %mul3A_122, %sign3A_125 : i32
    %sign3A_127 = arith.extui %sign3A_126 : i1 to i32
    %sign3A_128 = arith.constant 0 : i32
    %sign3A_129 = arith.cmpi slt, %mul3A_122, %sign3A_128 : i32
    %sign3A_130 = arith.extui %sign3A_129 : i1 to i32
    %sign3A_131 = arith.subi %sign3A_127, %sign3A_130 : i32
    %sign3A_132 = arith.constant 0 : i32
    %sign3A_133 = arith.cmpi sgt, %jit3A_123, %sign3A_132 : i32
    %sign3A_134 = arith.extui %sign3A_133 : i1 to i32
    %sign3A_135 = arith.constant 0 : i32
    %sign3A_136 = arith.cmpi slt, %jit3A_123, %sign3A_135 : i32
    %sign3A_137 = arith.extui %sign3A_136 : i1 to i32
    %sign3A_138 = arith.subi %sign3A_134, %sign3A_137 : i32
    %ne3A_139 = arith.cmpi ne, %sign3A_131, %sign3A_138 : i32
    %rem3A_140 = arith.remsi %mul3A_122, %jit3A_123 : i32
    %ne3A_141 = arith.constant 0 : i32
    %ne3A_142 = arith.cmpi ne, %rem3A_140, %ne3A_141 : i32
    %and3A_143 = arith.andi %ne3A_139, %ne3A_142 : i1
    %sub3A_144 = arith.constant 1 : i32
    %sub3A_145 = arith.subi %div3A_124, %sub3A_144 : i32
    %select_n3A_146 = arith.select %and3A_143, %sub3A_145, %div3A_124 : i32
    %scan3A_147 = arith.constant 0 : i32
    %scan3A_148 = arith.constant 0 : i32
    %scan3A_149 = arith.constant 16 : i32
    %scan3A_150 = arith.addi %scan3A_148, %scan3A_149 : i32
    %scan3A_151 = arith.constant 1 : i32
    %scan3A_152 = scf.for %scan3A_154 = %scan3A_148 to %scan3A_150 step %scan3A_151 iter_args(%scan3A_155 = %scan3A_147) -> (i32)  : i32 {
      %get3A = arith.index_cast %scan3A_154 : i32 to index
      %get3A_156 = tpu.vector_load %arg6[%get3A] {strides = array<i32>} : memref<32xi32, #tpu.memory_space<vmem>>, vector<16xi32>,
      %get3A_157 = vector.shape_cast %get3A_156 : vector<16xi32> to vector<16xi32>
      %slice3A = vector.extract_strided_slice %get3A_157 {offsets = [0], sizes = [1], strides = [1]} : vector<16xi32> to vector<1xi32>
      %squeeze3A = vector.extract %slice3A[0] : i32 from vector<1xi32>
      %sub3A_158 = arith.constant 768 : i32
      %sub3A_159 = arith.subi %squeeze3A, %sub3A_158 : i32
      %max3A = arith.constant 0 : i32
      %max3A_160 = arith.maxsi %sub3A_159, %max3A : i32
      %max3A_161 = arith.maxsi %select_n3A, %scan3A_155 : i32
      %add3A_162 = arith.addi %scan3A_155, %max3A_160 : i32
      %min3A = arith.minsi %select_n3A_146, %add3A_162 : i32
      %sub3A_163 = arith.subi %max3A_161, %scan3A_155 : i32
      %add3A_164 = arith.constant 768 : i32
      %add3A_165 = arith.addi %add3A_164, %sub3A_163 : i32
      %sub3A_166 = arith.subi %min3A, %scan3A_155 : i32
      %add3A_167 = arith.constant 768 : i32
      %add3A_168 = arith.addi %add3A_167, %sub3A_166 : i32
      %sub3A_169 = arith.subi %add3A_168, %add3A_165 : i32
      %add3A_170 = arith.constant 31 : i32
      %add3A_171 = arith.addi %sub3A_169, %add3A_170 : i32
      %jit3A_172 = arith.constant 32 : i32
      %div3A_173 = arith.divsi %add3A_171, %jit3A_172 : i32
      %sign3A_174 = arith.constant 0 : i32
      %sign3A_175 = arith.cmpi sgt, %add3A_171, %sign3A_174 : i32
      %sign3A_176 = arith.extui %sign3A_175 : i1 to i32
      %sign3A_177 = arith.constant 0 : i32
      %sign3A_178 = arith.cmpi slt, %add3A_171, %sign3A_177 : i32
      %sign3A_179 = arith.extui %sign3A_178 : i1 to i32
      %sign3A_180 = arith.subi %sign3A_176, %sign3A_179 : i32
      %sign3A_181 = arith.constant 0 : i32
      %sign3A_182 = arith.cmpi sgt, %jit3A_172, %sign3A_181 : i32
      %sign3A_183 = arith.extui %sign3A_182 : i1 to i32
      %sign3A_184 = arith.constant 0 : i32
      %sign3A_185 = arith.cmpi slt, %jit3A_172, %sign3A_184 : i32
      %sign3A_186 = arith.extui %sign3A_185 : i1 to i32
      %sign3A_187 = arith.subi %sign3A_183, %sign3A_186 : i32
      %ne3A_188 = arith.cmpi ne, %sign3A_180, %sign3A_187 : i32
      %rem3A_189 = arith.remsi %add3A_171, %jit3A_172 : i32
      %ne3A_190 = arith.constant 0 : i32
      %ne3A_191 = arith.cmpi ne, %rem3A_189, %ne3A_190 : i32
      %and3A_192 = arith.andi %ne3A_188, %ne3A_191 : i1
      %sub3A_193 = arith.constant 1 : i32
      %sub3A_194 = arith.subi %div3A_173, %sub3A_193 : i32
      %select_n3A_195 = arith.select %and3A_192, %sub3A_194, %div3A_173 : i32
      %gt3A = arith.constant 0 : i32
      %gt3A_196 = arith.cmpi sgt, %select_n3A_195, %gt3A : i32
      %convert_element_type3A = arith.extui %gt3A_196 : i1 to i32
      %cond3A = arith.constant 0 : i32
      %cond3A_197 = arith.cmpi ne, %convert_element_type3A, %cond3A : i32
      scf.if %cond3A_197 {
        %mul3A_226 = arith.constant 0 : i32
        %mul3A_227 = arith.constant 32 : i32
        %mul3A_228 = arith.muli %mul3A_226, %mul3A_227 : i32
        %add3A_229 = arith.addi %add3A_165, %mul3A_228 : i32
        %min3A_230 = arith.constant 2016 : i32
        %min3A_231 = arith.minsi %add3A_229, %min3A_230 : i32
        %mul3A_232 = arith.constant 0 : i32
        %mul3A_233 = arith.constant 32 : i32
        %mul3A_234 = arith.muli %mul3A_232, %mul3A_233 : i32
        %dma_start3A = arith.constant 0 : i32
        %dma_start3A_235 = arith.constant 0 : i32
        %dma_start3A_236 = arith.constant 0 : i32
        %dma_start3A_237 = tpu.memref_slice %arg7[%mul3A_234, %dma_start3A_235, %dma_start3A_236] : memref<96x1x512xf32, #tpu.memory_space<vmem>> -> memref<32x1x512xf32, #tpu.memory_space<vmem>>
        %dma_start3A_238 = arith.constant 0 : i32
        %dma_start3A_239 = tpu.memref_slice %arg2[%min3A_231, %scan3A_154, %dma_start3A_238] : memref<2048x16x512xf32, #tpu.memory_space<hbm>> -> memref<32x1x512xf32, #tpu.memory_space<hbm>>
        %dma_start3A_240 = tpu.memref_slice %arg10[%dma_start3A] : memref<3x!tpu.dma_semaphore, #tpu.memory_space<semaphore_mem>> -> memref<1x!tpu.dma_semaphore, #tpu.memory_space<semaphore_mem>>
        %dma_start3A_241 = tpu.memref_squeeze %dma_start3A_240 : memref<1x!tpu.dma_semaphore, #tpu.memory_space<semaphore_mem>> -> memref<!tpu.dma_semaphore, #tpu.memory_space<semaphore_mem>>
        %dma_start3A_242 = arith.constant 0 : i32
        %dma_start3A_243 = arith.constant 0 : i32
        %dma_start3A_244 = tpu.memref_slice %arg7[%mul3A_234, %dma_start3A_242, %dma_start3A_243] : memref<96x1x512xf32, #tpu.memory_space<vmem>> -> memref<32x1x512xf32, #tpu.memory_space<vmem>>
        %dma_start3A_245 = arith.constant 0 : i32
        %dma_start3A_246 = tpu.memref_slice %arg2[%min3A_231, %scan3A_154, %dma_start3A_245] : memref<2048x16x512xf32, #tpu.memory_space<hbm>> -> memref<32x1x512xf32, #tpu.memory_space<hbm>>
        tpu.enqueue_dma source(%dma_start3A_246 : memref<32x1x512xf32, #tpu.memory_space<hbm>>) target(%dma_start3A_244 : memref<32x1x512xf32, #tpu.memory_space<vmem>>) target_semaphore(%dma_start3A_241 : memref<!tpu.dma_semaphore, #tpu.memory_space<semaphore_mem>>)
        %mul3A_247 = arith.constant 0 : i32
        %mul3A_248 = arith.constant 32 : i32
        %mul3A_249 = arith.muli %mul3A_247, %mul3A_248 : i32
        %dma_start3A_250 = arith.constant 0 : i32
        %dma_start3A_251 = arith.constant 0 : i32
        %dma_start3A_252 = arith.constant 0 : i32
        %dma_start3A_253 = tpu.memref_slice %arg8[%mul3A_249, %dma_start3A_251, %dma_start3A_252] : memref<96x1x512xf32, #tpu.memory_space<vmem>> -> memref<32x1x512xf32, #tpu.memory_space<vmem>>
        %dma_start3A_254 = arith.constant 0 : i32
        %dma_start3A_255 = tpu.memref_slice %arg3[%min3A_231, %scan3A_154, %dma_start3A_254] : memref<2048x16x512xf32, #tpu.memory_space<hbm>> -> memref<32x1x512xf32, #tpu.memory_space<hbm>>
        %dma_start3A_256 = tpu.memref_slice %arg11[%dma_start3A_250] : memref<3x!tpu.dma_semaphore, #tpu.memory_space<semaphore_mem>> -> memref<1x!tpu.dma_semaphore, #tpu.memory_space<semaphore_mem>>
        %dma_start3A_257 = tpu.memref_squeeze %dma_start3A_256 : memref<1x!tpu.dma_semaphore, #tpu.memory_space<semaphore_mem>> -> memref<!tpu.dma_semaphore, #tpu.memory_space<semaphore_mem>>
        %dma_start3A_258 = arith.constant 0 : i32
        %dma_start3A_259 = arith.constant 0 : i32
        %dma_start3A_260 = tpu.memref_slice %arg8[%mul3A_249, %dma_start3A_258, %dma_start3A_259] : memref<96x1x512xf32, #tpu.memory_space<vmem>> -> memref<32x1x512xf32, #tpu.memory_space<vmem>>
        %dma_start3A_261 = arith.constant 0 : i32
        %dma_start3A_262 = tpu.memref_slice %arg3[%min3A_231, %scan3A_154, %dma_start3A_261] : memref<2048x16x512xf32, #tpu.memory_space<hbm>> -> memref<32x1x512xf32, #tpu.memory_space<hbm>>
        tpu.enqueue_dma source(%dma_start3A_262 : memref<32x1x512xf32, #tpu.memory_space<hbm>>) target(%dma_start3A_260 : memref<32x1x512xf32, #tpu.memory_space<vmem>>) target_semaphore(%dma_start3A_257 : memref<!tpu.dma_semaphore, #tpu.memory_space<semaphore_mem>>)
      } else {
      }
      %gt3A_198 = arith.constant 1 : i32
      %gt3A_199 = arith.cmpi sgt, %select_n3A_195, %gt3A_198 : i32
      %convert_element_type3A_200 = arith.extui %gt3A_199 : i1 to i32
      %cond3A_201 = arith.constant 0 : i32
      %cond3A_202 = arith.cmpi ne, %convert_element_type3A_200, %cond3A_201 : i32
      scf.if %cond3A_202 {
        %mul3A_226 = arith.constant 1 : i32
        %mul3A_227 = arith.constant 32 : i32
        %mul3A_228 = arith.muli %mul3A_226, %mul3A_227 : i32
        %add3A_229 = arith.addi %add3A_165, %mul3A_228 : i32
        %min3A_230 = arith.constant 2016 : i32
        %min3A_231 = arith.minsi %add3A_229, %min3A_230 : i32
        %mul3A_232 = arith.constant 1 : i32
        %mul3A_233 = arith.constant 32 : i32
        %mul3A_234 = arith.muli %mul3A_232, %mul3A_233 : i32
        %dma_start3A = arith.constant 1 : i32
        %dma_start3A_235 = arith.constant 0 : i32
        %dma_start3A_236 = arith.constant 0 : i32
        %dma_start3A_237 = tpu.memref_slice %arg7[%mul3A_234, %dma_start3A_235, %dma_start3A_236] : memref<96x1x512xf32, #tpu.memory_space<vmem>> -> memref<32x1x512xf32, #tpu.memory_space<vmem>>
        %dma_start3A_238 = arith.constant 0 : i32
        %dma_start3A_239 = tpu.memref_slice %arg2[%min3A_231, %scan3A_154, %dma_start3A_238] : memref<2048x16x512xf32, #tpu.memory_space<hbm>> -> memref<32x1x512xf32, #tpu.memory_space<hbm>>
        %dma_start3A_240 = tpu.memref_slice %arg10[%dma_start3A] : memref<3x!tpu.dma_semaphore, #tpu.memory_space<semaphore_mem>> -> memref<1x!tpu.dma_semaphore, #tpu.memory_space<semaphore_mem>>
        %dma_start3A_241 = tpu.memref_squeeze %dma_start3A_240 : memref<1x!tpu.dma_semaphore, #tpu.memory_space<semaphore_mem>> -> memref<!tpu.dma_semaphore, #tpu.memory_space<semaphore_mem>>
        %dma_start3A_242 = arith.constant 0 : i32
        %dma_start3A_243 = arith.constant 0 : i32
        %dma_start3A_244 = tpu.memref_slice %arg7[%mul3A_234, %dma_start3A_242, %dma_start3A_243] : memref<96x1x512xf32, #tpu.memory_space<vmem>> -> memref<32x1x512xf32, #tpu.memory_space<vmem>>
        %dma_start3A_245 = arith.constant 0 : i32
        %dma_start3A_246 = tpu.memref_slice %arg2[%min3A_231, %scan3A_154, %dma_start3A_245] : memref<2048x16x512xf32, #tpu.memory_space<hbm>> -> memref<32x1x512xf32, #tpu.memory_space<hbm>>
        tpu.enqueue_dma source(%dma_start3A_246 : memref<32x1x512xf32, #tpu.memory_space<hbm>>) target(%dma_start3A_244 : memref<32x1x512xf32, #tpu.memory_space<vmem>>) target_semaphore(%dma_start3A_241 : memref<!tpu.dma_semaphore, #tpu.memory_space<semaphore_mem>>)
        %mul3A_247 = arith.constant 1 : i32
        %mul3A_248 = arith.constant 32 : i32
        %mul3A_249 = arith.muli %mul3A_247, %mul3A_248 : i32
        %dma_start3A_250 = arith.constant 1 : i32
        %dma_start3A_251 = arith.constant 0 : i32
        %dma_start3A_252 = arith.constant 0 : i32
        %dma_start3A_253 = tpu.memref_slice %arg8[%mul3A_249, %dma_start3A_251, %dma_start3A_252] : memref<96x1x512xf32, #tpu.memory_space<vmem>> -> memref<32x1x512xf32, #tpu.memory_space<vmem>>
        %dma_start3A_254 = arith.constant 0 : i32
        %dma_start3A_255 = tpu.memref_slice %arg3[%min3A_231, %scan3A_154, %dma_start3A_254] : memref<2048x16x512xf32, #tpu.memory_space<hbm>> -> memref<32x1x512xf32, #tpu.memory_space<hbm>>
        %dma_start3A_256 = tpu.memref_slice %arg11[%dma_start3A_250] : memref<3x!tpu.dma_semaphore, #tpu.memory_space<semaphore_mem>> -> memref<1x!tpu.dma_semaphore, #tpu.memory_space<semaphore_mem>>
        %dma_start3A_257 = tpu.memref_squeeze %dma_start3A_256 : memref<1x!tpu.dma_semaphore, #tpu.memory_space<semaphore_mem>> -> memref<!tpu.dma_semaphore, #tpu.memory_space<semaphore_mem>>
        %dma_start3A_258 = arith.constant 0 : i32
        %dma_start3A_259 = arith.constant 0 : i32
        %dma_start3A_260 = tpu.memref_slice %arg8[%mul3A_249, %dma_start3A_258, %dma_start3A_259] : memref<96x1x512xf32, #tpu.memory_space<vmem>> -> memref<32x1x512xf32, #tpu.memory_space<vmem>>
        %dma_start3A_261 = arith.constant 0 : i32
        %dma_start3A_262 = tpu.memref_slice %arg3[%min3A_231, %scan3A_154, %dma_start3A_261] : memref<2048x16x512xf32, #tpu.memory_space<hbm>> -> memref<32x1x512xf32, #tpu.memory_space<hbm>>
        tpu.enqueue_dma source(%dma_start3A_262 : memref<32x1x512xf32, #tpu.memory_space<hbm>>) target(%dma_start3A_260 : memref<32x1x512xf32, #tpu.memory_space<vmem>>) target_semaphore(%dma_start3A_257 : memref<!tpu.dma_semaphore, #tpu.memory_space<semaphore_mem>>)
      } else {
      }
      %broadcast_in_dim3A_203 = arith.constant 0.000000e+00 : f32
      %broadcast_in_dim3A_204 = vector.broadcast %broadcast_in_dim3A_203 : f32 to vector<16xf32>
      %while3A = arith.constant 0 : i32
      %while3A_205 = arith.subi %select_n3A_195, %while3A : i32
      %while3A_206 = arith.addi %while3A, %while3A_205 : i32
      %while3A_207 = arith.constant 1 : i32
      %while3A_208 = arith.divsi %while3A_205, %while3A_207 : i32
      %while3A_209 = arith.muli %while3A_208, %while3A_207 : i32
      %while3A_210 = arith.addi %while3A, %while3A_209 : i32
      %while3A_211 = arith.constant 1 : i32
      %while3A_212 = scf.for %while3A_226 = %while3A to %while3A_210 step %while3A_211 iter_args(%while3A_227 = %broadcast_in_dim3A_204) -> (vector<16xf32>)  : i32 {
        %rem3A_228 = arith.constant 3 : i32
        %rem3A_229 = arith.remsi %while3A_226, %rem3A_228 : i32
        %add3A_230 = arith.constant 2 : i32
        %add3A_231 = arith.addi %while3A_226, %add3A_230 : i32
        %lt3A = arith.cmpi slt, %add3A_231, %select_n3A_195 : i32
        %convert_element_type3A_232 = arith.extui %lt3A : i1 to i32
        %cond3A_233 = arith.constant 0 : i32
        %cond3A_234 = arith.cmpi ne, %convert_element_type3A_232, %cond3A_233 : i32
        scf.if %cond3A_234 {
          %add3A_290 = arith.constant 2 : i32
          %add3A_291 = arith.addi %while3A_226, %add3A_290 : i32
          %add3A_292 = arith.constant 2 : i32
          %add3A_293 = arith.addi %while3A_226, %add3A_292 : i32
          %rem3A_294 = arith.constant 3 : i32
          %rem3A_295 = arith.remsi %add3A_293, %rem3A_294 : i32
          %mul3A_296 = arith.constant 32 : i32
          %mul3A_297 = arith.muli %add3A_291, %mul3A_296 : i32
          %add3A_298 = arith.addi %add3A_165, %mul3A_297 : i32
          %min3A_299 = arith.constant 2016 : i32
          %min3A_300 = arith.minsi %add3A_298, %min3A_299 : i32
          %mul3A_301 = arith.constant 32 : i32
          %mul3A_302 = arith.muli %rem3A_295, %mul3A_301 : i32
          %dma_start3A = arith.constant 0 : i32
          %dma_start3A_303 = arith.constant 0 : i32
          %dma_start3A_304 = tpu.memref_slice %arg7[%mul3A_302, %dma_start3A, %dma_start3A_303] : memref<96x1x512xf32, #tpu.memory_space<vmem>> -> memref<32x1x512xf32, #tpu.memory_space<vmem>>
          %dma_start3A_305 = arith.constant 0 : i32
          %dma_start3A_306 = tpu.memref_slice %arg2[%min3A_300, %scan3A_154, %dma_start3A_305] : memref<2048x16x512xf32, #tpu.memory_space<hbm>> -> memref<32x1x512xf32, #tpu.memory_space<hbm>>
          %dma_start3A_307 = tpu.memref_slice %arg10[%rem3A_295] : memref<3x!tpu.dma_semaphore, #tpu.memory_space<semaphore_mem>> -> memref<1x!tpu.dma_semaphore, #tpu.memory_space<semaphore_mem>>
          %dma_start3A_308 = tpu.memref_squeeze %dma_start3A_307 : memref<1x!tpu.dma_semaphore, #tpu.memory_space<semaphore_mem>> -> memref<!tpu.dma_semaphore, #tpu.memory_space<semaphore_mem>>
          %dma_start3A_309 = arith.constant 0 : i32
          %dma_start3A_310 = arith.constant 0 : i32
          %dma_start3A_311 = tpu.memref_slice %arg7[%mul3A_302, %dma_start3A_309, %dma_start3A_310] : memref<96x1x512xf32, #tpu.memory_space<vmem>> -> memref<32x1x512xf32, #tpu.memory_space<vmem>>
          %dma_start3A_312 = arith.constant 0 : i32
          %dma_start3A_313 = tpu.memref_slice %arg2[%min3A_300, %scan3A_154, %dma_start3A_312] : memref<2048x16x512xf32, #tpu.memory_space<hbm>> -> memref<32x1x512xf32, #tpu.memory_space<hbm>>
          tpu.enqueue_dma source(%dma_start3A_313 : memref<32x1x512xf32, #tpu.memory_space<hbm>>) target(%dma_start3A_311 : memref<32x1x512xf32, #tpu.memory_space<vmem>>) target_semaphore(%dma_start3A_308 : memref<!tpu.dma_semaphore, #tpu.memory_space<semaphore_mem>>)
          %mul3A_314 = arith.constant 32 : i32
          %mul3A_315 = arith.muli %rem3A_295, %mul3A_314 : i32
          %dma_start3A_316 = arith.constant 0 : i32
          %dma_start3A_317 = arith.constant 0 : i32
          %dma_start3A_318 = tpu.memref_slice %arg8[%mul3A_315, %dma_start3A_316, %dma_start3A_317] : memref<96x1x512xf32, #tpu.memory_space<vmem>> -> memref<32x1x512xf32, #tpu.memory_space<vmem>>
          %dma_start3A_319 = arith.constant 0 : i32
          %dma_start3A_320 = tpu.memref_slice %arg3[%min3A_300, %scan3A_154, %dma_start3A_319] : memref<2048x16x512xf32, #tpu.memory_space<hbm>> -> memref<32x1x512xf32, #tpu.memory_space<hbm>>
          %dma_start3A_321 = tpu.memref_slice %arg11[%rem3A_295] : memref<3x!tpu.dma_semaphore, #tpu.memory_space<semaphore_mem>> -> memref<1x!tpu.dma_semaphore, #tpu.memory_space<semaphore_mem>>
          %dma_start3A_322 = tpu.memref_squeeze %dma_start3A_321 : memref<1x!tpu.dma_semaphore, #tpu.memory_space<semaphore_mem>> -> memref<!tpu.dma_semaphore, #tpu.memory_space<semaphore_mem>>
          %dma_start3A_323 = arith.constant 0 : i32
          %dma_start3A_324 = arith.constant 0 : i32
          %dma_start3A_325 = tpu.memref_slice %arg8[%mul3A_315, %dma_start3A_323, %dma_start3A_324] : memref<96x1x512xf32, #tpu.memory_space<vmem>> -> memref<32x1x512xf32, #tpu.memory_space<vmem>>
          %dma_start3A_326 = arith.constant 0 : i32
          %dma_start3A_327 = tpu.memref_slice %arg3[%min3A_300, %scan3A_154, %dma_start3A_326] : memref<2048x16x512xf32, #tpu.memory_space<hbm>> -> memref<32x1x512xf32, #tpu.memory_space<hbm>>
          tpu.enqueue_dma source(%dma_start3A_327 : memref<32x1x512xf32, #tpu.memory_space<hbm>>) target(%dma_start3A_325 : memref<32x1x512xf32, #tpu.memory_space<vmem>>) target_semaphore(%dma_start3A_322 : memref<!tpu.dma_semaphore, #tpu.memory_space<semaphore_mem>>)
        } else {
        }
        %mul3A_235 = arith.constant 32 : i32
        %mul3A_236 = arith.muli %rem3A_229, %mul3A_235 : i32
        %dma_wait3A = arith.constant 0 : i32
        %dma_wait3A_237 = arith.constant 0 : i32
        %dma_wait3A_238 = tpu.memref_slice %arg7[%mul3A_236, %dma_wait3A, %dma_wait3A_237] : memref<96x1x512xf32, #tpu.memory_space<vmem>> -> memref<32x1x512xf32, #tpu.memory_space<vmem>>
        %dma_wait3A_239 = arith.constant 0 : i32
        %dma_wait3A_240 = arith.constant 0 : i32
        %dma_wait3A_241 = tpu.memref_slice %arg2[%dma_wait3A_239, %scan3A_154, %dma_wait3A_240] : memref<2048x16x512xf32, #tpu.memory_space<hbm>> -> memref<32x1x512xf32, #tpu.memory_space<hbm>>
        %dma_wait3A_242 = tpu.memref_slice %arg10[%rem3A_229] : memref<3x!tpu.dma_semaphore, #tpu.memory_space<semaphore_mem>> -> memref<1x!tpu.dma_semaphore, #tpu.memory_space<semaphore_mem>>
        %dma_wait3A_243 = tpu.memref_squeeze %dma_wait3A_242 : memref<1x!tpu.dma_semaphore, #tpu.memory_space<semaphore_mem>> -> memref<!tpu.dma_semaphore, #tpu.memory_space<semaphore_mem>>
        %dma_wait3A_244 = arith.constant 0 : i32
        %dma_wait3A_245 = arith.constant 0 : i32
        %dma_wait3A_246 = tpu.memref_slice %arg7[%mul3A_236, %dma_wait3A_244, %dma_wait3A_245] : memref<96x1x512xf32, #tpu.memory_space<vmem>> -> memref<32x1x512xf32, #tpu.memory_space<vmem>>
        %dma_wait3A_247 = arith.constant 0 : i32
        %dma_wait3A_248 = arith.constant 0 : i32
        %dma_wait3A_249 = tpu.memref_slice %arg2[%dma_wait3A_247, %scan3A_154, %dma_wait3A_248] : memref<2048x16x512xf32, #tpu.memory_space<hbm>> -> memref<32x1x512xf32, #tpu.memory_space<hbm>>
        tpu.wait_dma2 semaphore(%dma_wait3A_243 : memref<!tpu.dma_semaphore, #tpu.memory_space<semaphore_mem>>) src(%dma_wait3A_249 : memref<32x1x512xf32, #tpu.memory_space<hbm>>) dst(%dma_wait3A_246 : memref<32x1x512xf32, #tpu.memory_space<vmem>>)
        %mul3A_250 = arith.constant 32 : i32
        %mul3A_251 = arith.muli %rem3A_229, %mul3A_250 : i32
        %dma_wait3A_252 = arith.constant 0 : i32
        %dma_wait3A_253 = arith.constant 0 : i32
        %dma_wait3A_254 = tpu.memref_slice %arg8[%mul3A_251, %dma_wait3A_252, %dma_wait3A_253] : memref<96x1x512xf32, #tpu.memory_space<vmem>> -> memref<32x1x512xf32, #tpu.memory_space<vmem>>
        %dma_wait3A_255 = arith.constant 0 : i32
        %dma_wait3A_256 = arith.constant 0 : i32
        %dma_wait3A_257 = tpu.memref_slice %arg3[%dma_wait3A_255, %scan3A_154, %dma_wait3A_256] : memref<2048x16x512xf32, #tpu.memory_space<hbm>> -> memref<32x1x512xf32, #tpu.memory_space<hbm>>
        %dma_wait3A_258 = tpu.memref_slice %arg11[%rem3A_229] : memref<3x!tpu.dma_semaphore, #tpu.memory_space<semaphore_mem>> -> memref<1x!tpu.dma_semaphore, #tpu.memory_space<semaphore_mem>>
        %dma_wait3A_259 = tpu.memref_squeeze %dma_wait3A_258 : memref<1x!tpu.dma_semaphore, #tpu.memory_space<semaphore_mem>> -> memref<!tpu.dma_semaphore, #tpu.memory_space<semaphore_mem>>
        %dma_wait3A_260 = arith.constant 0 : i32
        %dma_wait3A_261 = arith.constant 0 : i32
        %dma_wait3A_262 = tpu.memref_slice %arg8[%mul3A_251, %dma_wait3A_260, %dma_wait3A_261] : memref<96x1x512xf32, #tpu.memory_space<vmem>> -> memref<32x1x512xf32, #tpu.memory_space<vmem>>
        %dma_wait3A_263 = arith.constant 0 : i32
        %dma_wait3A_264 = arith.constant 0 : i32
        %dma_wait3A_265 = tpu.memref_slice %arg3[%dma_wait3A_263, %scan3A_154, %dma_wait3A_264] : memref<2048x16x512xf32, #tpu.memory_space<hbm>> -> memref<32x1x512xf32, #tpu.memory_space<hbm>>
        tpu.wait_dma2 semaphore(%dma_wait3A_259 : memref<!tpu.dma_semaphore, #tpu.memory_space<semaphore_mem>>) src(%dma_wait3A_265 : memref<32x1x512xf32, #tpu.memory_space<hbm>>) dst(%dma_wait3A_262 : memref<32x1x512xf32, #tpu.memory_space<vmem>>)
        %mul3A_266 = arith.constant 32 : i32
        %mul3A_267 = arith.muli %while3A_226, %mul3A_266 : i32
        %add3A_268 = arith.addi %add3A_165, %mul3A_267 : i32
        %min3A_269 = arith.constant 2016 : i32
        %min3A_270 = arith.minsi %add3A_268, %min3A_269 : i32
        %mul3A_271 = arith.constant 32 : i32
        %mul3A_272 = arith.muli %rem3A_229, %mul3A_271 : i32
        %sub3A_273 = arith.subi %add3A_268, %min3A_270 : i32
        %add3A_274 = arith.addi %mul3A_272, %sub3A_273 : i32
        %add3A_275 = arith.constant 32 : i32
        %add3A_276 = arith.addi %add3A_268, %add3A_275 : i32
        %min3A_277 = arith.minsi %add3A_168, %add3A_276 : i32
        %sub3A_278 = arith.subi %min3A_277, %min3A_270 : i32
        %add3A_279 = arith.addi %mul3A_272, %sub3A_278 : i32
        %while3A_280 = arith.subi %add3A_279, %add3A_274 : i32
        %while3A_281 = arith.addi %add3A_274, %while3A_280 : i32
        %while3A_282 = arith.constant 1 : i32
        %while3A_283 = arith.divsi %while3A_280, %while3A_282 : i32
        %while3A_284 = arith.muli %while3A_283, %while3A_282 : i32
        %while3A_285 = arith.addi %add3A_274, %while3A_284 : i32
        %while3A_286 = arith.constant 1 : i32
        %while3A_287 = scf.for %while3A_290 = %add3A_274 to %while3A_285 step %while3A_286 iter_args(%while3A_291 = %while3A_227) -> (vector<16xf32>)  : i32 {
          %get3A_292 = arith.constant 0 : i32
          %get3A_293 = arith.index_cast %while3A_290 : i32 to index
          %get3A_294 = arith.index_cast %get3A_292 : i32 to index
          %get3A_295 = arith.constant 0 : index
          %get3A_296 = tpu.vector_load %arg7[%get3A_293, %get3A_294, %get3A_295] {strides = array<i32>} : memref<96x1x512xf32, #tpu.memory_space<vmem>>, vector<1x1x16xf32>,
          %get3A_297 = vector.shape_cast %get3A_296 : vector<1x1x16xf32> to vector<16xf32>
          %get3A_298 = arith.constant 0 : i32
          %get3A_299 = arith.index_cast %while3A_290 : i32 to index
          %get3A_300 = arith.index_cast %get3A_298 : i32 to index
          %get3A_301 = arith.constant 0 : index
          %get3A_302 = tpu.vector_load %arg8[%get3A_299, %get3A_300, %get3A_301] {strides = array<i32>} : memref<96x1x512xf32, #tpu.memory_space<vmem>>, vector<1x1x16xf32>,
          %get3A_303 = vector.shape_cast %get3A_302 : vector<1x1x16xf32> to vector<16xf32>
          %sub3A_304 = arith.subf %get3A_303, %get3A_297 : vector<16xf32>
          %mul3A_305 = arith.mulf %sub3A_304, %sub3A_304 : vector<16xf32>
          %add3A_306 = arith.addf %while3A_291, %mul3A_305 : vector<16xf32>
          %get3A_307 = arith.constant 0 : i32
          %get3A_308 = arith.index_cast %while3A_290 : i32 to index
          %get3A_309 = arith.index_cast %get3A_307 : i32 to index
          %get3A_310 = arith.constant 16 : index
          %get3A_311 = tpu.vector_load %arg7[%get3A_308, %get3A_309, %get3A_310] {strides = array<i32>} : memref<96x1x512xf32, #tpu.memory_space<vmem>>, vector<1x1x16xf32>,
          %get3A_312 = vector.shape_cast %get3A_311 : vector<1x1x16xf32> to vector<16xf32>
          %get3A_313 = arith.constant 0 : i32
          %get3A_314 = arith.index_cast %while3A_290 : i32 to index
          %get3A_315 = arith.index_cast %get3A_313 : i32 to index
          %get3A_316 = arith.constant 16 : index
          %get3A_317 = tpu.vector_load %arg8[%get3A_314, %get3A_315, %get3A_316] {strides = array<i32>} : memref<96x1x512xf32, #tpu.memory_space<vmem>>, vector<1x1x16xf32>,
          %get3A_318 = vector.shape_cast %get3A_317 : vector<1x1x16xf32> to vector<16xf32>
          %sub3A_319 = arith.subf %get3A_318, %get3A_312 : vector<16xf32>
          %mul3A_320 = arith.mulf %sub3A_319, %sub3A_319 : vector<16xf32>
          %add3A_321 = arith.addf %add3A_306, %mul3A_320 : vector<16xf32>
          %get3A_322 = arith.constant 0 : i32
          %get3A_323 = arith.index_cast %while3A_290 : i32 to index
          %get3A_324 = arith.index_cast %get3A_322 : i32 to index
          %get3A_325 = arith.constant 32 : index
          %get3A_326 = tpu.vector_load %arg7[%get3A_323, %get3A_324, %get3A_325] {strides = array<i32>} : memref<96x1x512xf32, #tpu.memory_space<vmem>>, vector<1x1x16xf32>,
          %get3A_327 = vector.shape_cast %get3A_326 : vector<1x1x16xf32> to vector<16xf32>
          %get3A_328 = arith.constant 0 : i32
          %get3A_329 = arith.index_cast %while3A_290 : i32 to index
          %get3A_330 = arith.index_cast %get3A_328 : i32 to index
          %get3A_331 = arith.constant 32 : index
          %get3A_332 = tpu.vector_load %arg8[%get3A_329, %get3A_330, %get3A_331] {strides = array<i32>} : memref<96x1x512xf32, #tpu.memory_space<vmem>>, vector<1x1x16xf32>,
          %get3A_333 = vector.shape_cast %get3A_332 : vector<1x1x16xf32> to vector<16xf32>
          %sub3A_334 = arith.subf %get3A_333, %get3A_327 : vector<16xf32>
          %mul3A_335 = arith.mulf %sub3A_334, %sub3A_334 : vector<16xf32>
          %add3A_336 = arith.addf %add3A_321, %mul3A_335 : vector<16xf32>
          %get3A_337 = arith.constant 0 : i32
          %get3A_338 = arith.index_cast %while3A_290 : i32 to index
          %get3A_339 = arith.index_cast %get3A_337 : i32 to index
          %get3A_340 = arith.constant 48 : index
          %get3A_341 = tpu.vector_load %arg7[%get3A_338, %get3A_339, %get3A_340] {strides = array<i32>} : memref<96x1x512xf32, #tpu.memory_space<vmem>>, vector<1x1x16xf32>,
          %get3A_342 = vector.shape_cast %get3A_341 : vector<1x1x16xf32> to vector<16xf32>
          %get3A_343 = arith.constant 0 : i32
          %get3A_344 = arith.index_cast %while3A_290 : i32 to index
          %get3A_345 = arith.index_cast %get3A_343 : i32 to index
          %get3A_346 = arith.constant 48 : index
          %get3A_347 = tpu.vector_load %arg8[%get3A_344, %get3A_345, %get3A_346] {strides = array<i32>} : memref<96x1x512xf32, #tpu.memory_space<vmem>>, vector<1x1x16xf32>,
          %get3A_348 = vector.shape_cast %get3A_347 : vector<1x1x16xf32> to vector<16xf32>
          %sub3A_349 = arith.subf %get3A_348, %get3A_342 : vector<16xf32>
          %mul3A_350 = arith.mulf %sub3A_349, %sub3A_349 : vector<16xf32>
          %add3A_351 = arith.addf %add3A_336, %mul3A_350 : vector<16xf32>
          %get3A_352 = arith.constant 0 : i32
          %get3A_353 = arith.index_cast %while3A_290 : i32 to index
          %get3A_354 = arith.index_cast %get3A_352 : i32 to index
          %get3A_355 = arith.constant 64 : index
          %get3A_356 = tpu.vector_load %arg7[%get3A_353, %get3A_354, %get3A_355] {strides = array<i32>} : memref<96x1x512xf32, #tpu.memory_space<vmem>>, vector<1x1x16xf32>,
          %get3A_357 = vector.shape_cast %get3A_356 : vector<1x1x16xf32> to vector<16xf32>
          %get3A_358 = arith.constant 0 : i32
          %get3A_359 = arith.index_cast %while3A_290 : i32 to index
          %get3A_360 = arith.index_cast %get3A_358 : i32 to index
          %get3A_361 = arith.constant 64 : index
          %get3A_362 = tpu.vector_load %arg8[%get3A_359, %get3A_360, %get3A_361] {strides = array<i32>} : memref<96x1x512xf32, #tpu.memory_space<vmem>>, vector<1x1x16xf32>,
          %get3A_363 = vector.shape_cast %get3A_362 : vector<1x1x16xf32> to vector<16xf32>
          %sub3A_364 = arith.subf %get3A_363, %get3A_357 : vector<16xf32>
          %mul3A_365 = arith.mulf %sub3A_364, %sub3A_364 : vector<16xf32>
          %add3A_366 = arith.addf %add3A_351, %mul3A_365 : vector<16xf32>
          %get3A_367 = arith.constant 0 : i32
          %get3A_368 = arith.index_cast %while3A_290 : i32 to index
          %get3A_369 = arith.index_cast %get3A_367 : i32 to index
          %get3A_370 = arith.constant 80 : index
          %get3A_371 = tpu.vector_load %arg7[%get3A_368, %get3A_369, %get3A_370] {strides = array<i32>} : memref<96x1x512xf32, #tpu.memory_space<vmem>>, vector<1x1x16xf32>,
          %get3A_372 = vector.shape_cast %get3A_371 : vector<1x1x16xf32> to vector<16xf32>
          %get3A_373 = arith.constant 0 : i32
          %get3A_374 = arith.index_cast %while3A_290 : i32 to index
          %get3A_375 = arith.index_cast %get3A_373 : i32 to index
          %get3A_376 = arith.constant 80 : index
          %get3A_377 = tpu.vector_load %arg8[%get3A_374, %get3A_375, %get3A_376] {strides = array<i32>} : memref<96x1x512xf32, #tpu.memory_space<vmem>>, vector<1x1x16xf32>,
          %get3A_378 = vector.shape_cast %get3A_377 : vector<1x1x16xf32> to vector<16xf32>
          %sub3A_379 = arith.subf %get3A_378, %get3A_372 : vector<16xf32>
          %mul3A_380 = arith.mulf %sub3A_379, %sub3A_379 : vector<16xf32>
          %add3A_381 = arith.addf %add3A_366, %mul3A_380 : vector<16xf32>
          %get3A_382 = arith.constant 0 : i32
          %get3A_383 = arith.index_cast %while3A_290 : i32 to index
          %get3A_384 = arith.index_cast %get3A_382 : i32 to index
          %get3A_385 = arith.constant 96 : index
          %get3A_386 = tpu.vector_load %arg7[%get3A_383, %get3A_384, %get3A_385] {strides = array<i32>} : memref<96x1x512xf32, #tpu.memory_space<vmem>>, vector<1x1x16xf32>,
          %get3A_387 = vector.shape_cast %get3A_386 : vector<1x1x16xf32> to vector<16xf32>
          %get3A_388 = arith.constant 0 : i32
          %get3A_389 = arith.index_cast %while3A_290 : i32 to index
          %get3A_390 = arith.index_cast %get3A_388 : i32 to index
          %get3A_391 = arith.constant 96 : index
          %get3A_392 = tpu.vector_load %arg8[%get3A_389, %get3A_390, %get3A_391] {strides = array<i32>} : memref<96x1x512xf32, #tpu.memory_space<vmem>>, vector<1x1x16xf32>,
          %get3A_393 = vector.shape_cast %get3A_392 : vector<1x1x16xf32> to vector<16xf32>
          %sub3A_394 = arith.subf %get3A_393, %get3A_387 : vector<16xf32>
          %mul3A_395 = arith.mulf %sub3A_394, %sub3A_394 : vector<16xf32>
          %add3A_396 = arith.addf %add3A_381, %mul3A_395 : vector<16xf32>
          %get3A_397 = arith.constant 0 : i32
          %get3A_398 = arith.index_cast %while3A_290 : i32 to index
          %get3A_399 = arith.index_cast %get3A_397 : i32 to index
          %get3A_400 = arith.constant 112 : index
          %get3A_401 = tpu.vector_load %arg7[%get3A_398, %get3A_399, %get3A_400] {strides = array<i32>} : memref<96x1x512xf32, #tpu.memory_space<vmem>>, vector<1x1x16xf32>,
          %get3A_402 = vector.shape_cast %get3A_401 : vector<1x1x16xf32> to vector<16xf32>
          %get3A_403 = arith.constant 0 : i32
          %get3A_404 = arith.index_cast %while3A_290 : i32 to index
          %get3A_405 = arith.index_cast %get3A_403 : i32 to index
          %get3A_406 = arith.constant 112 : index
          %get3A_407 = tpu.vector_load %arg8[%get3A_404, %get3A_405, %get3A_406] {strides = array<i32>} : memref<96x1x512xf32, #tpu.memory_space<vmem>>, vector<1x1x16xf32>,
          %get3A_408 = vector.shape_cast %get3A_407 : vector<1x1x16xf32> to vector<16xf32>
          %sub3A_409 = arith.subf %get3A_408, %get3A_402 : vector<16xf32>
          %mul3A_410 = arith.mulf %sub3A_409, %sub3A_409 : vector<16xf32>
          %add3A_411 = arith.addf %add3A_396, %mul3A_410 : vector<16xf32>
          %get3A_412 = arith.constant 0 : i32
          %get3A_413 = arith.index_cast %while3A_290 : i32 to index
          %get3A_414 = arith.index_cast %get3A_412 : i32 to index
          %get3A_415 = arith.constant 128 : index
          %get3A_416 = tpu.vector_load %arg7[%get3A_413, %get3A_414, %get3A_415] {strides = array<i32>} : memref<96x1x512xf32, #tpu.memory_space<vmem>>, vector<1x1x16xf32>,
          %get3A_417 = vector.shape_cast %get3A_416 : vector<1x1x16xf32> to vector<16xf32>
          %get3A_418 = arith.constant 0 : i32
          %get3A_419 = arith.index_cast %while3A_290 : i32 to index
          %get3A_420 = arith.index_cast %get3A_418 : i32 to index
          %get3A_421 = arith.constant 128 : index
          %get3A_422 = tpu.vector_load %arg8[%get3A_419, %get3A_420, %get3A_421] {strides = array<i32>} : memref<96x1x512xf32, #tpu.memory_space<vmem>>, vector<1x1x16xf32>,
          %get3A_423 = vector.shape_cast %get3A_422 : vector<1x1x16xf32> to vector<16xf32>
          %sub3A_424 = arith.subf %get3A_423, %get3A_417 : vector<16xf32>
          %mul3A_425 = arith.mulf %sub3A_424, %sub3A_424 : vector<16xf32>
          %add3A_426 = arith.addf %add3A_411, %mul3A_425 : vector<16xf32>
          %get3A_427 = arith.constant 0 : i32
          %get3A_428 = arith.index_cast %while3A_290 : i32 to index
          %get3A_429 = arith.index_cast %get3A_427 : i32 to index
          %get3A_430 = arith.constant 144 : index
          %get3A_431 = tpu.vector_load %arg7[%get3A_428, %get3A_429, %get3A_430] {strides = array<i32>} : memref<96x1x512xf32, #tpu.memory_space<vmem>>, vector<1x1x16xf32>,
          %get3A_432 = vector.shape_cast %get3A_431 : vector<1x1x16xf32> to vector<16xf32>
          %get3A_433 = arith.constant 0 : i32
          %get3A_434 = arith.index_cast %while3A_290 : i32 to index
          %get3A_435 = arith.index_cast %get3A_433 : i32 to index
          %get3A_436 = arith.constant 144 : index
          %get3A_437 = tpu.vector_load %arg8[%get3A_434, %get3A_435, %get3A_436] {strides = array<i32>} : memref<96x1x512xf32, #tpu.memory_space<vmem>>, vector<1x1x16xf32>,
          %get3A_438 = vector.shape_cast %get3A_437 : vector<1x1x16xf32> to vector<16xf32>
          %sub3A_439 = arith.subf %get3A_438, %get3A_432 : vector<16xf32>
          %mul3A_440 = arith.mulf %sub3A_439, %sub3A_439 : vector<16xf32>
          %add3A_441 = arith.addf %add3A_426, %mul3A_440 : vector<16xf32>
          %get3A_442 = arith.constant 0 : i32
          %get3A_443 = arith.index_cast %while3A_290 : i32 to index
          %get3A_444 = arith.index_cast %get3A_442 : i32 to index
          %get3A_445 = arith.constant 160 : index
          %get3A_446 = tpu.vector_load %arg7[%get3A_443, %get3A_444, %get3A_445] {strides = array<i32>} : memref<96x1x512xf32, #tpu.memory_space<vmem>>, vector<1x1x16xf32>,
          %get3A_447 = vector.shape_cast %get3A_446 : vector<1x1x16xf32> to vector<16xf32>
          %get3A_448 = arith.constant 0 : i32
          %get3A_449 = arith.index_cast %while3A_290 : i32 to index
          %get3A_450 = arith.index_cast %get3A_448 : i32 to index
          %get3A_451 = arith.constant 160 : index
          %get3A_452 = tpu.vector_load %arg8[%get3A_449, %get3A_450, %get3A_451] {strides = array<i32>} : memref<96x1x512xf32, #tpu.memory_space<vmem>>, vector<1x1x16xf32>,
          %get3A_453 = vector.shape_cast %get3A_452 : vector<1x1x16xf32> to vector<16xf32>
          %sub3A_454 = arith.subf %get3A_453, %get3A_447 : vector<16xf32>
          %mul3A_455 = arith.mulf %sub3A_454, %sub3A_454 : vector<16xf32>
          %add3A_456 = arith.addf %add3A_441, %mul3A_455 : vector<16xf32>
          %get3A_457 = arith.constant 0 : i32
          %get3A_458 = arith.index_cast %while3A_290 : i32 to index
          %get3A_459 = arith.index_cast %get3A_457 : i32 to index
          %get3A_460 = arith.constant 176 : index
          %get3A_461 = tpu.vector_load %arg7[%get3A_458, %get3A_459, %get3A_460] {strides = array<i32>} : memref<96x1x512xf32, #tpu.memory_space<vmem>>, vector<1x1x16xf32>,
          %get3A_462 = vector.shape_cast %get3A_461 : vector<1x1x16xf32> to vector<16xf32>
          %get3A_463 = arith.constant 0 : i32
          %get3A_464 = arith.index_cast %while3A_290 : i32 to index
          %get3A_465 = arith.index_cast %get3A_463 : i32 to index
          %get3A_466 = arith.constant 176 : index
          %get3A_467 = tpu.vector_load %arg8[%get3A_464, %get3A_465, %get3A_466] {strides = array<i32>} : memref<96x1x512xf32, #tpu.memory_space<vmem>>, vector<1x1x16xf32>,
          %get3A_468 = vector.shape_cast %get3A_467 : vector<1x1x16xf32> to vector<16xf32>
          %sub3A_469 = arith.subf %get3A_468, %get3A_462 : vector<16xf32>
          %mul3A_470 = arith.mulf %sub3A_469, %sub3A_469 : vector<16xf32>
          %add3A_471 = arith.addf %add3A_456, %mul3A_470 : vector<16xf32>
          %get3A_472 = arith.constant 0 : i32
          %get3A_473 = arith.index_cast %while3A_290 : i32 to index
          %get3A_474 = arith.index_cast %get3A_472 : i32 to index
          %get3A_475 = arith.constant 192 : index
          %get3A_476 = tpu.vector_load %arg7[%get3A_473, %get3A_474, %get3A_475] {strides = array<i32>} : memref<96x1x512xf32, #tpu.memory_space<vmem>>, vector<1x1x16xf32>,
          %get3A_477 = vector.shape_cast %get3A_476 : vector<1x1x16xf32> to vector<16xf32>
          %get3A_478 = arith.constant 0 : i32
          %get3A_479 = arith.index_cast %while3A_290 : i32 to index
          %get3A_480 = arith.index_cast %get3A_478 : i32 to index
          %get3A_481 = arith.constant 192 : index
          %get3A_482 = tpu.vector_load %arg8[%get3A_479, %get3A_480, %get3A_481] {strides = array<i32>} : memref<96x1x512xf32, #tpu.memory_space<vmem>>, vector<1x1x16xf32>,
          %get3A_483 = vector.shape_cast %get3A_482 : vector<1x1x16xf32> to vector<16xf32>
          %sub3A_484 = arith.subf %get3A_483, %get3A_477 : vector<16xf32>
          %mul3A_485 = arith.mulf %sub3A_484, %sub3A_484 : vector<16xf32>
          %add3A_486 = arith.addf %add3A_471, %mul3A_485 : vector<16xf32>
          %get3A_487 = arith.constant 0 : i32
          %get3A_488 = arith.index_cast %while3A_290 : i32 to index
          %get3A_489 = arith.index_cast %get3A_487 : i32 to index
          %get3A_490 = arith.constant 208 : index
          %get3A_491 = tpu.vector_load %arg7[%get3A_488, %get3A_489, %get3A_490] {strides = array<i32>} : memref<96x1x512xf32, #tpu.memory_space<vmem>>, vector<1x1x16xf32>,
          %get3A_492 = vector.shape_cast %get3A_491 : vector<1x1x16xf32> to vector<16xf32>
          %get3A_493 = arith.constant 0 : i32
          %get3A_494 = arith.index_cast %while3A_290 : i32 to index
          %get3A_495 = arith.index_cast %get3A_493 : i32 to index
          %get3A_496 = arith.constant 208 : index
          %get3A_497 = tpu.vector_load %arg8[%get3A_494, %get3A_495, %get3A_496] {strides = array<i32>} : memref<96x1x512xf32, #tpu.memory_space<vmem>>, vector<1x1x16xf32>,
          %get3A_498 = vector.shape_cast %get3A_497 : vector<1x1x16xf32> to vector<16xf32>
          %sub3A_499 = arith.subf %get3A_498, %get3A_492 : vector<16xf32>
          %mul3A_500 = arith.mulf %sub3A_499, %sub3A_499 : vector<16xf32>
          %add3A_501 = arith.addf %add3A_486, %mul3A_500 : vector<16xf32>
          %get3A_502 = arith.constant 0 : i32
          %get3A_503 = arith.index_cast %while3A_290 : i32 to index
          %get3A_504 = arith.index_cast %get3A_502 : i32 to index
          %get3A_505 = arith.constant 224 : index
          %get3A_506 = tpu.vector_load %arg7[%get3A_503, %get3A_504, %get3A_505] {strides = array<i32>} : memref<96x1x512xf32, #tpu.memory_space<vmem>>, vector<1x1x16xf32>,
          %get3A_507 = vector.shape_cast %get3A_506 : vector<1x1x16xf32> to vector<16xf32>
          %get3A_508 = arith.constant 0 : i32
          %get3A_509 = arith.index_cast %while3A_290 : i32 to index
          %get3A_510 = arith.index_cast %get3A_508 : i32 to index
          %get3A_511 = arith.constant 224 : index
          %get3A_512 = tpu.vector_load %arg8[%get3A_509, %get3A_510, %get3A_511] {strides = array<i32>} : memref<96x1x512xf32, #tpu.memory_space<vmem>>, vector<1x1x16xf32>,
          %get3A_513 = vector.shape_cast %get3A_512 : vector<1x1x16xf32> to vector<16xf32>
          %sub3A_514 = arith.subf %get3A_513, %get3A_507 : vector<16xf32>
          %mul3A_515 = arith.mulf %sub3A_514, %sub3A_514 : vector<16xf32>
          %add3A_516 = arith.addf %add3A_501, %mul3A_515 : vector<16xf32>
          %get3A_517 = arith.constant 0 : i32
          %get3A_518 = arith.index_cast %while3A_290 : i32 to index
          %get3A_519 = arith.index_cast %get3A_517 : i32 to index
          %get3A_520 = arith.constant 240 : index
          %get3A_521 = tpu.vector_load %arg7[%get3A_518, %get3A_519, %get3A_520] {strides = array<i32>} : memref<96x1x512xf32, #tpu.memory_space<vmem>>, vector<1x1x16xf32>,
          %get3A_522 = vector.shape_cast %get3A_521 : vector<1x1x16xf32> to vector<16xf32>
          %get3A_523 = arith.constant 0 : i32
          %get3A_524 = arith.index_cast %while3A_290 : i32 to index
          %get3A_525 = arith.index_cast %get3A_523 : i32 to index
          %get3A_526 = arith.constant 240 : index
          %get3A_527 = tpu.vector_load %arg8[%get3A_524, %get3A_525, %get3A_526] {strides = array<i32>} : memref<96x1x512xf32, #tpu.memory_space<vmem>>, vector<1x1x16xf32>,
          %get3A_528 = vector.shape_cast %get3A_527 : vector<1x1x16xf32> to vector<16xf32>
          %sub3A_529 = arith.subf %get3A_528, %get3A_522 : vector<16xf32>
          %mul3A_530 = arith.mulf %sub3A_529, %sub3A_529 : vector<16xf32>
          %add3A_531 = arith.addf %add3A_516, %mul3A_530 : vector<16xf32>
          %get3A_532 = arith.constant 0 : i32
          %get3A_533 = arith.index_cast %while3A_290 : i32 to index
          %get3A_534 = arith.index_cast %get3A_532 : i32 to index
          %get3A_535 = arith.constant 256 : index
          %get3A_536 = tpu.vector_load %arg7[%get3A_533, %get3A_534, %get3A_535] {strides = array<i32>} : memref<96x1x512xf32, #tpu.memory_space<vmem>>, vector<1x1x16xf32>,
          %get3A_537 = vector.shape_cast %get3A_536 : vector<1x1x16xf32> to vector<16xf32>
          %get3A_538 = arith.constant 0 : i32
          %get3A_539 = arith.index_cast %while3A_290 : i32 to index
          %get3A_540 = arith.index_cast %get3A_538 : i32 to index
          %get3A_541 = arith.constant 256 : index
          %get3A_542 = tpu.vector_load %arg8[%get3A_539, %get3A_540, %get3A_541] {strides = array<i32>} : memref<96x1x512xf32, #tpu.memory_space<vmem>>, vector<1x1x16xf32>,
          %get3A_543 = vector.shape_cast %get3A_542 : vector<1x1x16xf32> to vector<16xf32>
          %sub3A_544 = arith.subf %get3A_543, %get3A_537 : vector<16xf32>
          %mul3A_545 = arith.mulf %sub3A_544, %sub3A_544 : vector<16xf32>
          %add3A_546 = arith.addf %add3A_531, %mul3A_545 : vector<16xf32>
          %get3A_547 = arith.constant 0 : i32
          %get3A_548 = arith.index_cast %while3A_290 : i32 to index
          %get3A_549 = arith.index_cast %get3A_547 : i32 to index
          %get3A_550 = arith.constant 272 : index
          %get3A_551 = tpu.vector_load %arg7[%get3A_548, %get3A_549, %get3A_550] {strides = array<i32>} : memref<96x1x512xf32, #tpu.memory_space<vmem>>, vector<1x1x16xf32>,
          %get3A_552 = vector.shape_cast %get3A_551 : vector<1x1x16xf32> to vector<16xf32>
          %get3A_553 = arith.constant 0 : i32
          %get3A_554 = arith.index_cast %while3A_290 : i32 to index
          %get3A_555 = arith.index_cast %get3A_553 : i32 to index
          %get3A_556 = arith.constant 272 : index
          %get3A_557 = tpu.vector_load %arg8[%get3A_554, %get3A_555, %get3A_556] {strides = array<i32>} : memref<96x1x512xf32, #tpu.memory_space<vmem>>, vector<1x1x16xf32>,
          %get3A_558 = vector.shape_cast %get3A_557 : vector<1x1x16xf32> to vector<16xf32>
          %sub3A_559 = arith.subf %get3A_558, %get3A_552 : vector<16xf32>
          %mul3A_560 = arith.mulf %sub3A_559, %sub3A_559 : vector<16xf32>
          %add3A_561 = arith.addf %add3A_546, %mul3A_560 : vector<16xf32>
          %get3A_562 = arith.constant 0 : i32
          %get3A_563 = arith.index_cast %while3A_290 : i32 to index
          %get3A_564 = arith.index_cast %get3A_562 : i32 to index
          %get3A_565 = arith.constant 288 : index
          %get3A_566 = tpu.vector_load %arg7[%get3A_563, %get3A_564, %get3A_565] {strides = array<i32>} : memref<96x1x512xf32, #tpu.memory_space<vmem>>, vector<1x1x16xf32>,
          %get3A_567 = vector.shape_cast %get3A_566 : vector<1x1x16xf32> to vector<16xf32>
          %get3A_568 = arith.constant 0 : i32
          %get3A_569 = arith.index_cast %while3A_290 : i32 to index
          %get3A_570 = arith.index_cast %get3A_568 : i32 to index
          %get3A_571 = arith.constant 288 : index
          %get3A_572 = tpu.vector_load %arg8[%get3A_569, %get3A_570, %get3A_571] {strides = array<i32>} : memref<96x1x512xf32, #tpu.memory_space<vmem>>, vector<1x1x16xf32>,
          %get3A_573 = vector.shape_cast %get3A_572 : vector<1x1x16xf32> to vector<16xf32>
          %sub3A_574 = arith.subf %get3A_573, %get3A_567 : vector<16xf32>
          %mul3A_575 = arith.mulf %sub3A_574, %sub3A_574 : vector<16xf32>
          %add3A_576 = arith.addf %add3A_561, %mul3A_575 : vector<16xf32>
          %get3A_577 = arith.constant 0 : i32
          %get3A_578 = arith.index_cast %while3A_290 : i32 to index
          %get3A_579 = arith.index_cast %get3A_577 : i32 to index
          %get3A_580 = arith.constant 304 : index
          %get3A_581 = tpu.vector_load %arg7[%get3A_578, %get3A_579, %get3A_580] {strides = array<i32>} : memref<96x1x512xf32, #tpu.memory_space<vmem>>, vector<1x1x16xf32>,
          %get3A_582 = vector.shape_cast %get3A_581 : vector<1x1x16xf32> to vector<16xf32>
          %get3A_583 = arith.constant 0 : i32
          %get3A_584 = arith.index_cast %while3A_290 : i32 to index
          %get3A_585 = arith.index_cast %get3A_583 : i32 to index
          %get3A_586 = arith.constant 304 : index
          %get3A_587 = tpu.vector_load %arg8[%get3A_584, %get3A_585, %get3A_586] {strides = array<i32>} : memref<96x1x512xf32, #tpu.memory_space<vmem>>, vector<1x1x16xf32>,
          %get3A_588 = vector.shape_cast %get3A_587 : vector<1x1x16xf32> to vector<16xf32>
          %sub3A_589 = arith.subf %get3A_588, %get3A_582 : vector<16xf32>
          %mul3A_590 = arith.mulf %sub3A_589, %sub3A_589 : vector<16xf32>
          %add3A_591 = arith.addf %add3A_576, %mul3A_590 : vector<16xf32>
          %get3A_592 = arith.constant 0 : i32
          %get3A_593 = arith.index_cast %while3A_290 : i32 to index
          %get3A_594 = arith.index_cast %get3A_592 : i32 to index
          %get3A_595 = arith.constant 320 : index
          %get3A_596 = tpu.vector_load %arg7[%get3A_593, %get3A_594, %get3A_595] {strides = array<i32>} : memref<96x1x512xf32, #tpu.memory_space<vmem>>, vector<1x1x16xf32>,
          %get3A_597 = vector.shape_cast %get3A_596 : vector<1x1x16xf32> to vector<16xf32>
          %get3A_598 = arith.constant 0 : i32
          %get3A_599 = arith.index_cast %while3A_290 : i32 to index
          %get3A_600 = arith.index_cast %get3A_598 : i32 to index
          %get3A_601 = arith.constant 320 : index
          %get3A_602 = tpu.vector_load %arg8[%get3A_599, %get3A_600, %get3A_601] {strides = array<i32>} : memref<96x1x512xf32, #tpu.memory_space<vmem>>, vector<1x1x16xf32>,
          %get3A_603 = vector.shape_cast %get3A_602 : vector<1x1x16xf32> to vector<16xf32>
          %sub3A_604 = arith.subf %get3A_603, %get3A_597 : vector<16xf32>
          %mul3A_605 = arith.mulf %sub3A_604, %sub3A_604 : vector<16xf32>
          %add3A_606 = arith.addf %add3A_591, %mul3A_605 : vector<16xf32>
          %get3A_607 = arith.constant 0 : i32
          %get3A_608 = arith.index_cast %while3A_290 : i32 to index
          %get3A_609 = arith.index_cast %get3A_607 : i32 to index
          %get3A_610 = arith.constant 336 : index
          %get3A_611 = tpu.vector_load %arg7[%get3A_608, %get3A_609, %get3A_610] {strides = array<i32>} : memref<96x1x512xf32, #tpu.memory_space<vmem>>, vector<1x1x16xf32>,
          %get3A_612 = vector.shape_cast %get3A_611 : vector<1x1x16xf32> to vector<16xf32>
          %get3A_613 = arith.constant 0 : i32
          %get3A_614 = arith.index_cast %while3A_290 : i32 to index
          %get3A_615 = arith.index_cast %get3A_613 : i32 to index
          %get3A_616 = arith.constant 336 : index
          %get3A_617 = tpu.vector_load %arg8[%get3A_614, %get3A_615, %get3A_616] {strides = array<i32>} : memref<96x1x512xf32, #tpu.memory_space<vmem>>, vector<1x1x16xf32>,
          %get3A_618 = vector.shape_cast %get3A_617 : vector<1x1x16xf32> to vector<16xf32>
          %sub3A_619 = arith.subf %get3A_618, %get3A_612 : vector<16xf32>
          %mul3A_620 = arith.mulf %sub3A_619, %sub3A_619 : vector<16xf32>
          %add3A_621 = arith.addf %add3A_606, %mul3A_620 : vector<16xf32>
          %get3A_622 = arith.constant 0 : i32
          %get3A_623 = arith.index_cast %while3A_290 : i32 to index
          %get3A_624 = arith.index_cast %get3A_622 : i32 to index
          %get3A_625 = arith.constant 352 : index
          %get3A_626 = tpu.vector_load %arg7[%get3A_623, %get3A_624, %get3A_625] {strides = array<i32>} : memref<96x1x512xf32, #tpu.memory_space<vmem>>, vector<1x1x16xf32>,
          %get3A_627 = vector.shape_cast %get3A_626 : vector<1x1x16xf32> to vector<16xf32>
          %get3A_628 = arith.constant 0 : i32
          %get3A_629 = arith.index_cast %while3A_290 : i32 to index
          %get3A_630 = arith.index_cast %get3A_628 : i32 to index
          %get3A_631 = arith.constant 352 : index
          %get3A_632 = tpu.vector_load %arg8[%get3A_629, %get3A_630, %get3A_631] {strides = array<i32>} : memref<96x1x512xf32, #tpu.memory_space<vmem>>, vector<1x1x16xf32>,
          %get3A_633 = vector.shape_cast %get3A_632 : vector<1x1x16xf32> to vector<16xf32>
          %sub3A_634 = arith.subf %get3A_633, %get3A_627 : vector<16xf32>
          %mul3A_635 = arith.mulf %sub3A_634, %sub3A_634 : vector<16xf32>
          %add3A_636 = arith.addf %add3A_621, %mul3A_635 : vector<16xf32>
          %get3A_637 = arith.constant 0 : i32
          %get3A_638 = arith.index_cast %while3A_290 : i32 to index
          %get3A_639 = arith.index_cast %get3A_637 : i32 to index
          %get3A_640 = arith.constant 368 : index
          %get3A_641 = tpu.vector_load %arg7[%get3A_638, %get3A_639, %get3A_640] {strides = array<i32>} : memref<96x1x512xf32, #tpu.memory_space<vmem>>, vector<1x1x16xf32>,
          %get3A_642 = vector.shape_cast %get3A_641 : vector<1x1x16xf32> to vector<16xf32>
          %get3A_643 = arith.constant 0 : i32
          %get3A_644 = arith.index_cast %while3A_290 : i32 to index
          %get3A_645 = arith.index_cast %get3A_643 : i32 to index
          %get3A_646 = arith.constant 368 : index
          %get3A_647 = tpu.vector_load %arg8[%get3A_644, %get3A_645, %get3A_646] {strides = array<i32>} : memref<96x1x512xf32, #tpu.memory_space<vmem>>, vector<1x1x16xf32>,
          %get3A_648 = vector.shape_cast %get3A_647 : vector<1x1x16xf32> to vector<16xf32>
          %sub3A_649 = arith.subf %get3A_648, %get3A_642 : vector<16xf32>
          %mul3A_650 = arith.mulf %sub3A_649, %sub3A_649 : vector<16xf32>
          %add3A_651 = arith.addf %add3A_636, %mul3A_650 : vector<16xf32>
          %get3A_652 = arith.constant 0 : i32
          %get3A_653 = arith.index_cast %while3A_290 : i32 to index
          %get3A_654 = arith.index_cast %get3A_652 : i32 to index
          %get3A_655 = arith.constant 384 : index
          %get3A_656 = tpu.vector_load %arg7[%get3A_653, %get3A_654, %get3A_655] {strides = array<i32>} : memref<96x1x512xf32, #tpu.memory_space<vmem>>, vector<1x1x16xf32>,
          %get3A_657 = vector.shape_cast %get3A_656 : vector<1x1x16xf32> to vector<16xf32>
          %get3A_658 = arith.constant 0 : i32
          %get3A_659 = arith.index_cast %while3A_290 : i32 to index
          %get3A_660 = arith.index_cast %get3A_658 : i32 to index
          %get3A_661 = arith.constant 384 : index
          %get3A_662 = tpu.vector_load %arg8[%get3A_659, %get3A_660, %get3A_661] {strides = array<i32>} : memref<96x1x512xf32, #tpu.memory_space<vmem>>, vector<1x1x16xf32>,
          %get3A_663 = vector.shape_cast %get3A_662 : vector<1x1x16xf32> to vector<16xf32>
          %sub3A_664 = arith.subf %get3A_663, %get3A_657 : vector<16xf32>
          %mul3A_665 = arith.mulf %sub3A_664, %sub3A_664 : vector<16xf32>
          %add3A_666 = arith.addf %add3A_651, %mul3A_665 : vector<16xf32>
          %get3A_667 = arith.constant 0 : i32
          %get3A_668 = arith.index_cast %while3A_290 : i32 to index
          %get3A_669 = arith.index_cast %get3A_667 : i32 to index
          %get3A_670 = arith.constant 400 : index
          %get3A_671 = tpu.vector_load %arg7[%get3A_668, %get3A_669, %get3A_670] {strides = array<i32>} : memref<96x1x512xf32, #tpu.memory_space<vmem>>, vector<1x1x16xf32>,
          %get3A_672 = vector.shape_cast %get3A_671 : vector<1x1x16xf32> to vector<16xf32>
          %get3A_673 = arith.constant 0 : i32
          %get3A_674 = arith.index_cast %while3A_290 : i32 to index
          %get3A_675 = arith.index_cast %get3A_673 : i32 to index
          %get3A_676 = arith.constant 400 : index
          %get3A_677 = tpu.vector_load %arg8[%get3A_674, %get3A_675, %get3A_676] {strides = array<i32>} : memref<96x1x512xf32, #tpu.memory_space<vmem>>, vector<1x1x16xf32>,
          %get3A_678 = vector.shape_cast %get3A_677 : vector<1x1x16xf32> to vector<16xf32>
          %sub3A_679 = arith.subf %get3A_678, %get3A_672 : vector<16xf32>
          %mul3A_680 = arith.mulf %sub3A_679, %sub3A_679 : vector<16xf32>
          %add3A_681 = arith.addf %add3A_666, %mul3A_680 : vector<16xf32>
          %get3A_682 = arith.constant 0 : i32
          %get3A_683 = arith.index_cast %while3A_290 : i32 to index
          %get3A_684 = arith.index_cast %get3A_682 : i32 to index
          %get3A_685 = arith.constant 416 : index
          %get3A_686 = tpu.vector_load %arg7[%get3A_683, %get3A_684, %get3A_685] {strides = array<i32>} : memref<96x1x512xf32, #tpu.memory_space<vmem>>, vector<1x1x16xf32>,
          %get3A_687 = vector.shape_cast %get3A_686 : vector<1x1x16xf32> to vector<16xf32>
          %get3A_688 = arith.constant 0 : i32
          %get3A_689 = arith.index_cast %while3A_290 : i32 to index
          %get3A_690 = arith.index_cast %get3A_688 : i32 to index
          %get3A_691 = arith.constant 416 : index
          %get3A_692 = tpu.vector_load %arg8[%get3A_689, %get3A_690, %get3A_691] {strides = array<i32>} : memref<96x1x512xf32, #tpu.memory_space<vmem>>, vector<1x1x16xf32>,
          %get3A_693 = vector.shape_cast %get3A_692 : vector<1x1x16xf32> to vector<16xf32>
          %sub3A_694 = arith.subf %get3A_693, %get3A_687 : vector<16xf32>
          %mul3A_695 = arith.mulf %sub3A_694, %sub3A_694 : vector<16xf32>
          %add3A_696 = arith.addf %add3A_681, %mul3A_695 : vector<16xf32>
          %get3A_697 = arith.constant 0 : i32
          %get3A_698 = arith.index_cast %while3A_290 : i32 to index
          %get3A_699 = arith.index_cast %get3A_697 : i32 to index
          %get3A_700 = arith.constant 432 : index
          %get3A_701 = tpu.vector_load %arg7[%get3A_698, %get3A_699, %get3A_700] {strides = array<i32>} : memref<96x1x512xf32, #tpu.memory_space<vmem>>, vector<1x1x16xf32>,
          %get3A_702 = vector.shape_cast %get3A_701 : vector<1x1x16xf32> to vector<16xf32>
          %get3A_703 = arith.constant 0 : i32
          %get3A_704 = arith.index_cast %while3A_290 : i32 to index
          %get3A_705 = arith.index_cast %get3A_703 : i32 to index
          %get3A_706 = arith.constant 432 : index
          %get3A_707 = tpu.vector_load %arg8[%get3A_704, %get3A_705, %get3A_706] {strides = array<i32>} : memref<96x1x512xf32, #tpu.memory_space<vmem>>, vector<1x1x16xf32>,
          %get3A_708 = vector.shape_cast %get3A_707 : vector<1x1x16xf32> to vector<16xf32>
          %sub3A_709 = arith.subf %get3A_708, %get3A_702 : vector<16xf32>
          %mul3A_710 = arith.mulf %sub3A_709, %sub3A_709 : vector<16xf32>
          %add3A_711 = arith.addf %add3A_696, %mul3A_710 : vector<16xf32>
          %get3A_712 = arith.constant 0 : i32
          %get3A_713 = arith.index_cast %while3A_290 : i32 to index
          %get3A_714 = arith.index_cast %get3A_712 : i32 to index
          %get3A_715 = arith.constant 448 : index
          %get3A_716 = tpu.vector_load %arg7[%get3A_713, %get3A_714, %get3A_715] {strides = array<i32>} : memref<96x1x512xf32, #tpu.memory_space<vmem>>, vector<1x1x16xf32>,
          %get3A_717 = vector.shape_cast %get3A_716 : vector<1x1x16xf32> to vector<16xf32>
          %get3A_718 = arith.constant 0 : i32
          %get3A_719 = arith.index_cast %while3A_290 : i32 to index
          %get3A_720 = arith.index_cast %get3A_718 : i32 to index
          %get3A_721 = arith.constant 448 : index
          %get3A_722 = tpu.vector_load %arg8[%get3A_719, %get3A_720, %get3A_721] {strides = array<i32>} : memref<96x1x512xf32, #tpu.memory_space<vmem>>, vector<1x1x16xf32>,
          %get3A_723 = vector.shape_cast %get3A_722 : vector<1x1x16xf32> to vector<16xf32>
          %sub3A_724 = arith.subf %get3A_723, %get3A_717 : vector<16xf32>
          %mul3A_725 = arith.mulf %sub3A_724, %sub3A_724 : vector<16xf32>
          %add3A_726 = arith.addf %add3A_711, %mul3A_725 : vector<16xf32>
          %get3A_727 = arith.constant 0 : i32
          %get3A_728 = arith.index_cast %while3A_290 : i32 to index
          %get3A_729 = arith.index_cast %get3A_727 : i32 to index
          %get3A_730 = arith.constant 464 : index
          %get3A_731 = tpu.vector_load %arg7[%get3A_728, %get3A_729, %get3A_730] {strides = array<i32>} : memref<96x1x512xf32, #tpu.memory_space<vmem>>, vector<1x1x16xf32>,
          %get3A_732 = vector.shape_cast %get3A_731 : vector<1x1x16xf32> to vector<16xf32>
          %get3A_733 = arith.constant 0 : i32
          %get3A_734 = arith.index_cast %while3A_290 : i32 to index
          %get3A_735 = arith.index_cast %get3A_733 : i32 to index
          %get3A_736 = arith.constant 464 : index
          %get3A_737 = tpu.vector_load %arg8[%get3A_734, %get3A_735, %get3A_736] {strides = array<i32>} : memref<96x1x512xf32, #tpu.memory_space<vmem>>, vector<1x1x16xf32>,
          %get3A_738 = vector.shape_cast %get3A_737 : vector<1x1x16xf32> to vector<16xf32>
          %sub3A_739 = arith.subf %get3A_738, %get3A_732 : vector<16xf32>
          %mul3A_740 = arith.mulf %sub3A_739, %sub3A_739 : vector<16xf32>
          %add3A_741 = arith.addf %add3A_726, %mul3A_740 : vector<16xf32>
          %get3A_742 = arith.constant 0 : i32
          %get3A_743 = arith.index_cast %while3A_290 : i32 to index
          %get3A_744 = arith.index_cast %get3A_742 : i32 to index
          %get3A_745 = arith.constant 480 : index
          %get3A_746 = tpu.vector_load %arg7[%get3A_743, %get3A_744, %get3A_745] {strides = array<i32>} : memref<96x1x512xf32, #tpu.memory_space<vmem>>, vector<1x1x16xf32>,
          %get3A_747 = vector.shape_cast %get3A_746 : vector<1x1x16xf32> to vector<16xf32>
          %get3A_748 = arith.constant 0 : i32
          %get3A_749 = arith.index_cast %while3A_290 : i32 to index
          %get3A_750 = arith.index_cast %get3A_748 : i32 to index
          %get3A_751 = arith.constant 480 : index
          %get3A_752 = tpu.vector_load %arg8[%get3A_749, %get3A_750, %get3A_751] {strides = array<i32>} : memref<96x1x512xf32, #tpu.memory_space<vmem>>, vector<1x1x16xf32>,
          %get3A_753 = vector.shape_cast %get3A_752 : vector<1x1x16xf32> to vector<16xf32>
          %sub3A_754 = arith.subf %get3A_753, %get3A_747 : vector<16xf32>
          %mul3A_755 = arith.mulf %sub3A_754, %sub3A_754 : vector<16xf32>
          %add3A_756 = arith.addf %add3A_741, %mul3A_755 : vector<16xf32>
          %get3A_757 = arith.constant 0 : i32
          %get3A_758 = arith.index_cast %while3A_290 : i32 to index
          %get3A_759 = arith.index_cast %get3A_757 : i32 to index
          %get3A_760 = arith.constant 496 : index
          %get3A_761 = tpu.vector_load %arg7[%get3A_758, %get3A_759, %get3A_760] {strides = array<i32>} : memref<96x1x512xf32, #tpu.memory_space<vmem>>, vector<1x1x16xf32>,
          %get3A_762 = vector.shape_cast %get3A_761 : vector<1x1x16xf32> to vector<16xf32>
          %get3A_763 = arith.constant 0 : i32
          %get3A_764 = arith.index_cast %while3A_290 : i32 to index
          %get3A_765 = arith.index_cast %get3A_763 : i32 to index
          %get3A_766 = arith.constant 496 : index
          %get3A_767 = tpu.vector_load %arg8[%get3A_764, %get3A_765, %get3A_766] {strides = array<i32>} : memref<96x1x512xf32, #tpu.memory_space<vmem>>, vector<1x1x16xf32>,
          %get3A_768 = vector.shape_cast %get3A_767 : vector<1x1x16xf32> to vector<16xf32>
          %sub3A_769 = arith.subf %get3A_768, %get3A_762 : vector<16xf32>
          %mul3A_770 = arith.mulf %sub3A_769, %sub3A_769 : vector<16xf32>
          %add3A_771 = arith.addf %add3A_756, %mul3A_770 : vector<16xf32>
          scf.yield %add3A_771 : vector<16xf32>
        }
        %while3A_288 = arith.constant 1 : i32
        %while3A_289 = scf.for %while3A_290 = %while3A_285 to %while3A_281 step %while3A_288 iter_args(%while3A_291 = %while3A_287) -> (vector<16xf32>)  : i32 {
          %get3A_292 = arith.constant 0 : i32
          %get3A_293 = arith.index_cast %while3A_290 : i32 to index
          %get3A_294 = arith.index_cast %get3A_292 : i32 to index
          %get3A_295 = arith.constant 0 : index
          %get3A_296 = tpu.vector_load %arg7[%get3A_293, %get3A_294, %get3A_295] {strides = array<i32>} : memref<96x1x512xf32, #tpu.memory_space<vmem>>, vector<1x1x16xf32>,
          %get3A_297 = vector.shape_cast %get3A_296 : vector<1x1x16xf32> to vector<16xf32>
          %get3A_298 = arith.constant 0 : i32
          %get3A_299 = arith.index_cast %while3A_290 : i32 to index
          %get3A_300 = arith.index_cast %get3A_298 : i32 to index
          %get3A_301 = arith.constant 0 : index
          %get3A_302 = tpu.vector_load %arg8[%get3A_299, %get3A_300, %get3A_301] {strides = array<i32>} : memref<96x1x512xf32, #tpu.memory_space<vmem>>, vector<1x1x16xf32>,
          %get3A_303 = vector.shape_cast %get3A_302 : vector<1x1x16xf32> to vector<16xf32>
          %sub3A_304 = arith.subf %get3A_303, %get3A_297 : vector<16xf32>
          %mul3A_305 = arith.mulf %sub3A_304, %sub3A_304 : vector<16xf32>
          %add3A_306 = arith.addf %while3A_291, %mul3A_305 : vector<16xf32>
          %get3A_307 = arith.constant 0 : i32
          %get3A_308 = arith.index_cast %while3A_290 : i32 to index
          %get3A_309 = arith.index_cast %get3A_307 : i32 to index
          %get3A_310 = arith.constant 16 : index
          %get3A_311 = tpu.vector_load %arg7[%get3A_308, %get3A_309, %get3A_310] {strides = array<i32>} : memref<96x1x512xf32, #tpu.memory_space<vmem>>, vector<1x1x16xf32>,
          %get3A_312 = vector.shape_cast %get3A_311 : vector<1x1x16xf32> to vector<16xf32>
          %get3A_313 = arith.constant 0 : i32
          %get3A_314 = arith.index_cast %while3A_290 : i32 to index
          %get3A_315 = arith.index_cast %get3A_313 : i32 to index
          %get3A_316 = arith.constant 16 : index
          %get3A_317 = tpu.vector_load %arg8[%get3A_314, %get3A_315, %get3A_316] {strides = array<i32>} : memref<96x1x512xf32, #tpu.memory_space<vmem>>, vector<1x1x16xf32>,
          %get3A_318 = vector.shape_cast %get3A_317 : vector<1x1x16xf32> to vector<16xf32>
          %sub3A_319 = arith.subf %get3A_318, %get3A_312 : vector<16xf32>
          %mul3A_320 = arith.mulf %sub3A_319, %sub3A_319 : vector<16xf32>
          %add3A_321 = arith.addf %add3A_306, %mul3A_320 : vector<16xf32>
          %get3A_322 = arith.constant 0 : i32
          %get3A_323 = arith.index_cast %while3A_290 : i32 to index
          %get3A_324 = arith.index_cast %get3A_322 : i32 to index
          %get3A_325 = arith.constant 32 : index
          %get3A_326 = tpu.vector_load %arg7[%get3A_323, %get3A_324, %get3A_325] {strides = array<i32>} : memref<96x1x512xf32, #tpu.memory_space<vmem>>, vector<1x1x16xf32>,
          %get3A_327 = vector.shape_cast %get3A_326 : vector<1x1x16xf32> to vector<16xf32>
          %get3A_328 = arith.constant 0 : i32
          %get3A_329 = arith.index_cast %while3A_290 : i32 to index
          %get3A_330 = arith.index_cast %get3A_328 : i32 to index
          %get3A_331 = arith.constant 32 : index
          %get3A_332 = tpu.vector_load %arg8[%get3A_329, %get3A_330, %get3A_331] {strides = array<i32>} : memref<96x1x512xf32, #tpu.memory_space<vmem>>, vector<1x1x16xf32>,
          %get3A_333 = vector.shape_cast %get3A_332 : vector<1x1x16xf32> to vector<16xf32>
          %sub3A_334 = arith.subf %get3A_333, %get3A_327 : vector<16xf32>
          %mul3A_335 = arith.mulf %sub3A_334, %sub3A_334 : vector<16xf32>
          %add3A_336 = arith.addf %add3A_321, %mul3A_335 : vector<16xf32>
          %get3A_337 = arith.constant 0 : i32
          %get3A_338 = arith.index_cast %while3A_290 : i32 to index
          %get3A_339 = arith.index_cast %get3A_337 : i32 to index
          %get3A_340 = arith.constant 48 : index
          %get3A_341 = tpu.vector_load %arg7[%get3A_338, %get3A_339, %get3A_340] {strides = array<i32>} : memref<96x1x512xf32, #tpu.memory_space<vmem>>, vector<1x1x16xf32>,
          %get3A_342 = vector.shape_cast %get3A_341 : vector<1x1x16xf32> to vector<16xf32>
          %get3A_343 = arith.constant 0 : i32
          %get3A_344 = arith.index_cast %while3A_290 : i32 to index
          %get3A_345 = arith.index_cast %get3A_343 : i32 to index
          %get3A_346 = arith.constant 48 : index
          %get3A_347 = tpu.vector_load %arg8[%get3A_344, %get3A_345, %get3A_346] {strides = array<i32>} : memref<96x1x512xf32, #tpu.memory_space<vmem>>, vector<1x1x16xf32>,
          %get3A_348 = vector.shape_cast %get3A_347 : vector<1x1x16xf32> to vector<16xf32>
          %sub3A_349 = arith.subf %get3A_348, %get3A_342 : vector<16xf32>
          %mul3A_350 = arith.mulf %sub3A_349, %sub3A_349 : vector<16xf32>
          %add3A_351 = arith.addf %add3A_336, %mul3A_350 : vector<16xf32>
          %get3A_352 = arith.constant 0 : i32
          %get3A_353 = arith.index_cast %while3A_290 : i32 to index
          %get3A_354 = arith.index_cast %get3A_352 : i32 to index
          %get3A_355 = arith.constant 64 : index
          %get3A_356 = tpu.vector_load %arg7[%get3A_353, %get3A_354, %get3A_355] {strides = array<i32>} : memref<96x1x512xf32, #tpu.memory_space<vmem>>, vector<1x1x16xf32>,
          %get3A_357 = vector.shape_cast %get3A_356 : vector<1x1x16xf32> to vector<16xf32>
          %get3A_358 = arith.constant 0 : i32
          %get3A_359 = arith.index_cast %while3A_290 : i32 to index
          %get3A_360 = arith.index_cast %get3A_358 : i32 to index
          %get3A_361 = arith.constant 64 : index
          %get3A_362 = tpu.vector_load %arg8[%get3A_359, %get3A_360, %get3A_361] {strides = array<i32>} : memref<96x1x512xf32, #tpu.memory_space<vmem>>, vector<1x1x16xf32>,
          %get3A_363 = vector.shape_cast %get3A_362 : vector<1x1x16xf32> to vector<16xf32>
          %sub3A_364 = arith.subf %get3A_363, %get3A_357 : vector<16xf32>
          %mul3A_365 = arith.mulf %sub3A_364, %sub3A_364 : vector<16xf32>
          %add3A_366 = arith.addf %add3A_351, %mul3A_365 : vector<16xf32>
          %get3A_367 = arith.constant 0 : i32
          %get3A_368 = arith.index_cast %while3A_290 : i32 to index
          %get3A_369 = arith.index_cast %get3A_367 : i32 to index
          %get3A_370 = arith.constant 80 : index
          %get3A_371 = tpu.vector_load %arg7[%get3A_368, %get3A_369, %get3A_370] {strides = array<i32>} : memref<96x1x512xf32, #tpu.memory_space<vmem>>, vector<1x1x16xf32>,
          %get3A_372 = vector.shape_cast %get3A_371 : vector<1x1x16xf32> to vector<16xf32>
          %get3A_373 = arith.constant 0 : i32
          %get3A_374 = arith.index_cast %while3A_290 : i32 to index
          %get3A_375 = arith.index_cast %get3A_373 : i32 to index
          %get3A_376 = arith.constant 80 : index
          %get3A_377 = tpu.vector_load %arg8[%get3A_374, %get3A_375, %get3A_376] {strides = array<i32>} : memref<96x1x512xf32, #tpu.memory_space<vmem>>, vector<1x1x16xf32>,
          %get3A_378 = vector.shape_cast %get3A_377 : vector<1x1x16xf32> to vector<16xf32>
          %sub3A_379 = arith.subf %get3A_378, %get3A_372 : vector<16xf32>
          %mul3A_380 = arith.mulf %sub3A_379, %sub3A_379 : vector<16xf32>
          %add3A_381 = arith.addf %add3A_366, %mul3A_380 : vector<16xf32>
          %get3A_382 = arith.constant 0 : i32
          %get3A_383 = arith.index_cast %while3A_290 : i32 to index
          %get3A_384 = arith.index_cast %get3A_382 : i32 to index
          %get3A_385 = arith.constant 96 : index
          %get3A_386 = tpu.vector_load %arg7[%get3A_383, %get3A_384, %get3A_385] {strides = array<i32>} : memref<96x1x512xf32, #tpu.memory_space<vmem>>, vector<1x1x16xf32>,
          %get3A_387 = vector.shape_cast %get3A_386 : vector<1x1x16xf32> to vector<16xf32>
          %get3A_388 = arith.constant 0 : i32
          %get3A_389 = arith.index_cast %while3A_290 : i32 to index
          %get3A_390 = arith.index_cast %get3A_388 : i32 to index
          %get3A_391 = arith.constant 96 : index
          %get3A_392 = tpu.vector_load %arg8[%get3A_389, %get3A_390, %get3A_391] {strides = array<i32>} : memref<96x1x512xf32, #tpu.memory_space<vmem>>, vector<1x1x16xf32>,
          %get3A_393 = vector.shape_cast %get3A_392 : vector<1x1x16xf32> to vector<16xf32>
          %sub3A_394 = arith.subf %get3A_393, %get3A_387 : vector<16xf32>
          %mul3A_395 = arith.mulf %sub3A_394, %sub3A_394 : vector<16xf32>
          %add3A_396 = arith.addf %add3A_381, %mul3A_395 : vector<16xf32>
          %get3A_397 = arith.constant 0 : i32
          %get3A_398 = arith.index_cast %while3A_290 : i32 to index
          %get3A_399 = arith.index_cast %get3A_397 : i32 to index
          %get3A_400 = arith.constant 112 : index
          %get3A_401 = tpu.vector_load %arg7[%get3A_398, %get3A_399, %get3A_400] {strides = array<i32>} : memref<96x1x512xf32, #tpu.memory_space<vmem>>, vector<1x1x16xf32>,
          %get3A_402 = vector.shape_cast %get3A_401 : vector<1x1x16xf32> to vector<16xf32>
          %get3A_403 = arith.constant 0 : i32
          %get3A_404 = arith.index_cast %while3A_290 : i32 to index
          %get3A_405 = arith.index_cast %get3A_403 : i32 to index
          %get3A_406 = arith.constant 112 : index
          %get3A_407 = tpu.vector_load %arg8[%get3A_404, %get3A_405, %get3A_406] {strides = array<i32>} : memref<96x1x512xf32, #tpu.memory_space<vmem>>, vector<1x1x16xf32>,
          %get3A_408 = vector.shape_cast %get3A_407 : vector<1x1x16xf32> to vector<16xf32>
          %sub3A_409 = arith.subf %get3A_408, %get3A_402 : vector<16xf32>
          %mul3A_410 = arith.mulf %sub3A_409, %sub3A_409 : vector<16xf32>
          %add3A_411 = arith.addf %add3A_396, %mul3A_410 : vector<16xf32>
          %get3A_412 = arith.constant 0 : i32
          %get3A_413 = arith.index_cast %while3A_290 : i32 to index
          %get3A_414 = arith.index_cast %get3A_412 : i32 to index
          %get3A_415 = arith.constant 128 : index
          %get3A_416 = tpu.vector_load %arg7[%get3A_413, %get3A_414, %get3A_415] {strides = array<i32>} : memref<96x1x512xf32, #tpu.memory_space<vmem>>, vector<1x1x16xf32>,
          %get3A_417 = vector.shape_cast %get3A_416 : vector<1x1x16xf32> to vector<16xf32>
          %get3A_418 = arith.constant 0 : i32
          %get3A_419 = arith.index_cast %while3A_290 : i32 to index
          %get3A_420 = arith.index_cast %get3A_418 : i32 to index
          %get3A_421 = arith.constant 128 : index
          %get3A_422 = tpu.vector_load %arg8[%get3A_419, %get3A_420, %get3A_421] {strides = array<i32>} : memref<96x1x512xf32, #tpu.memory_space<vmem>>, vector<1x1x16xf32>,
          %get3A_423 = vector.shape_cast %get3A_422 : vector<1x1x16xf32> to vector<16xf32>
          %sub3A_424 = arith.subf %get3A_423, %get3A_417 : vector<16xf32>
          %mul3A_425 = arith.mulf %sub3A_424, %sub3A_424 : vector<16xf32>
          %add3A_426 = arith.addf %add3A_411, %mul3A_425 : vector<16xf32>
          %get3A_427 = arith.constant 0 : i32
          %get3A_428 = arith.index_cast %while3A_290 : i32 to index
          %get3A_429 = arith.index_cast %get3A_427 : i32 to index
          %get3A_430 = arith.constant 144 : index
          %get3A_431 = tpu.vector_load %arg7[%get3A_428, %get3A_429, %get3A_430] {strides = array<i32>} : memref<96x1x512xf32, #tpu.memory_space<vmem>>, vector<1x1x16xf32>,
          %get3A_432 = vector.shape_cast %get3A_431 : vector<1x1x16xf32> to vector<16xf32>
          %get3A_433 = arith.constant 0 : i32
          %get3A_434 = arith.index_cast %while3A_290 : i32 to index
          %get3A_435 = arith.index_cast %get3A_433 : i32 to index
          %get3A_436 = arith.constant 144 : index
          %get3A_437 = tpu.vector_load %arg8[%get3A_434, %get3A_435, %get3A_436] {strides = array<i32>} : memref<96x1x512xf32, #tpu.memory_space<vmem>>, vector<1x1x16xf32>,
          %get3A_438 = vector.shape_cast %get3A_437 : vector<1x1x16xf32> to vector<16xf32>
          %sub3A_439 = arith.subf %get3A_438, %get3A_432 : vector<16xf32>
          %mul3A_440 = arith.mulf %sub3A_439, %sub3A_439 : vector<16xf32>
          %add3A_441 = arith.addf %add3A_426, %mul3A_440 : vector<16xf32>
          %get3A_442 = arith.constant 0 : i32
          %get3A_443 = arith.index_cast %while3A_290 : i32 to index
          %get3A_444 = arith.index_cast %get3A_442 : i32 to index
          %get3A_445 = arith.constant 160 : index
          %get3A_446 = tpu.vector_load %arg7[%get3A_443, %get3A_444, %get3A_445] {strides = array<i32>} : memref<96x1x512xf32, #tpu.memory_space<vmem>>, vector<1x1x16xf32>,
          %get3A_447 = vector.shape_cast %get3A_446 : vector<1x1x16xf32> to vector<16xf32>
          %get3A_448 = arith.constant 0 : i32
          %get3A_449 = arith.index_cast %while3A_290 : i32 to index
          %get3A_450 = arith.index_cast %get3A_448 : i32 to index
          %get3A_451 = arith.constant 160 : index
          %get3A_452 = tpu.vector_load %arg8[%get3A_449, %get3A_450, %get3A_451] {strides = array<i32>} : memref<96x1x512xf32, #tpu.memory_space<vmem>>, vector<1x1x16xf32>,
          %get3A_453 = vector.shape_cast %get3A_452 : vector<1x1x16xf32> to vector<16xf32>
          %sub3A_454 = arith.subf %get3A_453, %get3A_447 : vector<16xf32>
          %mul3A_455 = arith.mulf %sub3A_454, %sub3A_454 : vector<16xf32>
          %add3A_456 = arith.addf %add3A_441, %mul3A_455 : vector<16xf32>
          %get3A_457 = arith.constant 0 : i32
          %get3A_458 = arith.index_cast %while3A_290 : i32 to index
          %get3A_459 = arith.index_cast %get3A_457 : i32 to index
          %get3A_460 = arith.constant 176 : index
          %get3A_461 = tpu.vector_load %arg7[%get3A_458, %get3A_459, %get3A_460] {strides = array<i32>} : memref<96x1x512xf32, #tpu.memory_space<vmem>>, vector<1x1x16xf32>,
          %get3A_462 = vector.shape_cast %get3A_461 : vector<1x1x16xf32> to vector<16xf32>
          %get3A_463 = arith.constant 0 : i32
          %get3A_464 = arith.index_cast %while3A_290 : i32 to index
          %get3A_465 = arith.index_cast %get3A_463 : i32 to index
          %get3A_466 = arith.constant 176 : index
          %get3A_467 = tpu.vector_load %arg8[%get3A_464, %get3A_465, %get3A_466] {strides = array<i32>} : memref<96x1x512xf32, #tpu.memory_space<vmem>>, vector<1x1x16xf32>,
          %get3A_468 = vector.shape_cast %get3A_467 : vector<1x1x16xf32> to vector<16xf32>
          %sub3A_469 = arith.subf %get3A_468, %get3A_462 : vector<16xf32>
          %mul3A_470 = arith.mulf %sub3A_469, %sub3A_469 : vector<16xf32>
          %add3A_471 = arith.addf %add3A_456, %mul3A_470 : vector<16xf32>
          %get3A_472 = arith.constant 0 : i32
          %get3A_473 = arith.index_cast %while3A_290 : i32 to index
          %get3A_474 = arith.index_cast %get3A_472 : i32 to index
          %get3A_475 = arith.constant 192 : index
          %get3A_476 = tpu.vector_load %arg7[%get3A_473, %get3A_474, %get3A_475] {strides = array<i32>} : memref<96x1x512xf32, #tpu.memory_space<vmem>>, vector<1x1x16xf32>,
          %get3A_477 = vector.shape_cast %get3A_476 : vector<1x1x16xf32> to vector<16xf32>
          %get3A_478 = arith.constant 0 : i32
          %get3A_479 = arith.index_cast %while3A_290 : i32 to index
          %get3A_480 = arith.index_cast %get3A_478 : i32 to index
          %get3A_481 = arith.constant 192 : index
          %get3A_482 = tpu.vector_load %arg8[%get3A_479, %get3A_480, %get3A_481] {strides = array<i32>} : memref<96x1x512xf32, #tpu.memory_space<vmem>>, vector<1x1x16xf32>,
          %get3A_483 = vector.shape_cast %get3A_482 : vector<1x1x16xf32> to vector<16xf32>
          %sub3A_484 = arith.subf %get3A_483, %get3A_477 : vector<16xf32>
          %mul3A_485 = arith.mulf %sub3A_484, %sub3A_484 : vector<16xf32>
          %add3A_486 = arith.addf %add3A_471, %mul3A_485 : vector<16xf32>
          %get3A_487 = arith.constant 0 : i32
          %get3A_488 = arith.index_cast %while3A_290 : i32 to index
          %get3A_489 = arith.index_cast %get3A_487 : i32 to index
          %get3A_490 = arith.constant 208 : index
          %get3A_491 = tpu.vector_load %arg7[%get3A_488, %get3A_489, %get3A_490] {strides = array<i32>} : memref<96x1x512xf32, #tpu.memory_space<vmem>>, vector<1x1x16xf32>,
          %get3A_492 = vector.shape_cast %get3A_491 : vector<1x1x16xf32> to vector<16xf32>
          %get3A_493 = arith.constant 0 : i32
          %get3A_494 = arith.index_cast %while3A_290 : i32 to index
          %get3A_495 = arith.index_cast %get3A_493 : i32 to index
          %get3A_496 = arith.constant 208 : index
          %get3A_497 = tpu.vector_load %arg8[%get3A_494, %get3A_495, %get3A_496] {strides = array<i32>} : memref<96x1x512xf32, #tpu.memory_space<vmem>>, vector<1x1x16xf32>,
          %get3A_498 = vector.shape_cast %get3A_497 : vector<1x1x16xf32> to vector<16xf32>
          %sub3A_499 = arith.subf %get3A_498, %get3A_492 : vector<16xf32>
          %mul3A_500 = arith.mulf %sub3A_499, %sub3A_499 : vector<16xf32>
          %add3A_501 = arith.addf %add3A_486, %mul3A_500 : vector<16xf32>
          %get3A_502 = arith.constant 0 : i32
          %get3A_503 = arith.index_cast %while3A_290 : i32 to index
          %get3A_504 = arith.index_cast %get3A_502 : i32 to index
          %get3A_505 = arith.constant 224 : index
          %get3A_506 = tpu.vector_load %arg7[%get3A_503, %get3A_504, %get3A_505] {strides = array<i32>} : memref<96x1x512xf32, #tpu.memory_space<vmem>>, vector<1x1x16xf32>,
          %get3A_507 = vector.shape_cast %get3A_506 : vector<1x1x16xf32> to vector<16xf32>
          %get3A_508 = arith.constant 0 : i32
          %get3A_509 = arith.index_cast %while3A_290 : i32 to index
          %get3A_510 = arith.index_cast %get3A_508 : i32 to index
          %get3A_511 = arith.constant 224 : index
          %get3A_512 = tpu.vector_load %arg8[%get3A_509, %get3A_510, %get3A_511] {strides = array<i32>} : memref<96x1x512xf32, #tpu.memory_space<vmem>>, vector<1x1x16xf32>,
          %get3A_513 = vector.shape_cast %get3A_512 : vector<1x1x16xf32> to vector<16xf32>
          %sub3A_514 = arith.subf %get3A_513, %get3A_507 : vector<16xf32>
          %mul3A_515 = arith.mulf %sub3A_514, %sub3A_514 : vector<16xf32>
          %add3A_516 = arith.addf %add3A_501, %mul3A_515 : vector<16xf32>
          %get3A_517 = arith.constant 0 : i32
          %get3A_518 = arith.index_cast %while3A_290 : i32 to index
          %get3A_519 = arith.index_cast %get3A_517 : i32 to index
          %get3A_520 = arith.constant 240 : index
          %get3A_521 = tpu.vector_load %arg7[%get3A_518, %get3A_519, %get3A_520] {strides = array<i32>} : memref<96x1x512xf32, #tpu.memory_space<vmem>>, vector<1x1x16xf32>,
          %get3A_522 = vector.shape_cast %get3A_521 : vector<1x1x16xf32> to vector<16xf32>
          %get3A_523 = arith.constant 0 : i32
          %get3A_524 = arith.index_cast %while3A_290 : i32 to index
          %get3A_525 = arith.index_cast %get3A_523 : i32 to index
          %get3A_526 = arith.constant 240 : index
          %get3A_527 = tpu.vector_load %arg8[%get3A_524, %get3A_525, %get3A_526] {strides = array<i32>} : memref<96x1x512xf32, #tpu.memory_space<vmem>>, vector<1x1x16xf32>,
          %get3A_528 = vector.shape_cast %get3A_527 : vector<1x1x16xf32> to vector<16xf32>
          %sub3A_529 = arith.subf %get3A_528, %get3A_522 : vector<16xf32>
          %mul3A_530 = arith.mulf %sub3A_529, %sub3A_529 : vector<16xf32>
          %add3A_531 = arith.addf %add3A_516, %mul3A_530 : vector<16xf32>
          %get3A_532 = arith.constant 0 : i32
          %get3A_533 = arith.index_cast %while3A_290 : i32 to index
          %get3A_534 = arith.index_cast %get3A_532 : i32 to index
          %get3A_535 = arith.constant 256 : index
          %get3A_536 = tpu.vector_load %arg7[%get3A_533, %get3A_534, %get3A_535] {strides = array<i32>} : memref<96x1x512xf32, #tpu.memory_space<vmem>>, vector<1x1x16xf32>,
          %get3A_537 = vector.shape_cast %get3A_536 : vector<1x1x16xf32> to vector<16xf32>
          %get3A_538 = arith.constant 0 : i32
          %get3A_539 = arith.index_cast %while3A_290 : i32 to index
          %get3A_540 = arith.index_cast %get3A_538 : i32 to index
          %get3A_541 = arith.constant 256 : index
          %get3A_542 = tpu.vector_load %arg8[%get3A_539, %get3A_540, %get3A_541] {strides = array<i32>} : memref<96x1x512xf32, #tpu.memory_space<vmem>>, vector<1x1x16xf32>,
          %get3A_543 = vector.shape_cast %get3A_542 : vector<1x1x16xf32> to vector<16xf32>
          %sub3A_544 = arith.subf %get3A_543, %get3A_537 : vector<16xf32>
          %mul3A_545 = arith.mulf %sub3A_544, %sub3A_544 : vector<16xf32>
          %add3A_546 = arith.addf %add3A_531, %mul3A_545 : vector<16xf32>
          %get3A_547 = arith.constant 0 : i32
          %get3A_548 = arith.index_cast %while3A_290 : i32 to index
          %get3A_549 = arith.index_cast %get3A_547 : i32 to index
          %get3A_550 = arith.constant 272 : index
          %get3A_551 = tpu.vector_load %arg7[%get3A_548, %get3A_549, %get3A_550] {strides = array<i32>} : memref<96x1x512xf32, #tpu.memory_space<vmem>>, vector<1x1x16xf32>,
          %get3A_552 = vector.shape_cast %get3A_551 : vector<1x1x16xf32> to vector<16xf32>
          %get3A_553 = arith.constant 0 : i32
          %get3A_554 = arith.index_cast %while3A_290 : i32 to index
          %get3A_555 = arith.index_cast %get3A_553 : i32 to index
          %get3A_556 = arith.constant 272 : index
          %get3A_557 = tpu.vector_load %arg8[%get3A_554, %get3A_555, %get3A_556] {strides = array<i32>} : memref<96x1x512xf32, #tpu.memory_space<vmem>>, vector<1x1x16xf32>,
          %get3A_558 = vector.shape_cast %get3A_557 : vector<1x1x16xf32> to vector<16xf32>
          %sub3A_559 = arith.subf %get3A_558, %get3A_552 : vector<16xf32>
          %mul3A_560 = arith.mulf %sub3A_559, %sub3A_559 : vector<16xf32>
          %add3A_561 = arith.addf %add3A_546, %mul3A_560 : vector<16xf32>
          %get3A_562 = arith.constant 0 : i32
          %get3A_563 = arith.index_cast %while3A_290 : i32 to index
          %get3A_564 = arith.index_cast %get3A_562 : i32 to index
          %get3A_565 = arith.constant 288 : index
          %get3A_566 = tpu.vector_load %arg7[%get3A_563, %get3A_564, %get3A_565] {strides = array<i32>} : memref<96x1x512xf32, #tpu.memory_space<vmem>>, vector<1x1x16xf32>,
          %get3A_567 = vector.shape_cast %get3A_566 : vector<1x1x16xf32> to vector<16xf32>
          %get3A_568 = arith.constant 0 : i32
          %get3A_569 = arith.index_cast %while3A_290 : i32 to index
          %get3A_570 = arith.index_cast %get3A_568 : i32 to index
          %get3A_571 = arith.constant 288 : index
          %get3A_572 = tpu.vector_load %arg8[%get3A_569, %get3A_570, %get3A_571] {strides = array<i32>} : memref<96x1x512xf32, #tpu.memory_space<vmem>>, vector<1x1x16xf32>,
          %get3A_573 = vector.shape_cast %get3A_572 : vector<1x1x16xf32> to vector<16xf32>
          %sub3A_574 = arith.subf %get3A_573, %get3A_567 : vector<16xf32>
          %mul3A_575 = arith.mulf %sub3A_574, %sub3A_574 : vector<16xf32>
          %add3A_576 = arith.addf %add3A_561, %mul3A_575 : vector<16xf32>
          %get3A_577 = arith.constant 0 : i32
          %get3A_578 = arith.index_cast %while3A_290 : i32 to index
          %get3A_579 = arith.index_cast %get3A_577 : i32 to index
          %get3A_580 = arith.constant 304 : index
          %get3A_581 = tpu.vector_load %arg7[%get3A_578, %get3A_579, %get3A_580] {strides = array<i32>} : memref<96x1x512xf32, #tpu.memory_space<vmem>>, vector<1x1x16xf32>,
          %get3A_582 = vector.shape_cast %get3A_581 : vector<1x1x16xf32> to vector<16xf32>
          %get3A_583 = arith.constant 0 : i32
          %get3A_584 = arith.index_cast %while3A_290 : i32 to index
          %get3A_585 = arith.index_cast %get3A_583 : i32 to index
          %get3A_586 = arith.constant 304 : index
          %get3A_587 = tpu.vector_load %arg8[%get3A_584, %get3A_585, %get3A_586] {strides = array<i32>} : memref<96x1x512xf32, #tpu.memory_space<vmem>>, vector<1x1x16xf32>,
          %get3A_588 = vector.shape_cast %get3A_587 : vector<1x1x16xf32> to vector<16xf32>
          %sub3A_589 = arith.subf %get3A_588, %get3A_582 : vector<16xf32>
          %mul3A_590 = arith.mulf %sub3A_589, %sub3A_589 : vector<16xf32>
          %add3A_591 = arith.addf %add3A_576, %mul3A_590 : vector<16xf32>
          %get3A_592 = arith.constant 0 : i32
          %get3A_593 = arith.index_cast %while3A_290 : i32 to index
          %get3A_594 = arith.index_cast %get3A_592 : i32 to index
          %get3A_595 = arith.constant 320 : index
          %get3A_596 = tpu.vector_load %arg7[%get3A_593, %get3A_594, %get3A_595] {strides = array<i32>} : memref<96x1x512xf32, #tpu.memory_space<vmem>>, vector<1x1x16xf32>,
          %get3A_597 = vector.shape_cast %get3A_596 : vector<1x1x16xf32> to vector<16xf32>
          %get3A_598 = arith.constant 0 : i32
          %get3A_599 = arith.index_cast %while3A_290 : i32 to index
          %get3A_600 = arith.index_cast %get3A_598 : i32 to index
          %get3A_601 = arith.constant 320 : index
          %get3A_602 = tpu.vector_load %arg8[%get3A_599, %get3A_600, %get3A_601] {strides = array<i32>} : memref<96x1x512xf32, #tpu.memory_space<vmem>>, vector<1x1x16xf32>,
          %get3A_603 = vector.shape_cast %get3A_602 : vector<1x1x16xf32> to vector<16xf32>
          %sub3A_604 = arith.subf %get3A_603, %get3A_597 : vector<16xf32>
          %mul3A_605 = arith.mulf %sub3A_604, %sub3A_604 : vector<16xf32>
          %add3A_606 = arith.addf %add3A_591, %mul3A_605 : vector<16xf32>
          %get3A_607 = arith.constant 0 : i32
          %get3A_608 = arith.index_cast %while3A_290 : i32 to index
          %get3A_609 = arith.index_cast %get3A_607 : i32 to index
          %get3A_610 = arith.constant 336 : index
          %get3A_611 = tpu.vector_load %arg7[%get3A_608, %get3A_609, %get3A_610] {strides = array<i32>} : memref<96x1x512xf32, #tpu.memory_space<vmem>>, vector<1x1x16xf32>,
          %get3A_612 = vector.shape_cast %get3A_611 : vector<1x1x16xf32> to vector<16xf32>
          %get3A_613 = arith.constant 0 : i32
          %get3A_614 = arith.index_cast %while3A_290 : i32 to index
          %get3A_615 = arith.index_cast %get3A_613 : i32 to index
          %get3A_616 = arith.constant 336 : index
          %get3A_617 = tpu.vector_load %arg8[%get3A_614, %get3A_615, %get3A_616] {strides = array<i32>} : memref<96x1x512xf32, #tpu.memory_space<vmem>>, vector<1x1x16xf32>,
          %get3A_618 = vector.shape_cast %get3A_617 : vector<1x1x16xf32> to vector<16xf32>
          %sub3A_619 = arith.subf %get3A_618, %get3A_612 : vector<16xf32>
          %mul3A_620 = arith.mulf %sub3A_619, %sub3A_619 : vector<16xf32>
          %add3A_621 = arith.addf %add3A_606, %mul3A_620 : vector<16xf32>
          %get3A_622 = arith.constant 0 : i32
          %get3A_623 = arith.index_cast %while3A_290 : i32 to index
          %get3A_624 = arith.index_cast %get3A_622 : i32 to index
          %get3A_625 = arith.constant 352 : index
          %get3A_626 = tpu.vector_load %arg7[%get3A_623, %get3A_624, %get3A_625] {strides = array<i32>} : memref<96x1x512xf32, #tpu.memory_space<vmem>>, vector<1x1x16xf32>,
          %get3A_627 = vector.shape_cast %get3A_626 : vector<1x1x16xf32> to vector<16xf32>
          %get3A_628 = arith.constant 0 : i32
          %get3A_629 = arith.index_cast %while3A_290 : i32 to index
          %get3A_630 = arith.index_cast %get3A_628 : i32 to index
          %get3A_631 = arith.constant 352 : index
          %get3A_632 = tpu.vector_load %arg8[%get3A_629, %get3A_630, %get3A_631] {strides = array<i32>} : memref<96x1x512xf32, #tpu.memory_space<vmem>>, vector<1x1x16xf32>,
          %get3A_633 = vector.shape_cast %get3A_632 : vector<1x1x16xf32> to vector<16xf32>
          %sub3A_634 = arith.subf %get3A_633, %get3A_627 : vector<16xf32>
          %mul3A_635 = arith.mulf %sub3A_634, %sub3A_634 : vector<16xf32>
          %add3A_636 = arith.addf %add3A_621, %mul3A_635 : vector<16xf32>
          %get3A_637 = arith.constant 0 : i32
          %get3A_638 = arith.index_cast %while3A_290 : i32 to index
          %get3A_639 = arith.index_cast %get3A_637 : i32 to index
          %get3A_640 = arith.constant 368 : index
          %get3A_641 = tpu.vector_load %arg7[%get3A_638, %get3A_639, %get3A_640] {strides = array<i32>} : memref<96x1x512xf32, #tpu.memory_space<vmem>>, vector<1x1x16xf32>,
          %get3A_642 = vector.shape_cast %get3A_641 : vector<1x1x16xf32> to vector<16xf32>
          %get3A_643 = arith.constant 0 : i32
          %get3A_644 = arith.index_cast %while3A_290 : i32 to index
          %get3A_645 = arith.index_cast %get3A_643 : i32 to index
          %get3A_646 = arith.constant 368 : index
          %get3A_647 = tpu.vector_load %arg8[%get3A_644, %get3A_645, %get3A_646] {strides = array<i32>} : memref<96x1x512xf32, #tpu.memory_space<vmem>>, vector<1x1x16xf32>,
          %get3A_648 = vector.shape_cast %get3A_647 : vector<1x1x16xf32> to vector<16xf32>
          %sub3A_649 = arith.subf %get3A_648, %get3A_642 : vector<16xf32>
          %mul3A_650 = arith.mulf %sub3A_649, %sub3A_649 : vector<16xf32>
          %add3A_651 = arith.addf %add3A_636, %mul3A_650 : vector<16xf32>
          %get3A_652 = arith.constant 0 : i32
          %get3A_653 = arith.index_cast %while3A_290 : i32 to index
          %get3A_654 = arith.index_cast %get3A_652 : i32 to index
          %get3A_655 = arith.constant 384 : index
          %get3A_656 = tpu.vector_load %arg7[%get3A_653, %get3A_654, %get3A_655] {strides = array<i32>} : memref<96x1x512xf32, #tpu.memory_space<vmem>>, vector<1x1x16xf32>,
          %get3A_657 = vector.shape_cast %get3A_656 : vector<1x1x16xf32> to vector<16xf32>
          %get3A_658 = arith.constant 0 : i32
          %get3A_659 = arith.index_cast %while3A_290 : i32 to index
          %get3A_660 = arith.index_cast %get3A_658 : i32 to index
          %get3A_661 = arith.constant 384 : index
          %get3A_662 = tpu.vector_load %arg8[%get3A_659, %get3A_660, %get3A_661] {strides = array<i32>} : memref<96x1x512xf32, #tpu.memory_space<vmem>>, vector<1x1x16xf32>,
          %get3A_663 = vector.shape_cast %get3A_662 : vector<1x1x16xf32> to vector<16xf32>
          %sub3A_664 = arith.subf %get3A_663, %get3A_657 : vector<16xf32>
          %mul3A_665 = arith.mulf %sub3A_664, %sub3A_664 : vector<16xf32>
          %add3A_666 = arith.addf %add3A_651, %mul3A_665 : vector<16xf32>
          %get3A_667 = arith.constant 0 : i32
          %get3A_668 = arith.index_cast %while3A_290 : i32 to index
          %get3A_669 = arith.index_cast %get3A_667 : i32 to index
          %get3A_670 = arith.constant 400 : index
          %get3A_671 = tpu.vector_load %arg7[%get3A_668, %get3A_669, %get3A_670] {strides = array<i32>} : memref<96x1x512xf32, #tpu.memory_space<vmem>>, vector<1x1x16xf32>,
          %get3A_672 = vector.shape_cast %get3A_671 : vector<1x1x16xf32> to vector<16xf32>
          %get3A_673 = arith.constant 0 : i32
          %get3A_674 = arith.index_cast %while3A_290 : i32 to index
          %get3A_675 = arith.index_cast %get3A_673 : i32 to index
          %get3A_676 = arith.constant 400 : index
          %get3A_677 = tpu.vector_load %arg8[%get3A_674, %get3A_675, %get3A_676] {strides = array<i32>} : memref<96x1x512xf32, #tpu.memory_space<vmem>>, vector<1x1x16xf32>,
          %get3A_678 = vector.shape_cast %get3A_677 : vector<1x1x16xf32> to vector<16xf32>
          %sub3A_679 = arith.subf %get3A_678, %get3A_672 : vector<16xf32>
          %mul3A_680 = arith.mulf %sub3A_679, %sub3A_679 : vector<16xf32>
          %add3A_681 = arith.addf %add3A_666, %mul3A_680 : vector<16xf32>
          %get3A_682 = arith.constant 0 : i32
          %get3A_683 = arith.index_cast %while3A_290 : i32 to index
          %get3A_684 = arith.index_cast %get3A_682 : i32 to index
          %get3A_685 = arith.constant 416 : index
          %get3A_686 = tpu.vector_load %arg7[%get3A_683, %get3A_684, %get3A_685] {strides = array<i32>} : memref<96x1x512xf32, #tpu.memory_space<vmem>>, vector<1x1x16xf32>,
          %get3A_687 = vector.shape_cast %get3A_686 : vector<1x1x16xf32> to vector<16xf32>
          %get3A_688 = arith.constant 0 : i32
          %get3A_689 = arith.index_cast %while3A_290 : i32 to index
          %get3A_690 = arith.index_cast %get3A_688 : i32 to index
          %get3A_691 = arith.constant 416 : index
          %get3A_692 = tpu.vector_load %arg8[%get3A_689, %get3A_690, %get3A_691] {strides = array<i32>} : memref<96x1x512xf32, #tpu.memory_space<vmem>>, vector<1x1x16xf32>,
          %get3A_693 = vector.shape_cast %get3A_692 : vector<1x1x16xf32> to vector<16xf32>
          %sub3A_694 = arith.subf %get3A_693, %get3A_687 : vector<16xf32>
          %mul3A_695 = arith.mulf %sub3A_694, %sub3A_694 : vector<16xf32>
          %add3A_696 = arith.addf %add3A_681, %mul3A_695 : vector<16xf32>
          %get3A_697 = arith.constant 0 : i32
          %get3A_698 = arith.index_cast %while3A_290 : i32 to index
          %get3A_699 = arith.index_cast %get3A_697 : i32 to index
          %get3A_700 = arith.constant 432 : index
          %get3A_701 = tpu.vector_load %arg7[%get3A_698, %get3A_699, %get3A_700] {strides = array<i32>} : memref<96x1x512xf32, #tpu.memory_space<vmem>>, vector<1x1x16xf32>,
          %get3A_702 = vector.shape_cast %get3A_701 : vector<1x1x16xf32> to vector<16xf32>
          %get3A_703 = arith.constant 0 : i32
          %get3A_704 = arith.index_cast %while3A_290 : i32 to index
          %get3A_705 = arith.index_cast %get3A_703 : i32 to index
          %get3A_706 = arith.constant 432 : index
          %get3A_707 = tpu.vector_load %arg8[%get3A_704, %get3A_705, %get3A_706] {strides = array<i32>} : memref<96x1x512xf32, #tpu.memory_space<vmem>>, vector<1x1x16xf32>,
          %get3A_708 = vector.shape_cast %get3A_707 : vector<1x1x16xf32> to vector<16xf32>
          %sub3A_709 = arith.subf %get3A_708, %get3A_702 : vector<16xf32>
          %mul3A_710 = arith.mulf %sub3A_709, %sub3A_709 : vector<16xf32>
          %add3A_711 = arith.addf %add3A_696, %mul3A_710 : vector<16xf32>
          %get3A_712 = arith.constant 0 : i32
          %get3A_713 = arith.index_cast %while3A_290 : i32 to index
          %get3A_714 = arith.index_cast %get3A_712 : i32 to index
          %get3A_715 = arith.constant 448 : index
          %get3A_716 = tpu.vector_load %arg7[%get3A_713, %get3A_714, %get3A_715] {strides = array<i32>} : memref<96x1x512xf32, #tpu.memory_space<vmem>>, vector<1x1x16xf32>,
          %get3A_717 = vector.shape_cast %get3A_716 : vector<1x1x16xf32> to vector<16xf32>
          %get3A_718 = arith.constant 0 : i32
          %get3A_719 = arith.index_cast %while3A_290 : i32 to index
          %get3A_720 = arith.index_cast %get3A_718 : i32 to index
          %get3A_721 = arith.constant 448 : index
          %get3A_722 = tpu.vector_load %arg8[%get3A_719, %get3A_720, %get3A_721] {strides = array<i32>} : memref<96x1x512xf32, #tpu.memory_space<vmem>>, vector<1x1x16xf32>,
          %get3A_723 = vector.shape_cast %get3A_722 : vector<1x1x16xf32> to vector<16xf32>
          %sub3A_724 = arith.subf %get3A_723, %get3A_717 : vector<16xf32>
          %mul3A_725 = arith.mulf %sub3A_724, %sub3A_724 : vector<16xf32>
          %add3A_726 = arith.addf %add3A_711, %mul3A_725 : vector<16xf32>
          %get3A_727 = arith.constant 0 : i32
          %get3A_728 = arith.index_cast %while3A_290 : i32 to index
          %get3A_729 = arith.index_cast %get3A_727 : i32 to index
          %get3A_730 = arith.constant 464 : index
          %get3A_731 = tpu.vector_load %arg7[%get3A_728, %get3A_729, %get3A_730] {strides = array<i32>} : memref<96x1x512xf32, #tpu.memory_space<vmem>>, vector<1x1x16xf32>,
          %get3A_732 = vector.shape_cast %get3A_731 : vector<1x1x16xf32> to vector<16xf32>
          %get3A_733 = arith.constant 0 : i32
          %get3A_734 = arith.index_cast %while3A_290 : i32 to index
          %get3A_735 = arith.index_cast %get3A_733 : i32 to index
          %get3A_736 = arith.constant 464 : index
          %get3A_737 = tpu.vector_load %arg8[%get3A_734, %get3A_735, %get3A_736] {strides = array<i32>} : memref<96x1x512xf32, #tpu.memory_space<vmem>>, vector<1x1x16xf32>,
          %get3A_738 = vector.shape_cast %get3A_737 : vector<1x1x16xf32> to vector<16xf32>
          %sub3A_739 = arith.subf %get3A_738, %get3A_732 : vector<16xf32>
          %mul3A_740 = arith.mulf %sub3A_739, %sub3A_739 : vector<16xf32>
          %add3A_741 = arith.addf %add3A_726, %mul3A_740 : vector<16xf32>
          %get3A_742 = arith.constant 0 : i32
          %get3A_743 = arith.index_cast %while3A_290 : i32 to index
          %get3A_744 = arith.index_cast %get3A_742 : i32 to index
          %get3A_745 = arith.constant 480 : index
          %get3A_746 = tpu.vector_load %arg7[%get3A_743, %get3A_744, %get3A_745] {strides = array<i32>} : memref<96x1x512xf32, #tpu.memory_space<vmem>>, vector<1x1x16xf32>,
          %get3A_747 = vector.shape_cast %get3A_746 : vector<1x1x16xf32> to vector<16xf32>
          %get3A_748 = arith.constant 0 : i32
          %get3A_749 = arith.index_cast %while3A_290 : i32 to index
          %get3A_750 = arith.index_cast %get3A_748 : i32 to index
          %get3A_751 = arith.constant 480 : index
          %get3A_752 = tpu.vector_load %arg8[%get3A_749, %get3A_750, %get3A_751] {strides = array<i32>} : memref<96x1x512xf32, #tpu.memory_space<vmem>>, vector<1x1x16xf32>,
          %get3A_753 = vector.shape_cast %get3A_752 : vector<1x1x16xf32> to vector<16xf32>
          %sub3A_754 = arith.subf %get3A_753, %get3A_747 : vector<16xf32>
          %mul3A_755 = arith.mulf %sub3A_754, %sub3A_754 : vector<16xf32>
          %add3A_756 = arith.addf %add3A_741, %mul3A_755 : vector<16xf32>
          %get3A_757 = arith.constant 0 : i32
          %get3A_758 = arith.index_cast %while3A_290 : i32 to index
          %get3A_759 = arith.index_cast %get3A_757 : i32 to index
          %get3A_760 = arith.constant 496 : index
          %get3A_761 = tpu.vector_load %arg7[%get3A_758, %get3A_759, %get3A_760] {strides = array<i32>} : memref<96x1x512xf32, #tpu.memory_space<vmem>>, vector<1x1x16xf32>,
          %get3A_762 = vector.shape_cast %get3A_761 : vector<1x1x16xf32> to vector<16xf32>
          %get3A_763 = arith.constant 0 : i32
          %get3A_764 = arith.index_cast %while3A_290 : i32 to index
          %get3A_765 = arith.index_cast %get3A_763 : i32 to index
          %get3A_766 = arith.constant 496 : index
          %get3A_767 = tpu.vector_load %arg8[%get3A_764, %get3A_765, %get3A_766] {strides = array<i32>} : memref<96x1x512xf32, #tpu.memory_space<vmem>>, vector<1x1x16xf32>,
          %get3A_768 = vector.shape_cast %get3A_767 : vector<1x1x16xf32> to vector<16xf32>
          %sub3A_769 = arith.subf %get3A_768, %get3A_762 : vector<16xf32>
          %mul3A_770 = arith.mulf %sub3A_769, %sub3A_769 : vector<16xf32>
          %add3A_771 = arith.addf %add3A_756, %mul3A_770 : vector<16xf32>
          scf.yield %add3A_771 : vector<16xf32>
        }
        scf.yield %while3A_289 : vector<16xf32>
      }
      %while3A_213 = arith.constant 1 : i32
      %while3A_214 = scf.for %while3A_226 = %while3A_210 to %while3A_206 step %while3A_213 iter_args(%while3A_227 = %while3A_212) -> (vector<16xf32>)  : i32 {
        %rem3A_228 = arith.constant 3 : i32
        %rem3A_229 = arith.remsi %while3A_226, %rem3A_228 : i32
        %add3A_230 = arith.constant 2 : i32
        %add3A_231 = arith.addi %while3A_226, %add3A_230 : i32
        %lt3A = arith.cmpi slt, %add3A_231, %select_n3A_195 : i32
        %convert_element_type3A_232 = arith.extui %lt3A : i1 to i32
        %cond3A_233 = arith.constant 0 : i32
        %cond3A_234 = arith.cmpi ne, %convert_element_type3A_232, %cond3A_233 : i32
        scf.if %cond3A_234 {
          %add3A_290 = arith.constant 2 : i32
          %add3A_291 = arith.addi %while3A_226, %add3A_290 : i32
          %add3A_292 = arith.constant 2 : i32
          %add3A_293 = arith.addi %while3A_226, %add3A_292 : i32
          %rem3A_294 = arith.constant 3 : i32
          %rem3A_295 = arith.remsi %add3A_293, %rem3A_294 : i32
          %mul3A_296 = arith.constant 32 : i32
          %mul3A_297 = arith.muli %add3A_291, %mul3A_296 : i32
          %add3A_298 = arith.addi %add3A_165, %mul3A_297 : i32
          %min3A_299 = arith.constant 2016 : i32
          %min3A_300 = arith.minsi %add3A_298, %min3A_299 : i32
          %mul3A_301 = arith.constant 32 : i32
          %mul3A_302 = arith.muli %rem3A_295, %mul3A_301 : i32
          %dma_start3A = arith.constant 0 : i32
          %dma_start3A_303 = arith.constant 0 : i32
          %dma_start3A_304 = tpu.memref_slice %arg7[%mul3A_302, %dma_start3A, %dma_start3A_303] : memref<96x1x512xf32, #tpu.memory_space<vmem>> -> memref<32x1x512xf32, #tpu.memory_space<vmem>>
          %dma_start3A_305 = arith.constant 0 : i32
          %dma_start3A_306 = tpu.memref_slice %arg2[%min3A_300, %scan3A_154, %dma_start3A_305] : memref<2048x16x512xf32, #tpu.memory_space<hbm>> -> memref<32x1x512xf32, #tpu.memory_space<hbm>>
          %dma_start3A_307 = tpu.memref_slice %arg10[%rem3A_295] : memref<3x!tpu.dma_semaphore, #tpu.memory_space<semaphore_mem>> -> memref<1x!tpu.dma_semaphore, #tpu.memory_space<semaphore_mem>>
          %dma_start3A_308 = tpu.memref_squeeze %dma_start3A_307 : memref<1x!tpu.dma_semaphore, #tpu.memory_space<semaphore_mem>> -> memref<!tpu.dma_semaphore, #tpu.memory_space<semaphore_mem>>
          %dma_start3A_309 = arith.constant 0 : i32
          %dma_start3A_310 = arith.constant 0 : i32
          %dma_start3A_311 = tpu.memref_slice %arg7[%mul3A_302, %dma_start3A_309, %dma_start3A_310] : memref<96x1x512xf32, #tpu.memory_space<vmem>> -> memref<32x1x512xf32, #tpu.memory_space<vmem>>
          %dma_start3A_312 = arith.constant 0 : i32
          %dma_start3A_313 = tpu.memref_slice %arg2[%min3A_300, %scan3A_154, %dma_start3A_312] : memref<2048x16x512xf32, #tpu.memory_space<hbm>> -> memref<32x1x512xf32, #tpu.memory_space<hbm>>
          tpu.enqueue_dma source(%dma_start3A_313 : memref<32x1x512xf32, #tpu.memory_space<hbm>>) target(%dma_start3A_311 : memref<32x1x512xf32, #tpu.memory_space<vmem>>) target_semaphore(%dma_start3A_308 : memref<!tpu.dma_semaphore, #tpu.memory_space<semaphore_mem>>)
          %mul3A_314 = arith.constant 32 : i32
          %mul3A_315 = arith.muli %rem3A_295, %mul3A_314 : i32
          %dma_start3A_316 = arith.constant 0 : i32
          %dma_start3A_317 = arith.constant 0 : i32
          %dma_start3A_318 = tpu.memref_slice %arg8[%mul3A_315, %dma_start3A_316, %dma_start3A_317] : memref<96x1x512xf32, #tpu.memory_space<vmem>> -> memref<32x1x512xf32, #tpu.memory_space<vmem>>
          %dma_start3A_319 = arith.constant 0 : i32
          %dma_start3A_320 = tpu.memref_slice %arg3[%min3A_300, %scan3A_154, %dma_start3A_319] : memref<2048x16x512xf32, #tpu.memory_space<hbm>> -> memref<32x1x512xf32, #tpu.memory_space<hbm>>
          %dma_start3A_321 = tpu.memref_slice %arg11[%rem3A_295] : memref<3x!tpu.dma_semaphore, #tpu.memory_space<semaphore_mem>> -> memref<1x!tpu.dma_semaphore, #tpu.memory_space<semaphore_mem>>
          %dma_start3A_322 = tpu.memref_squeeze %dma_start3A_321 : memref<1x!tpu.dma_semaphore, #tpu.memory_space<semaphore_mem>> -> memref<!tpu.dma_semaphore, #tpu.memory_space<semaphore_mem>>
          %dma_start3A_323 = arith.constant 0 : i32
          %dma_start3A_324 = arith.constant 0 : i32
          %dma_start3A_325 = tpu.memref_slice %arg8[%mul3A_315, %dma_start3A_323, %dma_start3A_324] : memref<96x1x512xf32, #tpu.memory_space<vmem>> -> memref<32x1x512xf32, #tpu.memory_space<vmem>>
          %dma_start3A_326 = arith.constant 0 : i32
          %dma_start3A_327 = tpu.memref_slice %arg3[%min3A_300, %scan3A_154, %dma_start3A_326] : memref<2048x16x512xf32, #tpu.memory_space<hbm>> -> memref<32x1x512xf32, #tpu.memory_space<hbm>>
          tpu.enqueue_dma source(%dma_start3A_327 : memref<32x1x512xf32, #tpu.memory_space<hbm>>) target(%dma_start3A_325 : memref<32x1x512xf32, #tpu.memory_space<vmem>>) target_semaphore(%dma_start3A_322 : memref<!tpu.dma_semaphore, #tpu.memory_space<semaphore_mem>>)
        } else {
        }
        %mul3A_235 = arith.constant 32 : i32
        %mul3A_236 = arith.muli %rem3A_229, %mul3A_235 : i32
        %dma_wait3A = arith.constant 0 : i32
        %dma_wait3A_237 = arith.constant 0 : i32
        %dma_wait3A_238 = tpu.memref_slice %arg7[%mul3A_236, %dma_wait3A, %dma_wait3A_237] : memref<96x1x512xf32, #tpu.memory_space<vmem>> -> memref<32x1x512xf32, #tpu.memory_space<vmem>>
        %dma_wait3A_239 = arith.constant 0 : i32
        %dma_wait3A_240 = arith.constant 0 : i32
        %dma_wait3A_241 = tpu.memref_slice %arg2[%dma_wait3A_239, %scan3A_154, %dma_wait3A_240] : memref<2048x16x512xf32, #tpu.memory_space<hbm>> -> memref<32x1x512xf32, #tpu.memory_space<hbm>>
        %dma_wait3A_242 = tpu.memref_slice %arg10[%rem3A_229] : memref<3x!tpu.dma_semaphore, #tpu.memory_space<semaphore_mem>> -> memref<1x!tpu.dma_semaphore, #tpu.memory_space<semaphore_mem>>
        %dma_wait3A_243 = tpu.memref_squeeze %dma_wait3A_242 : memref<1x!tpu.dma_semaphore, #tpu.memory_space<semaphore_mem>> -> memref<!tpu.dma_semaphore, #tpu.memory_space<semaphore_mem>>
        %dma_wait3A_244 = arith.constant 0 : i32
        %dma_wait3A_245 = arith.constant 0 : i32
        %dma_wait3A_246 = tpu.memref_slice %arg7[%mul3A_236, %dma_wait3A_244, %dma_wait3A_245] : memref<96x1x512xf32, #tpu.memory_space<vmem>> -> memref<32x1x512xf32, #tpu.memory_space<vmem>>
        %dma_wait3A_247 = arith.constant 0 : i32
        %dma_wait3A_248 = arith.constant 0 : i32
        %dma_wait3A_249 = tpu.memref_slice %arg2[%dma_wait3A_247, %scan3A_154, %dma_wait3A_248] : memref<2048x16x512xf32, #tpu.memory_space<hbm>> -> memref<32x1x512xf32, #tpu.memory_space<hbm>>
        tpu.wait_dma2 semaphore(%dma_wait3A_243 : memref<!tpu.dma_semaphore, #tpu.memory_space<semaphore_mem>>) src(%dma_wait3A_249 : memref<32x1x512xf32, #tpu.memory_space<hbm>>) dst(%dma_wait3A_246 : memref<32x1x512xf32, #tpu.memory_space<vmem>>)
        %mul3A_250 = arith.constant 32 : i32
        %mul3A_251 = arith.muli %rem3A_229, %mul3A_250 : i32
        %dma_wait3A_252 = arith.constant 0 : i32
        %dma_wait3A_253 = arith.constant 0 : i32
        %dma_wait3A_254 = tpu.memref_slice %arg8[%mul3A_251, %dma_wait3A_252, %dma_wait3A_253] : memref<96x1x512xf32, #tpu.memory_space<vmem>> -> memref<32x1x512xf32, #tpu.memory_space<vmem>>
        %dma_wait3A_255 = arith.constant 0 : i32
        %dma_wait3A_256 = arith.constant 0 : i32
        %dma_wait3A_257 = tpu.memref_slice %arg3[%dma_wait3A_255, %scan3A_154, %dma_wait3A_256] : memref<2048x16x512xf32, #tpu.memory_space<hbm>> -> memref<32x1x512xf32, #tpu.memory_space<hbm>>
        %dma_wait3A_258 = tpu.memref_slice %arg11[%rem3A_229] : memref<3x!tpu.dma_semaphore, #tpu.memory_space<semaphore_mem>> -> memref<1x!tpu.dma_semaphore, #tpu.memory_space<semaphore_mem>>
        %dma_wait3A_259 = tpu.memref_squeeze %dma_wait3A_258 : memref<1x!tpu.dma_semaphore, #tpu.memory_space<semaphore_mem>> -> memref<!tpu.dma_semaphore, #tpu.memory_space<semaphore_mem>>
        %dma_wait3A_260 = arith.constant 0 : i32
        %dma_wait3A_261 = arith.constant 0 : i32
        %dma_wait3A_262 = tpu.memref_slice %arg8[%mul3A_251, %dma_wait3A_260, %dma_wait3A_261] : memref<96x1x512xf32, #tpu.memory_space<vmem>> -> memref<32x1x512xf32, #tpu.memory_space<vmem>>
        %dma_wait3A_263 = arith.constant 0 : i32
        %dma_wait3A_264 = arith.constant 0 : i32
        %dma_wait3A_265 = tpu.memref_slice %arg3[%dma_wait3A_263, %scan3A_154, %dma_wait3A_264] : memref<2048x16x512xf32, #tpu.memory_space<hbm>> -> memref<32x1x512xf32, #tpu.memory_space<hbm>>
        tpu.wait_dma2 semaphore(%dma_wait3A_259 : memref<!tpu.dma_semaphore, #tpu.memory_space<semaphore_mem>>) src(%dma_wait3A_265 : memref<32x1x512xf32, #tpu.memory_space<hbm>>) dst(%dma_wait3A_262 : memref<32x1x512xf32, #tpu.memory_space<vmem>>)
        %mul3A_266 = arith.constant 32 : i32
        %mul3A_267 = arith.muli %while3A_226, %mul3A_266 : i32
        %add3A_268 = arith.addi %add3A_165, %mul3A_267 : i32
        %min3A_269 = arith.constant 2016 : i32
        %min3A_270 = arith.minsi %add3A_268, %min3A_269 : i32
        %mul3A_271 = arith.constant 32 : i32
        %mul3A_272 = arith.muli %rem3A_229, %mul3A_271 : i32
        %sub3A_273 = arith.subi %add3A_268, %min3A_270 : i32
        %add3A_274 = arith.addi %mul3A_272, %sub3A_273 : i32
        %add3A_275 = arith.constant 32 : i32
        %add3A_276 = arith.addi %add3A_268, %add3A_275 : i32
        %min3A_277 = arith.minsi %add3A_168, %add3A_276 : i32
        %sub3A_278 = arith.subi %min3A_277, %min3A_270 : i32
        %add3A_279 = arith.addi %mul3A_272, %sub3A_278 : i32
        %while3A_280 = arith.subi %add3A_279, %add3A_274 : i32
        %while3A_281 = arith.addi %add3A_274, %while3A_280 : i32
        %while3A_282 = arith.constant 1 : i32
        %while3A_283 = arith.divsi %while3A_280, %while3A_282 : i32
        %while3A_284 = arith.muli %while3A_283, %while3A_282 : i32
        %while3A_285 = arith.addi %add3A_274, %while3A_284 : i32
        %while3A_286 = arith.constant 1 : i32
        %while3A_287 = scf.for %while3A_290 = %add3A_274 to %while3A_285 step %while3A_286 iter_args(%while3A_291 = %while3A_227) -> (vector<16xf32>)  : i32 {
          %get3A_292 = arith.constant 0 : i32
          %get3A_293 = arith.index_cast %while3A_290 : i32 to index
          %get3A_294 = arith.index_cast %get3A_292 : i32 to index
          %get3A_295 = arith.constant 0 : index
          %get3A_296 = tpu.vector_load %arg7[%get3A_293, %get3A_294, %get3A_295] {strides = array<i32>} : memref<96x1x512xf32, #tpu.memory_space<vmem>>, vector<1x1x16xf32>,
          %get3A_297 = vector.shape_cast %get3A_296 : vector<1x1x16xf32> to vector<16xf32>
          %get3A_298 = arith.constant 0 : i32
          %get3A_299 = arith.index_cast %while3A_290 : i32 to index
          %get3A_300 = arith.index_cast %get3A_298 : i32 to index
          %get3A_301 = arith.constant 0 : index
          %get3A_302 = tpu.vector_load %arg8[%get3A_299, %get3A_300, %get3A_301] {strides = array<i32>} : memref<96x1x512xf32, #tpu.memory_space<vmem>>, vector<1x1x16xf32>,
          %get3A_303 = vector.shape_cast %get3A_302 : vector<1x1x16xf32> to vector<16xf32>
          %sub3A_304 = arith.subf %get3A_303, %get3A_297 : vector<16xf32>
          %mul3A_305 = arith.mulf %sub3A_304, %sub3A_304 : vector<16xf32>
          %add3A_306 = arith.addf %while3A_291, %mul3A_305 : vector<16xf32>
          %get3A_307 = arith.constant 0 : i32
          %get3A_308 = arith.index_cast %while3A_290 : i32 to index
          %get3A_309 = arith.index_cast %get3A_307 : i32 to index
          %get3A_310 = arith.constant 16 : index
          %get3A_311 = tpu.vector_load %arg7[%get3A_308, %get3A_309, %get3A_310] {strides = array<i32>} : memref<96x1x512xf32, #tpu.memory_space<vmem>>, vector<1x1x16xf32>,
          %get3A_312 = vector.shape_cast %get3A_311 : vector<1x1x16xf32> to vector<16xf32>
          %get3A_313 = arith.constant 0 : i32
          %get3A_314 = arith.index_cast %while3A_290 : i32 to index
          %get3A_315 = arith.index_cast %get3A_313 : i32 to index
          %get3A_316 = arith.constant 16 : index
          %get3A_317 = tpu.vector_load %arg8[%get3A_314, %get3A_315, %get3A_316] {strides = array<i32>} : memref<96x1x512xf32, #tpu.memory_space<vmem>>, vector<1x1x16xf32>,
          %get3A_318 = vector.shape_cast %get3A_317 : vector<1x1x16xf32> to vector<16xf32>
          %sub3A_319 = arith.subf %get3A_318, %get3A_312 : vector<16xf32>
          %mul3A_320 = arith.mulf %sub3A_319, %sub3A_319 : vector<16xf32>
          %add3A_321 = arith.addf %add3A_306, %mul3A_320 : vector<16xf32>
          %get3A_322 = arith.constant 0 : i32
          %get3A_323 = arith.index_cast %while3A_290 : i32 to index
          %get3A_324 = arith.index_cast %get3A_322 : i32 to index
          %get3A_325 = arith.constant 32 : index
          %get3A_326 = tpu.vector_load %arg7[%get3A_323, %get3A_324, %get3A_325] {strides = array<i32>} : memref<96x1x512xf32, #tpu.memory_space<vmem>>, vector<1x1x16xf32>,
          %get3A_327 = vector.shape_cast %get3A_326 : vector<1x1x16xf32> to vector<16xf32>
          %get3A_328 = arith.constant 0 : i32
          %get3A_329 = arith.index_cast %while3A_290 : i32 to index
          %get3A_330 = arith.index_cast %get3A_328 : i32 to index
          %get3A_331 = arith.constant 32 : index
          %get3A_332 = tpu.vector_load %arg8[%get3A_329, %get3A_330, %get3A_331] {strides = array<i32>} : memref<96x1x512xf32, #tpu.memory_space<vmem>>, vector<1x1x16xf32>,
          %get3A_333 = vector.shape_cast %get3A_332 : vector<1x1x16xf32> to vector<16xf32>
          %sub3A_334 = arith.subf %get3A_333, %get3A_327 : vector<16xf32>
          %mul3A_335 = arith.mulf %sub3A_334, %sub3A_334 : vector<16xf32>
          %add3A_336 = arith.addf %add3A_321, %mul3A_335 : vector<16xf32>
          %get3A_337 = arith.constant 0 : i32
          %get3A_338 = arith.index_cast %while3A_290 : i32 to index
          %get3A_339 = arith.index_cast %get3A_337 : i32 to index
          %get3A_340 = arith.constant 48 : index
          %get3A_341 = tpu.vector_load %arg7[%get3A_338, %get3A_339, %get3A_340] {strides = array<i32>} : memref<96x1x512xf32, #tpu.memory_space<vmem>>, vector<1x1x16xf32>,
          %get3A_342 = vector.shape_cast %get3A_341 : vector<1x1x16xf32> to vector<16xf32>
          %get3A_343 = arith.constant 0 : i32
          %get3A_344 = arith.index_cast %while3A_290 : i32 to index
          %get3A_345 = arith.index_cast %get3A_343 : i32 to index
          %get3A_346 = arith.constant 48 : index
          %get3A_347 = tpu.vector_load %arg8[%get3A_344, %get3A_345, %get3A_346] {strides = array<i32>} : memref<96x1x512xf32, #tpu.memory_space<vmem>>, vector<1x1x16xf32>,
          %get3A_348 = vector.shape_cast %get3A_347 : vector<1x1x16xf32> to vector<16xf32>
          %sub3A_349 = arith.subf %get3A_348, %get3A_342 : vector<16xf32>
          %mul3A_350 = arith.mulf %sub3A_349, %sub3A_349 : vector<16xf32>
          %add3A_351 = arith.addf %add3A_336, %mul3A_350 : vector<16xf32>
          %get3A_352 = arith.constant 0 : i32
          %get3A_353 = arith.index_cast %while3A_290 : i32 to index
          %get3A_354 = arith.index_cast %get3A_352 : i32 to index
          %get3A_355 = arith.constant 64 : index
          %get3A_356 = tpu.vector_load %arg7[%get3A_353, %get3A_354, %get3A_355] {strides = array<i32>} : memref<96x1x512xf32, #tpu.memory_space<vmem>>, vector<1x1x16xf32>,
          %get3A_357 = vector.shape_cast %get3A_356 : vector<1x1x16xf32> to vector<16xf32>
          %get3A_358 = arith.constant 0 : i32
          %get3A_359 = arith.index_cast %while3A_290 : i32 to index
          %get3A_360 = arith.index_cast %get3A_358 : i32 to index
          %get3A_361 = arith.constant 64 : index
          %get3A_362 = tpu.vector_load %arg8[%get3A_359, %get3A_360, %get3A_361] {strides = array<i32>} : memref<96x1x512xf32, #tpu.memory_space<vmem>>, vector<1x1x16xf32>,
          %get3A_363 = vector.shape_cast %get3A_362 : vector<1x1x16xf32> to vector<16xf32>
          %sub3A_364 = arith.subf %get3A_363, %get3A_357 : vector<16xf32>
          %mul3A_365 = arith.mulf %sub3A_364, %sub3A_364 : vector<16xf32>
          %add3A_366 = arith.addf %add3A_351, %mul3A_365 : vector<16xf32>
          %get3A_367 = arith.constant 0 : i32
          %get3A_368 = arith.index_cast %while3A_290 : i32 to index
          %get3A_369 = arith.index_cast %get3A_367 : i32 to index
          %get3A_370 = arith.constant 80 : index
          %get3A_371 = tpu.vector_load %arg7[%get3A_368, %get3A_369, %get3A_370] {strides = array<i32>} : memref<96x1x512xf32, #tpu.memory_space<vmem>>, vector<1x1x16xf32>,
          %get3A_372 = vector.shape_cast %get3A_371 : vector<1x1x16xf32> to vector<16xf32>
          %get3A_373 = arith.constant 0 : i32
          %get3A_374 = arith.index_cast %while3A_290 : i32 to index
          %get3A_375 = arith.index_cast %get3A_373 : i32 to index
          %get3A_376 = arith.constant 80 : index
          %get3A_377 = tpu.vector_load %arg8[%get3A_374, %get3A_375, %get3A_376] {strides = array<i32>} : memref<96x1x512xf32, #tpu.memory_space<vmem>>, vector<1x1x16xf32>,
          %get3A_378 = vector.shape_cast %get3A_377 : vector<1x1x16xf32> to vector<16xf32>
          %sub3A_379 = arith.subf %get3A_378, %get3A_372 : vector<16xf32>
          %mul3A_380 = arith.mulf %sub3A_379, %sub3A_379 : vector<16xf32>
          %add3A_381 = arith.addf %add3A_366, %mul3A_380 : vector<16xf32>
          %get3A_382 = arith.constant 0 : i32
          %get3A_383 = arith.index_cast %while3A_290 : i32 to index
          %get3A_384 = arith.index_cast %get3A_382 : i32 to index
          %get3A_385 = arith.constant 96 : index
          %get3A_386 = tpu.vector_load %arg7[%get3A_383, %get3A_384, %get3A_385] {strides = array<i32>} : memref<96x1x512xf32, #tpu.memory_space<vmem>>, vector<1x1x16xf32>,
          %get3A_387 = vector.shape_cast %get3A_386 : vector<1x1x16xf32> to vector<16xf32>
          %get3A_388 = arith.constant 0 : i32
          %get3A_389 = arith.index_cast %while3A_290 : i32 to index
          %get3A_390 = arith.index_cast %get3A_388 : i32 to index
          %get3A_391 = arith.constant 96 : index
          %get3A_392 = tpu.vector_load %arg8[%get3A_389, %get3A_390, %get3A_391] {strides = array<i32>} : memref<96x1x512xf32, #tpu.memory_space<vmem>>, vector<1x1x16xf32>,
          %get3A_393 = vector.shape_cast %get3A_392 : vector<1x1x16xf32> to vector<16xf32>
          %sub3A_394 = arith.subf %get3A_393, %get3A_387 : vector<16xf32>
          %mul3A_395 = arith.mulf %sub3A_394, %sub3A_394 : vector<16xf32>
          %add3A_396 = arith.addf %add3A_381, %mul3A_395 : vector<16xf32>
          %get3A_397 = arith.constant 0 : i32
          %get3A_398 = arith.index_cast %while3A_290 : i32 to index
          %get3A_399 = arith.index_cast %get3A_397 : i32 to index
          %get3A_400 = arith.constant 112 : index
          %get3A_401 = tpu.vector_load %arg7[%get3A_398, %get3A_399, %get3A_400] {strides = array<i32>} : memref<96x1x512xf32, #tpu.memory_space<vmem>>, vector<1x1x16xf32>,
          %get3A_402 = vector.shape_cast %get3A_401 : vector<1x1x16xf32> to vector<16xf32>
          %get3A_403 = arith.constant 0 : i32
          %get3A_404 = arith.index_cast %while3A_290 : i32 to index
          %get3A_405 = arith.index_cast %get3A_403 : i32 to index
          %get3A_406 = arith.constant 112 : index
          %get3A_407 = tpu.vector_load %arg8[%get3A_404, %get3A_405, %get3A_406] {strides = array<i32>} : memref<96x1x512xf32, #tpu.memory_space<vmem>>, vector<1x1x16xf32>,
          %get3A_408 = vector.shape_cast %get3A_407 : vector<1x1x16xf32> to vector<16xf32>
          %sub3A_409 = arith.subf %get3A_408, %get3A_402 : vector<16xf32>
          %mul3A_410 = arith.mulf %sub3A_409, %sub3A_409 : vector<16xf32>
          %add3A_411 = arith.addf %add3A_396, %mul3A_410 : vector<16xf32>
          %get3A_412 = arith.constant 0 : i32
          %get3A_413 = arith.index_cast %while3A_290 : i32 to index
          %get3A_414 = arith.index_cast %get3A_412 : i32 to index
          %get3A_415 = arith.constant 128 : index
          %get3A_416 = tpu.vector_load %arg7[%get3A_413, %get3A_414, %get3A_415] {strides = array<i32>} : memref<96x1x512xf32, #tpu.memory_space<vmem>>, vector<1x1x16xf32>,
          %get3A_417 = vector.shape_cast %get3A_416 : vector<1x1x16xf32> to vector<16xf32>
          %get3A_418 = arith.constant 0 : i32
          %get3A_419 = arith.index_cast %while3A_290 : i32 to index
          %get3A_420 = arith.index_cast %get3A_418 : i32 to index
          %get3A_421 = arith.constant 128 : index
          %get3A_422 = tpu.vector_load %arg8[%get3A_419, %get3A_420, %get3A_421] {strides = array<i32>} : memref<96x1x512xf32, #tpu.memory_space<vmem>>, vector<1x1x16xf32>,
          %get3A_423 = vector.shape_cast %get3A_422 : vector<1x1x16xf32> to vector<16xf32>
          %sub3A_424 = arith.subf %get3A_423, %get3A_417 : vector<16xf32>
          %mul3A_425 = arith.mulf %sub3A_424, %sub3A_424 : vector<16xf32>
          %add3A_426 = arith.addf %add3A_411, %mul3A_425 : vector<16xf32>
          %get3A_427 = arith.constant 0 : i32
          %get3A_428 = arith.index_cast %while3A_290 : i32 to index
          %get3A_429 = arith.index_cast %get3A_427 : i32 to index
          %get3A_430 = arith.constant 144 : index
          %get3A_431 = tpu.vector_load %arg7[%get3A_428, %get3A_429, %get3A_430] {strides = array<i32>} : memref<96x1x512xf32, #tpu.memory_space<vmem>>, vector<1x1x16xf32>,
          %get3A_432 = vector.shape_cast %get3A_431 : vector<1x1x16xf32> to vector<16xf32>
          %get3A_433 = arith.constant 0 : i32
          %get3A_434 = arith.index_cast %while3A_290 : i32 to index
          %get3A_435 = arith.index_cast %get3A_433 : i32 to index
          %get3A_436 = arith.constant 144 : index
          %get3A_437 = tpu.vector_load %arg8[%get3A_434, %get3A_435, %get3A_436] {strides = array<i32>} : memref<96x1x512xf32, #tpu.memory_space<vmem>>, vector<1x1x16xf32>,
          %get3A_438 = vector.shape_cast %get3A_437 : vector<1x1x16xf32> to vector<16xf32>
          %sub3A_439 = arith.subf %get3A_438, %get3A_432 : vector<16xf32>
          %mul3A_440 = arith.mulf %sub3A_439, %sub3A_439 : vector<16xf32>
          %add3A_441 = arith.addf %add3A_426, %mul3A_440 : vector<16xf32>
          %get3A_442 = arith.constant 0 : i32
          %get3A_443 = arith.index_cast %while3A_290 : i32 to index
          %get3A_444 = arith.index_cast %get3A_442 : i32 to index
          %get3A_445 = arith.constant 160 : index
          %get3A_446 = tpu.vector_load %arg7[%get3A_443, %get3A_444, %get3A_445] {strides = array<i32>} : memref<96x1x512xf32, #tpu.memory_space<vmem>>, vector<1x1x16xf32>,
          %get3A_447 = vector.shape_cast %get3A_446 : vector<1x1x16xf32> to vector<16xf32>
          %get3A_448 = arith.constant 0 : i32
          %get3A_449 = arith.index_cast %while3A_290 : i32 to index
          %get3A_450 = arith.index_cast %get3A_448 : i32 to index
          %get3A_451 = arith.constant 160 : index
          %get3A_452 = tpu.vector_load %arg8[%get3A_449, %get3A_450, %get3A_451] {strides = array<i32>} : memref<96x1x512xf32, #tpu.memory_space<vmem>>, vector<1x1x16xf32>,
          %get3A_453 = vector.shape_cast %get3A_452 : vector<1x1x16xf32> to vector<16xf32>
          %sub3A_454 = arith.subf %get3A_453, %get3A_447 : vector<16xf32>
          %mul3A_455 = arith.mulf %sub3A_454, %sub3A_454 : vector<16xf32>
          %add3A_456 = arith.addf %add3A_441, %mul3A_455 : vector<16xf32>
          %get3A_457 = arith.constant 0 : i32
          %get3A_458 = arith.index_cast %while3A_290 : i32 to index
          %get3A_459 = arith.index_cast %get3A_457 : i32 to index
          %get3A_460 = arith.constant 176 : index
          %get3A_461 = tpu.vector_load %arg7[%get3A_458, %get3A_459, %get3A_460] {strides = array<i32>} : memref<96x1x512xf32, #tpu.memory_space<vmem>>, vector<1x1x16xf32>,
          %get3A_462 = vector.shape_cast %get3A_461 : vector<1x1x16xf32> to vector<16xf32>
          %get3A_463 = arith.constant 0 : i32
          %get3A_464 = arith.index_cast %while3A_290 : i32 to index
          %get3A_465 = arith.index_cast %get3A_463 : i32 to index
          %get3A_466 = arith.constant 176 : index
          %get3A_467 = tpu.vector_load %arg8[%get3A_464, %get3A_465, %get3A_466] {strides = array<i32>} : memref<96x1x512xf32, #tpu.memory_space<vmem>>, vector<1x1x16xf32>,
          %get3A_468 = vector.shape_cast %get3A_467 : vector<1x1x16xf32> to vector<16xf32>
          %sub3A_469 = arith.subf %get3A_468, %get3A_462 : vector<16xf32>
          %mul3A_470 = arith.mulf %sub3A_469, %sub3A_469 : vector<16xf32>
          %add3A_471 = arith.addf %add3A_456, %mul3A_470 : vector<16xf32>
          %get3A_472 = arith.constant 0 : i32
          %get3A_473 = arith.index_cast %while3A_290 : i32 to index
          %get3A_474 = arith.index_cast %get3A_472 : i32 to index
          %get3A_475 = arith.constant 192 : index
          %get3A_476 = tpu.vector_load %arg7[%get3A_473, %get3A_474, %get3A_475] {strides = array<i32>} : memref<96x1x512xf32, #tpu.memory_space<vmem>>, vector<1x1x16xf32>,
          %get3A_477 = vector.shape_cast %get3A_476 : vector<1x1x16xf32> to vector<16xf32>
          %get3A_478 = arith.constant 0 : i32
          %get3A_479 = arith.index_cast %while3A_290 : i32 to index
          %get3A_480 = arith.index_cast %get3A_478 : i32 to index
          %get3A_481 = arith.constant 192 : index
          %get3A_482 = tpu.vector_load %arg8[%get3A_479, %get3A_480, %get3A_481] {strides = array<i32>} : memref<96x1x512xf32, #tpu.memory_space<vmem>>, vector<1x1x16xf32>,
          %get3A_483 = vector.shape_cast %get3A_482 : vector<1x1x16xf32> to vector<16xf32>
          %sub3A_484 = arith.subf %get3A_483, %get3A_477 : vector<16xf32>
          %mul3A_485 = arith.mulf %sub3A_484, %sub3A_484 : vector<16xf32>
          %add3A_486 = arith.addf %add3A_471, %mul3A_485 : vector<16xf32>
          %get3A_487 = arith.constant 0 : i32
          %get3A_488 = arith.index_cast %while3A_290 : i32 to index
          %get3A_489 = arith.index_cast %get3A_487 : i32 to index
          %get3A_490 = arith.constant 208 : index
          %get3A_491 = tpu.vector_load %arg7[%get3A_488, %get3A_489, %get3A_490] {strides = array<i32>} : memref<96x1x512xf32, #tpu.memory_space<vmem>>, vector<1x1x16xf32>,
          %get3A_492 = vector.shape_cast %get3A_491 : vector<1x1x16xf32> to vector<16xf32>
          %get3A_493 = arith.constant 0 : i32
          %get3A_494 = arith.index_cast %while3A_290 : i32 to index
          %get3A_495 = arith.index_cast %get3A_493 : i32 to index
          %get3A_496 = arith.constant 208 : index
          %get3A_497 = tpu.vector_load %arg8[%get3A_494, %get3A_495, %get3A_496] {strides = array<i32>} : memref<96x1x512xf32, #tpu.memory_space<vmem>>, vector<1x1x16xf32>,
          %get3A_498 = vector.shape_cast %get3A_497 : vector<1x1x16xf32> to vector<16xf32>
          %sub3A_499 = arith.subf %get3A_498, %get3A_492 : vector<16xf32>
          %mul3A_500 = arith.mulf %sub3A_499, %sub3A_499 : vector<16xf32>
          %add3A_501 = arith.addf %add3A_486, %mul3A_500 : vector<16xf32>
          %get3A_502 = arith.constant 0 : i32
          %get3A_503 = arith.index_cast %while3A_290 : i32 to index
          %get3A_504 = arith.index_cast %get3A_502 : i32 to index
          %get3A_505 = arith.constant 224 : index
          %get3A_506 = tpu.vector_load %arg7[%get3A_503, %get3A_504, %get3A_505] {strides = array<i32>} : memref<96x1x512xf32, #tpu.memory_space<vmem>>, vector<1x1x16xf32>,
          %get3A_507 = vector.shape_cast %get3A_506 : vector<1x1x16xf32> to vector<16xf32>
          %get3A_508 = arith.constant 0 : i32
          %get3A_509 = arith.index_cast %while3A_290 : i32 to index
          %get3A_510 = arith.index_cast %get3A_508 : i32 to index
          %get3A_511 = arith.constant 224 : index
          %get3A_512 = tpu.vector_load %arg8[%get3A_509, %get3A_510, %get3A_511] {strides = array<i32>} : memref<96x1x512xf32, #tpu.memory_space<vmem>>, vector<1x1x16xf32>,
          %get3A_513 = vector.shape_cast %get3A_512 : vector<1x1x16xf32> to vector<16xf32>
          %sub3A_514 = arith.subf %get3A_513, %get3A_507 : vector<16xf32>
          %mul3A_515 = arith.mulf %sub3A_514, %sub3A_514 : vector<16xf32>
          %add3A_516 = arith.addf %add3A_501, %mul3A_515 : vector<16xf32>
          %get3A_517 = arith.constant 0 : i32
          %get3A_518 = arith.index_cast %while3A_290 : i32 to index
          %get3A_519 = arith.index_cast %get3A_517 : i32 to index
          %get3A_520 = arith.constant 240 : index
          %get3A_521 = tpu.vector_load %arg7[%get3A_518, %get3A_519, %get3A_520] {strides = array<i32>} : memref<96x1x512xf32, #tpu.memory_space<vmem>>, vector<1x1x16xf32>,
          %get3A_522 = vector.shape_cast %get3A_521 : vector<1x1x16xf32> to vector<16xf32>
          %get3A_523 = arith.constant 0 : i32
          %get3A_524 = arith.index_cast %while3A_290 : i32 to index
          %get3A_525 = arith.index_cast %get3A_523 : i32 to index
          %get3A_526 = arith.constant 240 : index
          %get3A_527 = tpu.vector_load %arg8[%get3A_524, %get3A_525, %get3A_526] {strides = array<i32>} : memref<96x1x512xf32, #tpu.memory_space<vmem>>, vector<1x1x16xf32>,
          %get3A_528 = vector.shape_cast %get3A_527 : vector<1x1x16xf32> to vector<16xf32>
          %sub3A_529 = arith.subf %get3A_528, %get3A_522 : vector<16xf32>
          %mul3A_530 = arith.mulf %sub3A_529, %sub3A_529 : vector<16xf32>
          %add3A_531 = arith.addf %add3A_516, %mul3A_530 : vector<16xf32>
          %get3A_532 = arith.constant 0 : i32
          %get3A_533 = arith.index_cast %while3A_290 : i32 to index
          %get3A_534 = arith.index_cast %get3A_532 : i32 to index
          %get3A_535 = arith.constant 256 : index
          %get3A_536 = tpu.vector_load %arg7[%get3A_533, %get3A_534, %get3A_535] {strides = array<i32>} : memref<96x1x512xf32, #tpu.memory_space<vmem>>, vector<1x1x16xf32>,
          %get3A_537 = vector.shape_cast %get3A_536 : vector<1x1x16xf32> to vector<16xf32>
          %get3A_538 = arith.constant 0 : i32
          %get3A_539 = arith.index_cast %while3A_290 : i32 to index
          %get3A_540 = arith.index_cast %get3A_538 : i32 to index
          %get3A_541 = arith.constant 256 : index
          %get3A_542 = tpu.vector_load %arg8[%get3A_539, %get3A_540, %get3A_541] {strides = array<i32>} : memref<96x1x512xf32, #tpu.memory_space<vmem>>, vector<1x1x16xf32>,
          %get3A_543 = vector.shape_cast %get3A_542 : vector<1x1x16xf32> to vector<16xf32>
          %sub3A_544 = arith.subf %get3A_543, %get3A_537 : vector<16xf32>
          %mul3A_545 = arith.mulf %sub3A_544, %sub3A_544 : vector<16xf32>
          %add3A_546 = arith.addf %add3A_531, %mul3A_545 : vector<16xf32>
          %get3A_547 = arith.constant 0 : i32
          %get3A_548 = arith.index_cast %while3A_290 : i32 to index
          %get3A_549 = arith.index_cast %get3A_547 : i32 to index
          %get3A_550 = arith.constant 272 : index
          %get3A_551 = tpu.vector_load %arg7[%get3A_548, %get3A_549, %get3A_550] {strides = array<i32>} : memref<96x1x512xf32, #tpu.memory_space<vmem>>, vector<1x1x16xf32>,
          %get3A_552 = vector.shape_cast %get3A_551 : vector<1x1x16xf32> to vector<16xf32>
          %get3A_553 = arith.constant 0 : i32
          %get3A_554 = arith.index_cast %while3A_290 : i32 to index
          %get3A_555 = arith.index_cast %get3A_553 : i32 to index
          %get3A_556 = arith.constant 272 : index
          %get3A_557 = tpu.vector_load %arg8[%get3A_554, %get3A_555, %get3A_556] {strides = array<i32>} : memref<96x1x512xf32, #tpu.memory_space<vmem>>, vector<1x1x16xf32>,
          %get3A_558 = vector.shape_cast %get3A_557 : vector<1x1x16xf32> to vector<16xf32>
          %sub3A_559 = arith.subf %get3A_558, %get3A_552 : vector<16xf32>
          %mul3A_560 = arith.mulf %sub3A_559, %sub3A_559 : vector<16xf32>
          %add3A_561 = arith.addf %add3A_546, %mul3A_560 : vector<16xf32>
          %get3A_562 = arith.constant 0 : i32
          %get3A_563 = arith.index_cast %while3A_290 : i32 to index
          %get3A_564 = arith.index_cast %get3A_562 : i32 to index
          %get3A_565 = arith.constant 288 : index
          %get3A_566 = tpu.vector_load %arg7[%get3A_563, %get3A_564, %get3A_565] {strides = array<i32>} : memref<96x1x512xf32, #tpu.memory_space<vmem>>, vector<1x1x16xf32>,
          %get3A_567 = vector.shape_cast %get3A_566 : vector<1x1x16xf32> to vector<16xf32>
          %get3A_568 = arith.constant 0 : i32
          %get3A_569 = arith.index_cast %while3A_290 : i32 to index
          %get3A_570 = arith.index_cast %get3A_568 : i32 to index
          %get3A_571 = arith.constant 288 : index
          %get3A_572 = tpu.vector_load %arg8[%get3A_569, %get3A_570, %get3A_571] {strides = array<i32>} : memref<96x1x512xf32, #tpu.memory_space<vmem>>, vector<1x1x16xf32>,
          %get3A_573 = vector.shape_cast %get3A_572 : vector<1x1x16xf32> to vector<16xf32>
          %sub3A_574 = arith.subf %get3A_573, %get3A_567 : vector<16xf32>
          %mul3A_575 = arith.mulf %sub3A_574, %sub3A_574 : vector<16xf32>
          %add3A_576 = arith.addf %add3A_561, %mul3A_575 : vector<16xf32>
          %get3A_577 = arith.constant 0 : i32
          %get3A_578 = arith.index_cast %while3A_290 : i32 to index
          %get3A_579 = arith.index_cast %get3A_577 : i32 to index
          %get3A_580 = arith.constant 304 : index
          %get3A_581 = tpu.vector_load %arg7[%get3A_578, %get3A_579, %get3A_580] {strides = array<i32>} : memref<96x1x512xf32, #tpu.memory_space<vmem>>, vector<1x1x16xf32>,
          %get3A_582 = vector.shape_cast %get3A_581 : vector<1x1x16xf32> to vector<16xf32>
          %get3A_583 = arith.constant 0 : i32
          %get3A_584 = arith.index_cast %while3A_290 : i32 to index
          %get3A_585 = arith.index_cast %get3A_583 : i32 to index
          %get3A_586 = arith.constant 304 : index
          %get3A_587 = tpu.vector_load %arg8[%get3A_584, %get3A_585, %get3A_586] {strides = array<i32>} : memref<96x1x512xf32, #tpu.memory_space<vmem>>, vector<1x1x16xf32>,
          %get3A_588 = vector.shape_cast %get3A_587 : vector<1x1x16xf32> to vector<16xf32>
          %sub3A_589 = arith.subf %get3A_588, %get3A_582 : vector<16xf32>
          %mul3A_590 = arith.mulf %sub3A_589, %sub3A_589 : vector<16xf32>
          %add3A_591 = arith.addf %add3A_576, %mul3A_590 : vector<16xf32>
          %get3A_592 = arith.constant 0 : i32
          %get3A_593 = arith.index_cast %while3A_290 : i32 to index
          %get3A_594 = arith.index_cast %get3A_592 : i32 to index
          %get3A_595 = arith.constant 320 : index
          %get3A_596 = tpu.vector_load %arg7[%get3A_593, %get3A_594, %get3A_595] {strides = array<i32>} : memref<96x1x512xf32, #tpu.memory_space<vmem>>, vector<1x1x16xf32>,
          %get3A_597 = vector.shape_cast %get3A_596 : vector<1x1x16xf32> to vector<16xf32>
          %get3A_598 = arith.constant 0 : i32
          %get3A_599 = arith.index_cast %while3A_290 : i32 to index
          %get3A_600 = arith.index_cast %get3A_598 : i32 to index
          %get3A_601 = arith.constant 320 : index
          %get3A_602 = tpu.vector_load %arg8[%get3A_599, %get3A_600, %get3A_601] {strides = array<i32>} : memref<96x1x512xf32, #tpu.memory_space<vmem>>, vector<1x1x16xf32>,
          %get3A_603 = vector.shape_cast %get3A_602 : vector<1x1x16xf32> to vector<16xf32>
          %sub3A_604 = arith.subf %get3A_603, %get3A_597 : vector<16xf32>
          %mul3A_605 = arith.mulf %sub3A_604, %sub3A_604 : vector<16xf32>
          %add3A_606 = arith.addf %add3A_591, %mul3A_605 : vector<16xf32>
          %get3A_607 = arith.constant 0 : i32
          %get3A_608 = arith.index_cast %while3A_290 : i32 to index
          %get3A_609 = arith.index_cast %get3A_607 : i32 to index
          %get3A_610 = arith.constant 336 : index
          %get3A_611 = tpu.vector_load %arg7[%get3A_608, %get3A_609, %get3A_610] {strides = array<i32>} : memref<96x1x512xf32, #tpu.memory_space<vmem>>, vector<1x1x16xf32>,
          %get3A_612 = vector.shape_cast %get3A_611 : vector<1x1x16xf32> to vector<16xf32>
          %get3A_613 = arith.constant 0 : i32
          %get3A_614 = arith.index_cast %while3A_290 : i32 to index
          %get3A_615 = arith.index_cast %get3A_613 : i32 to index
          %get3A_616 = arith.constant 336 : index
          %get3A_617 = tpu.vector_load %arg8[%get3A_614, %get3A_615, %get3A_616] {strides = array<i32>} : memref<96x1x512xf32, #tpu.memory_space<vmem>>, vector<1x1x16xf32>,
          %get3A_618 = vector.shape_cast %get3A_617 : vector<1x1x16xf32> to vector<16xf32>
          %sub3A_619 = arith.subf %get3A_618, %get3A_612 : vector<16xf32>
          %mul3A_620 = arith.mulf %sub3A_619, %sub3A_619 : vector<16xf32>
          %add3A_621 = arith.addf %add3A_606, %mul3A_620 : vector<16xf32>
          %get3A_622 = arith.constant 0 : i32
          %get3A_623 = arith.index_cast %while3A_290 : i32 to index
          %get3A_624 = arith.index_cast %get3A_622 : i32 to index
          %get3A_625 = arith.constant 352 : index
          %get3A_626 = tpu.vector_load %arg7[%get3A_623, %get3A_624, %get3A_625] {strides = array<i32>} : memref<96x1x512xf32, #tpu.memory_space<vmem>>, vector<1x1x16xf32>,
          %get3A_627 = vector.shape_cast %get3A_626 : vector<1x1x16xf32> to vector<16xf32>
          %get3A_628 = arith.constant 0 : i32
          %get3A_629 = arith.index_cast %while3A_290 : i32 to index
          %get3A_630 = arith.index_cast %get3A_628 : i32 to index
          %get3A_631 = arith.constant 352 : index
          %get3A_632 = tpu.vector_load %arg8[%get3A_629, %get3A_630, %get3A_631] {strides = array<i32>} : memref<96x1x512xf32, #tpu.memory_space<vmem>>, vector<1x1x16xf32>,
          %get3A_633 = vector.shape_cast %get3A_632 : vector<1x1x16xf32> to vector<16xf32>
          %sub3A_634 = arith.subf %get3A_633, %get3A_627 : vector<16xf32>
          %mul3A_635 = arith.mulf %sub3A_634, %sub3A_634 : vector<16xf32>
          %add3A_636 = arith.addf %add3A_621, %mul3A_635 : vector<16xf32>
          %get3A_637 = arith.constant 0 : i32
          %get3A_638 = arith.index_cast %while3A_290 : i32 to index
          %get3A_639 = arith.index_cast %get3A_637 : i32 to index
          %get3A_640 = arith.constant 368 : index
          %get3A_641 = tpu.vector_load %arg7[%get3A_638, %get3A_639, %get3A_640] {strides = array<i32>} : memref<96x1x512xf32, #tpu.memory_space<vmem>>, vector<1x1x16xf32>,
          %get3A_642 = vector.shape_cast %get3A_641 : vector<1x1x16xf32> to vector<16xf32>
          %get3A_643 = arith.constant 0 : i32
          %get3A_644 = arith.index_cast %while3A_290 : i32 to index
          %get3A_645 = arith.index_cast %get3A_643 : i32 to index
          %get3A_646 = arith.constant 368 : index
          %get3A_647 = tpu.vector_load %arg8[%get3A_644, %get3A_645, %get3A_646] {strides = array<i32>} : memref<96x1x512xf32, #tpu.memory_space<vmem>>, vector<1x1x16xf32>,
          %get3A_648 = vector.shape_cast %get3A_647 : vector<1x1x16xf32> to vector<16xf32>
          %sub3A_649 = arith.subf %get3A_648, %get3A_642 : vector<16xf32>
          %mul3A_650 = arith.mulf %sub3A_649, %sub3A_649 : vector<16xf32>
          %add3A_651 = arith.addf %add3A_636, %mul3A_650 : vector<16xf32>
          %get3A_652 = arith.constant 0 : i32
          %get3A_653 = arith.index_cast %while3A_290 : i32 to index
          %get3A_654 = arith.index_cast %get3A_652 : i32 to index
          %get3A_655 = arith.constant 384 : index
          %get3A_656 = tpu.vector_load %arg7[%get3A_653, %get3A_654, %get3A_655] {strides = array<i32>} : memref<96x1x512xf32, #tpu.memory_space<vmem>>, vector<1x1x16xf32>,
          %get3A_657 = vector.shape_cast %get3A_656 : vector<1x1x16xf32> to vector<16xf32>
          %get3A_658 = arith.constant 0 : i32
          %get3A_659 = arith.index_cast %while3A_290 : i32 to index
          %get3A_660 = arith.index_cast %get3A_658 : i32 to index
          %get3A_661 = arith.constant 384 : index
          %get3A_662 = tpu.vector_load %arg8[%get3A_659, %get3A_660, %get3A_661] {strides = array<i32>} : memref<96x1x512xf32, #tpu.memory_space<vmem>>, vector<1x1x16xf32>,
          %get3A_663 = vector.shape_cast %get3A_662 : vector<1x1x16xf32> to vector<16xf32>
          %sub3A_664 = arith.subf %get3A_663, %get3A_657 : vector<16xf32>
          %mul3A_665 = arith.mulf %sub3A_664, %sub3A_664 : vector<16xf32>
          %add3A_666 = arith.addf %add3A_651, %mul3A_665 : vector<16xf32>
          %get3A_667 = arith.constant 0 : i32
          %get3A_668 = arith.index_cast %while3A_290 : i32 to index
          %get3A_669 = arith.index_cast %get3A_667 : i32 to index
          %get3A_670 = arith.constant 400 : index
          %get3A_671 = tpu.vector_load %arg7[%get3A_668, %get3A_669, %get3A_670] {strides = array<i32>} : memref<96x1x512xf32, #tpu.memory_space<vmem>>, vector<1x1x16xf32>,
          %get3A_672 = vector.shape_cast %get3A_671 : vector<1x1x16xf32> to vector<16xf32>
          %get3A_673 = arith.constant 0 : i32
          %get3A_674 = arith.index_cast %while3A_290 : i32 to index
          %get3A_675 = arith.index_cast %get3A_673 : i32 to index
          %get3A_676 = arith.constant 400 : index
          %get3A_677 = tpu.vector_load %arg8[%get3A_674, %get3A_675, %get3A_676] {strides = array<i32>} : memref<96x1x512xf32, #tpu.memory_space<vmem>>, vector<1x1x16xf32>,
          %get3A_678 = vector.shape_cast %get3A_677 : vector<1x1x16xf32> to vector<16xf32>
          %sub3A_679 = arith.subf %get3A_678, %get3A_672 : vector<16xf32>
          %mul3A_680 = arith.mulf %sub3A_679, %sub3A_679 : vector<16xf32>
          %add3A_681 = arith.addf %add3A_666, %mul3A_680 : vector<16xf32>
          %get3A_682 = arith.constant 0 : i32
          %get3A_683 = arith.index_cast %while3A_290 : i32 to index
          %get3A_684 = arith.index_cast %get3A_682 : i32 to index
          %get3A_685 = arith.constant 416 : index
          %get3A_686 = tpu.vector_load %arg7[%get3A_683, %get3A_684, %get3A_685] {strides = array<i32>} : memref<96x1x512xf32, #tpu.memory_space<vmem>>, vector<1x1x16xf32>,
          %get3A_687 = vector.shape_cast %get3A_686 : vector<1x1x16xf32> to vector<16xf32>
          %get3A_688 = arith.constant 0 : i32
          %get3A_689 = arith.index_cast %while3A_290 : i32 to index
          %get3A_690 = arith.index_cast %get3A_688 : i32 to index
          %get3A_691 = arith.constant 416 : index
          %get3A_692 = tpu.vector_load %arg8[%get3A_689, %get3A_690, %get3A_691] {strides = array<i32>} : memref<96x1x512xf32, #tpu.memory_space<vmem>>, vector<1x1x16xf32>,
          %get3A_693 = vector.shape_cast %get3A_692 : vector<1x1x16xf32> to vector<16xf32>
          %sub3A_694 = arith.subf %get3A_693, %get3A_687 : vector<16xf32>
          %mul3A_695 = arith.mulf %sub3A_694, %sub3A_694 : vector<16xf32>
          %add3A_696 = arith.addf %add3A_681, %mul3A_695 : vector<16xf32>
          %get3A_697 = arith.constant 0 : i32
          %get3A_698 = arith.index_cast %while3A_290 : i32 to index
          %get3A_699 = arith.index_cast %get3A_697 : i32 to index
          %get3A_700 = arith.constant 432 : index
          %get3A_701 = tpu.vector_load %arg7[%get3A_698, %get3A_699, %get3A_700] {strides = array<i32>} : memref<96x1x512xf32, #tpu.memory_space<vmem>>, vector<1x1x16xf32>,
          %get3A_702 = vector.shape_cast %get3A_701 : vector<1x1x16xf32> to vector<16xf32>
          %get3A_703 = arith.constant 0 : i32
          %get3A_704 = arith.index_cast %while3A_290 : i32 to index
          %get3A_705 = arith.index_cast %get3A_703 : i32 to index
          %get3A_706 = arith.constant 432 : index
          %get3A_707 = tpu.vector_load %arg8[%get3A_704, %get3A_705, %get3A_706] {strides = array<i32>} : memref<96x1x512xf32, #tpu.memory_space<vmem>>, vector<1x1x16xf32>,
          %get3A_708 = vector.shape_cast %get3A_707 : vector<1x1x16xf32> to vector<16xf32>
          %sub3A_709 = arith.subf %get3A_708, %get3A_702 : vector<16xf32>
          %mul3A_710 = arith.mulf %sub3A_709, %sub3A_709 : vector<16xf32>
          %add3A_711 = arith.addf %add3A_696, %mul3A_710 : vector<16xf32>
          %get3A_712 = arith.constant 0 : i32
          %get3A_713 = arith.index_cast %while3A_290 : i32 to index
          %get3A_714 = arith.index_cast %get3A_712 : i32 to index
          %get3A_715 = arith.constant 448 : index
          %get3A_716 = tpu.vector_load %arg7[%get3A_713, %get3A_714, %get3A_715] {strides = array<i32>} : memref<96x1x512xf32, #tpu.memory_space<vmem>>, vector<1x1x16xf32>,
          %get3A_717 = vector.shape_cast %get3A_716 : vector<1x1x16xf32> to vector<16xf32>
          %get3A_718 = arith.constant 0 : i32
          %get3A_719 = arith.index_cast %while3A_290 : i32 to index
          %get3A_720 = arith.index_cast %get3A_718 : i32 to index
          %get3A_721 = arith.constant 448 : index
          %get3A_722 = tpu.vector_load %arg8[%get3A_719, %get3A_720, %get3A_721] {strides = array<i32>} : memref<96x1x512xf32, #tpu.memory_space<vmem>>, vector<1x1x16xf32>,
          %get3A_723 = vector.shape_cast %get3A_722 : vector<1x1x16xf32> to vector<16xf32>
          %sub3A_724 = arith.subf %get3A_723, %get3A_717 : vector<16xf32>
          %mul3A_725 = arith.mulf %sub3A_724, %sub3A_724 : vector<16xf32>
          %add3A_726 = arith.addf %add3A_711, %mul3A_725 : vector<16xf32>
          %get3A_727 = arith.constant 0 : i32
          %get3A_728 = arith.index_cast %while3A_290 : i32 to index
          %get3A_729 = arith.index_cast %get3A_727 : i32 to index
          %get3A_730 = arith.constant 464 : index
          %get3A_731 = tpu.vector_load %arg7[%get3A_728, %get3A_729, %get3A_730] {strides = array<i32>} : memref<96x1x512xf32, #tpu.memory_space<vmem>>, vector<1x1x16xf32>,
          %get3A_732 = vector.shape_cast %get3A_731 : vector<1x1x16xf32> to vector<16xf32>
          %get3A_733 = arith.constant 0 : i32
          %get3A_734 = arith.index_cast %while3A_290 : i32 to index
          %get3A_735 = arith.index_cast %get3A_733 : i32 to index
          %get3A_736 = arith.constant 464 : index
          %get3A_737 = tpu.vector_load %arg8[%get3A_734, %get3A_735, %get3A_736] {strides = array<i32>} : memref<96x1x512xf32, #tpu.memory_space<vmem>>, vector<1x1x16xf32>,
          %get3A_738 = vector.shape_cast %get3A_737 : vector<1x1x16xf32> to vector<16xf32>
          %sub3A_739 = arith.subf %get3A_738, %get3A_732 : vector<16xf32>
          %mul3A_740 = arith.mulf %sub3A_739, %sub3A_739 : vector<16xf32>
          %add3A_741 = arith.addf %add3A_726, %mul3A_740 : vector<16xf32>
          %get3A_742 = arith.constant 0 : i32
          %get3A_743 = arith.index_cast %while3A_290 : i32 to index
          %get3A_744 = arith.index_cast %get3A_742 : i32 to index
          %get3A_745 = arith.constant 480 : index
          %get3A_746 = tpu.vector_load %arg7[%get3A_743, %get3A_744, %get3A_745] {strides = array<i32>} : memref<96x1x512xf32, #tpu.memory_space<vmem>>, vector<1x1x16xf32>,
          %get3A_747 = vector.shape_cast %get3A_746 : vector<1x1x16xf32> to vector<16xf32>
          %get3A_748 = arith.constant 0 : i32
          %get3A_749 = arith.index_cast %while3A_290 : i32 to index
          %get3A_750 = arith.index_cast %get3A_748 : i32 to index
          %get3A_751 = arith.constant 480 : index
          %get3A_752 = tpu.vector_load %arg8[%get3A_749, %get3A_750, %get3A_751] {strides = array<i32>} : memref<96x1x512xf32, #tpu.memory_space<vmem>>, vector<1x1x16xf32>,
          %get3A_753 = vector.shape_cast %get3A_752 : vector<1x1x16xf32> to vector<16xf32>
          %sub3A_754 = arith.subf %get3A_753, %get3A_747 : vector<16xf32>
          %mul3A_755 = arith.mulf %sub3A_754, %sub3A_754 : vector<16xf32>
          %add3A_756 = arith.addf %add3A_741, %mul3A_755 : vector<16xf32>
          %get3A_757 = arith.constant 0 : i32
          %get3A_758 = arith.index_cast %while3A_290 : i32 to index
          %get3A_759 = arith.index_cast %get3A_757 : i32 to index
          %get3A_760 = arith.constant 496 : index
          %get3A_761 = tpu.vector_load %arg7[%get3A_758, %get3A_759, %get3A_760] {strides = array<i32>} : memref<96x1x512xf32, #tpu.memory_space<vmem>>, vector<1x1x16xf32>,
          %get3A_762 = vector.shape_cast %get3A_761 : vector<1x1x16xf32> to vector<16xf32>
          %get3A_763 = arith.constant 0 : i32
          %get3A_764 = arith.index_cast %while3A_290 : i32 to index
          %get3A_765 = arith.index_cast %get3A_763 : i32 to index
          %get3A_766 = arith.constant 496 : index
          %get3A_767 = tpu.vector_load %arg8[%get3A_764, %get3A_765, %get3A_766] {strides = array<i32>} : memref<96x1x512xf32, #tpu.memory_space<vmem>>, vector<1x1x16xf32>,
          %get3A_768 = vector.shape_cast %get3A_767 : vector<1x1x16xf32> to vector<16xf32>
          %sub3A_769 = arith.subf %get3A_768, %get3A_762 : vector<16xf32>
          %mul3A_770 = arith.mulf %sub3A_769, %sub3A_769 : vector<16xf32>
          %add3A_771 = arith.addf %add3A_756, %mul3A_770 : vector<16xf32>
          scf.yield %add3A_771 : vector<16xf32>
        }
        %while3A_288 = arith.constant 1 : i32
        %while3A_289 = scf.for %while3A_290 = %while3A_285 to %while3A_281 step %while3A_288 iter_args(%while3A_291 = %while3A_287) -> (vector<16xf32>)  : i32 {
          %get3A_292 = arith.constant 0 : i32
          %get3A_293 = arith.index_cast %while3A_290 : i32 to index
          %get3A_294 = arith.index_cast %get3A_292 : i32 to index
          %get3A_295 = arith.constant 0 : index
          %get3A_296 = tpu.vector_load %arg7[%get3A_293, %get3A_294, %get3A_295] {strides = array<i32>} : memref<96x1x512xf32, #tpu.memory_space<vmem>>, vector<1x1x16xf32>,
          %get3A_297 = vector.shape_cast %get3A_296 : vector<1x1x16xf32> to vector<16xf32>
          %get3A_298 = arith.constant 0 : i32
          %get3A_299 = arith.index_cast %while3A_290 : i32 to index
          %get3A_300 = arith.index_cast %get3A_298 : i32 to index
          %get3A_301 = arith.constant 0 : index
          %get3A_302 = tpu.vector_load %arg8[%get3A_299, %get3A_300, %get3A_301] {strides = array<i32>} : memref<96x1x512xf32, #tpu.memory_space<vmem>>, vector<1x1x16xf32>,
          %get3A_303 = vector.shape_cast %get3A_302 : vector<1x1x16xf32> to vector<16xf32>
          %sub3A_304 = arith.subf %get3A_303, %get3A_297 : vector<16xf32>
          %mul3A_305 = arith.mulf %sub3A_304, %sub3A_304 : vector<16xf32>
          %add3A_306 = arith.addf %while3A_291, %mul3A_305 : vector<16xf32>
          %get3A_307 = arith.constant 0 : i32
          %get3A_308 = arith.index_cast %while3A_290 : i32 to index
          %get3A_309 = arith.index_cast %get3A_307 : i32 to index
          %get3A_310 = arith.constant 16 : index
          %get3A_311 = tpu.vector_load %arg7[%get3A_308, %get3A_309, %get3A_310] {strides = array<i32>} : memref<96x1x512xf32, #tpu.memory_space<vmem>>, vector<1x1x16xf32>,
          %get3A_312 = vector.shape_cast %get3A_311 : vector<1x1x16xf32> to vector<16xf32>
          %get3A_313 = arith.constant 0 : i32
          %get3A_314 = arith.index_cast %while3A_290 : i32 to index
          %get3A_315 = arith.index_cast %get3A_313 : i32 to index
          %get3A_316 = arith.constant 16 : index
          %get3A_317 = tpu.vector_load %arg8[%get3A_314, %get3A_315, %get3A_316] {strides = array<i32>} : memref<96x1x512xf32, #tpu.memory_space<vmem>>, vector<1x1x16xf32>,
          %get3A_318 = vector.shape_cast %get3A_317 : vector<1x1x16xf32> to vector<16xf32>
          %sub3A_319 = arith.subf %get3A_318, %get3A_312 : vector<16xf32>
          %mul3A_320 = arith.mulf %sub3A_319, %sub3A_319 : vector<16xf32>
          %add3A_321 = arith.addf %add3A_306, %mul3A_320 : vector<16xf32>
          %get3A_322 = arith.constant 0 : i32
          %get3A_323 = arith.index_cast %while3A_290 : i32 to index
          %get3A_324 = arith.index_cast %get3A_322 : i32 to index
          %get3A_325 = arith.constant 32 : index
          %get3A_326 = tpu.vector_load %arg7[%get3A_323, %get3A_324, %get3A_325] {strides = array<i32>} : memref<96x1x512xf32, #tpu.memory_space<vmem>>, vector<1x1x16xf32>,
          %get3A_327 = vector.shape_cast %get3A_326 : vector<1x1x16xf32> to vector<16xf32>
          %get3A_328 = arith.constant 0 : i32
          %get3A_329 = arith.index_cast %while3A_290 : i32 to index
          %get3A_330 = arith.index_cast %get3A_328 : i32 to index
          %get3A_331 = arith.constant 32 : index
          %get3A_332 = tpu.vector_load %arg8[%get3A_329, %get3A_330, %get3A_331] {strides = array<i32>} : memref<96x1x512xf32, #tpu.memory_space<vmem>>, vector<1x1x16xf32>,
          %get3A_333 = vector.shape_cast %get3A_332 : vector<1x1x16xf32> to vector<16xf32>
          %sub3A_334 = arith.subf %get3A_333, %get3A_327 : vector<16xf32>
          %mul3A_335 = arith.mulf %sub3A_334, %sub3A_334 : vector<16xf32>
          %add3A_336 = arith.addf %add3A_321, %mul3A_335 : vector<16xf32>
          %get3A_337 = arith.constant 0 : i32
          %get3A_338 = arith.index_cast %while3A_290 : i32 to index
          %get3A_339 = arith.index_cast %get3A_337 : i32 to index
          %get3A_340 = arith.constant 48 : index
          %get3A_341 = tpu.vector_load %arg7[%get3A_338, %get3A_339, %get3A_340] {strides = array<i32>} : memref<96x1x512xf32, #tpu.memory_space<vmem>>, vector<1x1x16xf32>,
          %get3A_342 = vector.shape_cast %get3A_341 : vector<1x1x16xf32> to vector<16xf32>
          %get3A_343 = arith.constant 0 : i32
          %get3A_344 = arith.index_cast %while3A_290 : i32 to index
          %get3A_345 = arith.index_cast %get3A_343 : i32 to index
          %get3A_346 = arith.constant 48 : index
          %get3A_347 = tpu.vector_load %arg8[%get3A_344, %get3A_345, %get3A_346] {strides = array<i32>} : memref<96x1x512xf32, #tpu.memory_space<vmem>>, vector<1x1x16xf32>,
          %get3A_348 = vector.shape_cast %get3A_347 : vector<1x1x16xf32> to vector<16xf32>
          %sub3A_349 = arith.subf %get3A_348, %get3A_342 : vector<16xf32>
          %mul3A_350 = arith.mulf %sub3A_349, %sub3A_349 : vector<16xf32>
          %add3A_351 = arith.addf %add3A_336, %mul3A_350 : vector<16xf32>
          %get3A_352 = arith.constant 0 : i32
          %get3A_353 = arith.index_cast %while3A_290 : i32 to index
          %get3A_354 = arith.index_cast %get3A_352 : i32 to index
          %get3A_355 = arith.constant 64 : index
          %get3A_356 = tpu.vector_load %arg7[%get3A_353, %get3A_354, %get3A_355] {strides = array<i32>} : memref<96x1x512xf32, #tpu.memory_space<vmem>>, vector<1x1x16xf32>,
          %get3A_357 = vector.shape_cast %get3A_356 : vector<1x1x16xf32> to vector<16xf32>
          %get3A_358 = arith.constant 0 : i32
          %get3A_359 = arith.index_cast %while3A_290 : i32 to index
          %get3A_360 = arith.index_cast %get3A_358 : i32 to index
          %get3A_361 = arith.constant 64 : index
          %get3A_362 = tpu.vector_load %arg8[%get3A_359, %get3A_360, %get3A_361] {strides = array<i32>} : memref<96x1x512xf32, #tpu.memory_space<vmem>>, vector<1x1x16xf32>,
          %get3A_363 = vector.shape_cast %get3A_362 : vector<1x1x16xf32> to vector<16xf32>
          %sub3A_364 = arith.subf %get3A_363, %get3A_357 : vector<16xf32>
          %mul3A_365 = arith.mulf %sub3A_364, %sub3A_364 : vector<16xf32>
          %add3A_366 = arith.addf %add3A_351, %mul3A_365 : vector<16xf32>
          %get3A_367 = arith.constant 0 : i32
          %get3A_368 = arith.index_cast %while3A_290 : i32 to index
          %get3A_369 = arith.index_cast %get3A_367 : i32 to index
          %get3A_370 = arith.constant 80 : index
          %get3A_371 = tpu.vector_load %arg7[%get3A_368, %get3A_369, %get3A_370] {strides = array<i32>} : memref<96x1x512xf32, #tpu.memory_space<vmem>>, vector<1x1x16xf32>,
          %get3A_372 = vector.shape_cast %get3A_371 : vector<1x1x16xf32> to vector<16xf32>
          %get3A_373 = arith.constant 0 : i32
          %get3A_374 = arith.index_cast %while3A_290 : i32 to index
          %get3A_375 = arith.index_cast %get3A_373 : i32 to index
          %get3A_376 = arith.constant 80 : index
          %get3A_377 = tpu.vector_load %arg8[%get3A_374, %get3A_375, %get3A_376] {strides = array<i32>} : memref<96x1x512xf32, #tpu.memory_space<vmem>>, vector<1x1x16xf32>,
          %get3A_378 = vector.shape_cast %get3A_377 : vector<1x1x16xf32> to vector<16xf32>
          %sub3A_379 = arith.subf %get3A_378, %get3A_372 : vector<16xf32>
          %mul3A_380 = arith.mulf %sub3A_379, %sub3A_379 : vector<16xf32>
          %add3A_381 = arith.addf %add3A_366, %mul3A_380 : vector<16xf32>
          %get3A_382 = arith.constant 0 : i32
          %get3A_383 = arith.index_cast %while3A_290 : i32 to index
          %get3A_384 = arith.index_cast %get3A_382 : i32 to index
          %get3A_385 = arith.constant 96 : index
          %get3A_386 = tpu.vector_load %arg7[%get3A_383, %get3A_384, %get3A_385] {strides = array<i32>} : memref<96x1x512xf32, #tpu.memory_space<vmem>>, vector<1x1x16xf32>,
          %get3A_387 = vector.shape_cast %get3A_386 : vector<1x1x16xf32> to vector<16xf32>
          %get3A_388 = arith.constant 0 : i32
          %get3A_389 = arith.index_cast %while3A_290 : i32 to index
          %get3A_390 = arith.index_cast %get3A_388 : i32 to index
          %get3A_391 = arith.constant 96 : index
          %get3A_392 = tpu.vector_load %arg8[%get3A_389, %get3A_390, %get3A_391] {strides = array<i32>} : memref<96x1x512xf32, #tpu.memory_space<vmem>>, vector<1x1x16xf32>,
          %get3A_393 = vector.shape_cast %get3A_392 : vector<1x1x16xf32> to vector<16xf32>
          %sub3A_394 = arith.subf %get3A_393, %get3A_387 : vector<16xf32>
          %mul3A_395 = arith.mulf %sub3A_394, %sub3A_394 : vector<16xf32>
          %add3A_396 = arith.addf %add3A_381, %mul3A_395 : vector<16xf32>
          %get3A_397 = arith.constant 0 : i32
          %get3A_398 = arith.index_cast %while3A_290 : i32 to index
          %get3A_399 = arith.index_cast %get3A_397 : i32 to index
          %get3A_400 = arith.constant 112 : index
          %get3A_401 = tpu.vector_load %arg7[%get3A_398, %get3A_399, %get3A_400] {strides = array<i32>} : memref<96x1x512xf32, #tpu.memory_space<vmem>>, vector<1x1x16xf32>,
          %get3A_402 = vector.shape_cast %get3A_401 : vector<1x1x16xf32> to vector<16xf32>
          %get3A_403 = arith.constant 0 : i32
          %get3A_404 = arith.index_cast %while3A_290 : i32 to index
          %get3A_405 = arith.index_cast %get3A_403 : i32 to index
          %get3A_406 = arith.constant 112 : index
          %get3A_407 = tpu.vector_load %arg8[%get3A_404, %get3A_405, %get3A_406] {strides = array<i32>} : memref<96x1x512xf32, #tpu.memory_space<vmem>>, vector<1x1x16xf32>,
          %get3A_408 = vector.shape_cast %get3A_407 : vector<1x1x16xf32> to vector<16xf32>
          %sub3A_409 = arith.subf %get3A_408, %get3A_402 : vector<16xf32>
          %mul3A_410 = arith.mulf %sub3A_409, %sub3A_409 : vector<16xf32>
          %add3A_411 = arith.addf %add3A_396, %mul3A_410 : vector<16xf32>
          %get3A_412 = arith.constant 0 : i32
          %get3A_413 = arith.index_cast %while3A_290 : i32 to index
          %get3A_414 = arith.index_cast %get3A_412 : i32 to index
          %get3A_415 = arith.constant 128 : index
          %get3A_416 = tpu.vector_load %arg7[%get3A_413, %get3A_414, %get3A_415] {strides = array<i32>} : memref<96x1x512xf32, #tpu.memory_space<vmem>>, vector<1x1x16xf32>,
          %get3A_417 = vector.shape_cast %get3A_416 : vector<1x1x16xf32> to vector<16xf32>
          %get3A_418 = arith.constant 0 : i32
          %get3A_419 = arith.index_cast %while3A_290 : i32 to index
          %get3A_420 = arith.index_cast %get3A_418 : i32 to index
          %get3A_421 = arith.constant 128 : index
          %get3A_422 = tpu.vector_load %arg8[%get3A_419, %get3A_420, %get3A_421] {strides = array<i32>} : memref<96x1x512xf32, #tpu.memory_space<vmem>>, vector<1x1x16xf32>,
          %get3A_423 = vector.shape_cast %get3A_422 : vector<1x1x16xf32> to vector<16xf32>
          %sub3A_424 = arith.subf %get3A_423, %get3A_417 : vector<16xf32>
          %mul3A_425 = arith.mulf %sub3A_424, %sub3A_424 : vector<16xf32>
          %add3A_426 = arith.addf %add3A_411, %mul3A_425 : vector<16xf32>
          %get3A_427 = arith.constant 0 : i32
          %get3A_428 = arith.index_cast %while3A_290 : i32 to index
          %get3A_429 = arith.index_cast %get3A_427 : i32 to index
          %get3A_430 = arith.constant 144 : index
          %get3A_431 = tpu.vector_load %arg7[%get3A_428, %get3A_429, %get3A_430] {strides = array<i32>} : memref<96x1x512xf32, #tpu.memory_space<vmem>>, vector<1x1x16xf32>,
          %get3A_432 = vector.shape_cast %get3A_431 : vector<1x1x16xf32> to vector<16xf32>
          %get3A_433 = arith.constant 0 : i32
          %get3A_434 = arith.index_cast %while3A_290 : i32 to index
          %get3A_435 = arith.index_cast %get3A_433 : i32 to index
          %get3A_436 = arith.constant 144 : index
          %get3A_437 = tpu.vector_load %arg8[%get3A_434, %get3A_435, %get3A_436] {strides = array<i32>} : memref<96x1x512xf32, #tpu.memory_space<vmem>>, vector<1x1x16xf32>,
          %get3A_438 = vector.shape_cast %get3A_437 : vector<1x1x16xf32> to vector<16xf32>
          %sub3A_439 = arith.subf %get3A_438, %get3A_432 : vector<16xf32>
          %mul3A_440 = arith.mulf %sub3A_439, %sub3A_439 : vector<16xf32>
          %add3A_441 = arith.addf %add3A_426, %mul3A_440 : vector<16xf32>
          %get3A_442 = arith.constant 0 : i32
          %get3A_443 = arith.index_cast %while3A_290 : i32 to index
          %get3A_444 = arith.index_cast %get3A_442 : i32 to index
          %get3A_445 = arith.constant 160 : index
          %get3A_446 = tpu.vector_load %arg7[%get3A_443, %get3A_444, %get3A_445] {strides = array<i32>} : memref<96x1x512xf32, #tpu.memory_space<vmem>>, vector<1x1x16xf32>,
          %get3A_447 = vector.shape_cast %get3A_446 : vector<1x1x16xf32> to vector<16xf32>
          %get3A_448 = arith.constant 0 : i32
          %get3A_449 = arith.index_cast %while3A_290 : i32 to index
          %get3A_450 = arith.index_cast %get3A_448 : i32 to index
          %get3A_451 = arith.constant 160 : index
          %get3A_452 = tpu.vector_load %arg8[%get3A_449, %get3A_450, %get3A_451] {strides = array<i32>} : memref<96x1x512xf32, #tpu.memory_space<vmem>>, vector<1x1x16xf32>,
          %get3A_453 = vector.shape_cast %get3A_452 : vector<1x1x16xf32> to vector<16xf32>
          %sub3A_454 = arith.subf %get3A_453, %get3A_447 : vector<16xf32>
          %mul3A_455 = arith.mulf %sub3A_454, %sub3A_454 : vector<16xf32>
          %add3A_456 = arith.addf %add3A_441, %mul3A_455 : vector<16xf32>
          %get3A_457 = arith.constant 0 : i32
          %get3A_458 = arith.index_cast %while3A_290 : i32 to index
          %get3A_459 = arith.index_cast %get3A_457 : i32 to index
          %get3A_460 = arith.constant 176 : index
          %get3A_461 = tpu.vector_load %arg7[%get3A_458, %get3A_459, %get3A_460] {strides = array<i32>} : memref<96x1x512xf32, #tpu.memory_space<vmem>>, vector<1x1x16xf32>,
          %get3A_462 = vector.shape_cast %get3A_461 : vector<1x1x16xf32> to vector<16xf32>
          %get3A_463 = arith.constant 0 : i32
          %get3A_464 = arith.index_cast %while3A_290 : i32 to index
          %get3A_465 = arith.index_cast %get3A_463 : i32 to index
          %get3A_466 = arith.constant 176 : index
          %get3A_467 = tpu.vector_load %arg8[%get3A_464, %get3A_465, %get3A_466] {strides = array<i32>} : memref<96x1x512xf32, #tpu.memory_space<vmem>>, vector<1x1x16xf32>,
          %get3A_468 = vector.shape_cast %get3A_467 : vector<1x1x16xf32> to vector<16xf32>
          %sub3A_469 = arith.subf %get3A_468, %get3A_462 : vector<16xf32>
          %mul3A_470 = arith.mulf %sub3A_469, %sub3A_469 : vector<16xf32>
          %add3A_471 = arith.addf %add3A_456, %mul3A_470 : vector<16xf32>
          %get3A_472 = arith.constant 0 : i32
          %get3A_473 = arith.index_cast %while3A_290 : i32 to index
          %get3A_474 = arith.index_cast %get3A_472 : i32 to index
          %get3A_475 = arith.constant 192 : index
          %get3A_476 = tpu.vector_load %arg7[%get3A_473, %get3A_474, %get3A_475] {strides = array<i32>} : memref<96x1x512xf32, #tpu.memory_space<vmem>>, vector<1x1x16xf32>,
          %get3A_477 = vector.shape_cast %get3A_476 : vector<1x1x16xf32> to vector<16xf32>
          %get3A_478 = arith.constant 0 : i32
          %get3A_479 = arith.index_cast %while3A_290 : i32 to index
          %get3A_480 = arith.index_cast %get3A_478 : i32 to index
          %get3A_481 = arith.constant 192 : index
          %get3A_482 = tpu.vector_load %arg8[%get3A_479, %get3A_480, %get3A_481] {strides = array<i32>} : memref<96x1x512xf32, #tpu.memory_space<vmem>>, vector<1x1x16xf32>,
          %get3A_483 = vector.shape_cast %get3A_482 : vector<1x1x16xf32> to vector<16xf32>
          %sub3A_484 = arith.subf %get3A_483, %get3A_477 : vector<16xf32>
          %mul3A_485 = arith.mulf %sub3A_484, %sub3A_484 : vector<16xf32>
          %add3A_486 = arith.addf %add3A_471, %mul3A_485 : vector<16xf32>
          %get3A_487 = arith.constant 0 : i32
          %get3A_488 = arith.index_cast %while3A_290 : i32 to index
          %get3A_489 = arith.index_cast %get3A_487 : i32 to index
          %get3A_490 = arith.constant 208 : index
          %get3A_491 = tpu.vector_load %arg7[%get3A_488, %get3A_489, %get3A_490] {strides = array<i32>} : memref<96x1x512xf32, #tpu.memory_space<vmem>>, vector<1x1x16xf32>,
          %get3A_492 = vector.shape_cast %get3A_491 : vector<1x1x16xf32> to vector<16xf32>
          %get3A_493 = arith.constant 0 : i32
          %get3A_494 = arith.index_cast %while3A_290 : i32 to index
          %get3A_495 = arith.index_cast %get3A_493 : i32 to index
          %get3A_496 = arith.constant 208 : index
          %get3A_497 = tpu.vector_load %arg8[%get3A_494, %get3A_495, %get3A_496] {strides = array<i32>} : memref<96x1x512xf32, #tpu.memory_space<vmem>>, vector<1x1x16xf32>,
          %get3A_498 = vector.shape_cast %get3A_497 : vector<1x1x16xf32> to vector<16xf32>
          %sub3A_499 = arith.subf %get3A_498, %get3A_492 : vector<16xf32>
          %mul3A_500 = arith.mulf %sub3A_499, %sub3A_499 : vector<16xf32>
          %add3A_501 = arith.addf %add3A_486, %mul3A_500 : vector<16xf32>
          %get3A_502 = arith.constant 0 : i32
          %get3A_503 = arith.index_cast %while3A_290 : i32 to index
          %get3A_504 = arith.index_cast %get3A_502 : i32 to index
          %get3A_505 = arith.constant 224 : index
          %get3A_506 = tpu.vector_load %arg7[%get3A_503, %get3A_504, %get3A_505] {strides = array<i32>} : memref<96x1x512xf32, #tpu.memory_space<vmem>>, vector<1x1x16xf32>,
          %get3A_507 = vector.shape_cast %get3A_506 : vector<1x1x16xf32> to vector<16xf32>
          %get3A_508 = arith.constant 0 : i32
          %get3A_509 = arith.index_cast %while3A_290 : i32 to index
          %get3A_510 = arith.index_cast %get3A_508 : i32 to index
          %get3A_511 = arith.constant 224 : index
          %get3A_512 = tpu.vector_load %arg8[%get3A_509, %get3A_510, %get3A_511] {strides = array<i32>} : memref<96x1x512xf32, #tpu.memory_space<vmem>>, vector<1x1x16xf32>,
          %get3A_513 = vector.shape_cast %get3A_512 : vector<1x1x16xf32> to vector<16xf32>
          %sub3A_514 = arith.subf %get3A_513, %get3A_507 : vector<16xf32>
          %mul3A_515 = arith.mulf %sub3A_514, %sub3A_514 : vector<16xf32>
          %add3A_516 = arith.addf %add3A_501, %mul3A_515 : vector<16xf32>
          %get3A_517 = arith.constant 0 : i32
          %get3A_518 = arith.index_cast %while3A_290 : i32 to index
          %get3A_519 = arith.index_cast %get3A_517 : i32 to index
          %get3A_520 = arith.constant 240 : index
          %get3A_521 = tpu.vector_load %arg7[%get3A_518, %get3A_519, %get3A_520] {strides = array<i32>} : memref<96x1x512xf32, #tpu.memory_space<vmem>>, vector<1x1x16xf32>,
          %get3A_522 = vector.shape_cast %get3A_521 : vector<1x1x16xf32> to vector<16xf32>
          %get3A_523 = arith.constant 0 : i32
          %get3A_524 = arith.index_cast %while3A_290 : i32 to index
          %get3A_525 = arith.index_cast %get3A_523 : i32 to index
          %get3A_526 = arith.constant 240 : index
          %get3A_527 = tpu.vector_load %arg8[%get3A_524, %get3A_525, %get3A_526] {strides = array<i32>} : memref<96x1x512xf32, #tpu.memory_space<vmem>>, vector<1x1x16xf32>,
          %get3A_528 = vector.shape_cast %get3A_527 : vector<1x1x16xf32> to vector<16xf32>
          %sub3A_529 = arith.subf %get3A_528, %get3A_522 : vector<16xf32>
          %mul3A_530 = arith.mulf %sub3A_529, %sub3A_529 : vector<16xf32>
          %add3A_531 = arith.addf %add3A_516, %mul3A_530 : vector<16xf32>
          %get3A_532 = arith.constant 0 : i32
          %get3A_533 = arith.index_cast %while3A_290 : i32 to index
          %get3A_534 = arith.index_cast %get3A_532 : i32 to index
          %get3A_535 = arith.constant 256 : index
          %get3A_536 = tpu.vector_load %arg7[%get3A_533, %get3A_534, %get3A_535] {strides = array<i32>} : memref<96x1x512xf32, #tpu.memory_space<vmem>>, vector<1x1x16xf32>,
          %get3A_537 = vector.shape_cast %get3A_536 : vector<1x1x16xf32> to vector<16xf32>
          %get3A_538 = arith.constant 0 : i32
          %get3A_539 = arith.index_cast %while3A_290 : i32 to index
          %get3A_540 = arith.index_cast %get3A_538 : i32 to index
          %get3A_541 = arith.constant 256 : index
          %get3A_542 = tpu.vector_load %arg8[%get3A_539, %get3A_540, %get3A_541] {strides = array<i32>} : memref<96x1x512xf32, #tpu.memory_space<vmem>>, vector<1x1x16xf32>,
          %get3A_543 = vector.shape_cast %get3A_542 : vector<1x1x16xf32> to vector<16xf32>
          %sub3A_544 = arith.subf %get3A_543, %get3A_537 : vector<16xf32>
          %mul3A_545 = arith.mulf %sub3A_544, %sub3A_544 : vector<16xf32>
          %add3A_546 = arith.addf %add3A_531, %mul3A_545 : vector<16xf32>
          %get3A_547 = arith.constant 0 : i32
          %get3A_548 = arith.index_cast %while3A_290 : i32 to index
          %get3A_549 = arith.index_cast %get3A_547 : i32 to index
          %get3A_550 = arith.constant 272 : index
          %get3A_551 = tpu.vector_load %arg7[%get3A_548, %get3A_549, %get3A_550] {strides = array<i32>} : memref<96x1x512xf32, #tpu.memory_space<vmem>>, vector<1x1x16xf32>,
          %get3A_552 = vector.shape_cast %get3A_551 : vector<1x1x16xf32> to vector<16xf32>
          %get3A_553 = arith.constant 0 : i32
          %get3A_554 = arith.index_cast %while3A_290 : i32 to index
          %get3A_555 = arith.index_cast %get3A_553 : i32 to index
          %get3A_556 = arith.constant 272 : index
          %get3A_557 = tpu.vector_load %arg8[%get3A_554, %get3A_555, %get3A_556] {strides = array<i32>} : memref<96x1x512xf32, #tpu.memory_space<vmem>>, vector<1x1x16xf32>,
          %get3A_558 = vector.shape_cast %get3A_557 : vector<1x1x16xf32> to vector<16xf32>
          %sub3A_559 = arith.subf %get3A_558, %get3A_552 : vector<16xf32>
          %mul3A_560 = arith.mulf %sub3A_559, %sub3A_559 : vector<16xf32>
          %add3A_561 = arith.addf %add3A_546, %mul3A_560 : vector<16xf32>
          %get3A_562 = arith.constant 0 : i32
          %get3A_563 = arith.index_cast %while3A_290 : i32 to index
          %get3A_564 = arith.index_cast %get3A_562 : i32 to index
          %get3A_565 = arith.constant 288 : index
          %get3A_566 = tpu.vector_load %arg7[%get3A_563, %get3A_564, %get3A_565] {strides = array<i32>} : memref<96x1x512xf32, #tpu.memory_space<vmem>>, vector<1x1x16xf32>,
          %get3A_567 = vector.shape_cast %get3A_566 : vector<1x1x16xf32> to vector<16xf32>
          %get3A_568 = arith.constant 0 : i32
          %get3A_569 = arith.index_cast %while3A_290 : i32 to index
          %get3A_570 = arith.index_cast %get3A_568 : i32 to index
          %get3A_571 = arith.constant 288 : index
          %get3A_572 = tpu.vector_load %arg8[%get3A_569, %get3A_570, %get3A_571] {strides = array<i32>} : memref<96x1x512xf32, #tpu.memory_space<vmem>>, vector<1x1x16xf32>,
          %get3A_573 = vector.shape_cast %get3A_572 : vector<1x1x16xf32> to vector<16xf32>
          %sub3A_574 = arith.subf %get3A_573, %get3A_567 : vector<16xf32>
          %mul3A_575 = arith.mulf %sub3A_574, %sub3A_574 : vector<16xf32>
          %add3A_576 = arith.addf %add3A_561, %mul3A_575 : vector<16xf32>
          %get3A_577 = arith.constant 0 : i32
          %get3A_578 = arith.index_cast %while3A_290 : i32 to index
          %get3A_579 = arith.index_cast %get3A_577 : i32 to index
          %get3A_580 = arith.constant 304 : index
          %get3A_581 = tpu.vector_load %arg7[%get3A_578, %get3A_579, %get3A_580] {strides = array<i32>} : memref<96x1x512xf32, #tpu.memory_space<vmem>>, vector<1x1x16xf32>,
          %get3A_582 = vector.shape_cast %get3A_581 : vector<1x1x16xf32> to vector<16xf32>
          %get3A_583 = arith.constant 0 : i32
          %get3A_584 = arith.index_cast %while3A_290 : i32 to index
          %get3A_585 = arith.index_cast %get3A_583 : i32 to index
          %get3A_586 = arith.constant 304 : index
          %get3A_587 = tpu.vector_load %arg8[%get3A_584, %get3A_585, %get3A_586] {strides = array<i32>} : memref<96x1x512xf32, #tpu.memory_space<vmem>>, vector<1x1x16xf32>,
          %get3A_588 = vector.shape_cast %get3A_587 : vector<1x1x16xf32> to vector<16xf32>
          %sub3A_589 = arith.subf %get3A_588, %get3A_582 : vector<16xf32>
          %mul3A_590 = arith.mulf %sub3A_589, %sub3A_589 : vector<16xf32>
          %add3A_591 = arith.addf %add3A_576, %mul3A_590 : vector<16xf32>
          %get3A_592 = arith.constant 0 : i32
          %get3A_593 = arith.index_cast %while3A_290 : i32 to index
          %get3A_594 = arith.index_cast %get3A_592 : i32 to index
          %get3A_595 = arith.constant 320 : index
          %get3A_596 = tpu.vector_load %arg7[%get3A_593, %get3A_594, %get3A_595] {strides = array<i32>} : memref<96x1x512xf32, #tpu.memory_space<vmem>>, vector<1x1x16xf32>,
          %get3A_597 = vector.shape_cast %get3A_596 : vector<1x1x16xf32> to vector<16xf32>
          %get3A_598 = arith.constant 0 : i32
          %get3A_599 = arith.index_cast %while3A_290 : i32 to index
          %get3A_600 = arith.index_cast %get3A_598 : i32 to index
          %get3A_601 = arith.constant 320 : index
          %get3A_602 = tpu.vector_load %arg8[%get3A_599, %get3A_600, %get3A_601] {strides = array<i32>} : memref<96x1x512xf32, #tpu.memory_space<vmem>>, vector<1x1x16xf32>,
          %get3A_603 = vector.shape_cast %get3A_602 : vector<1x1x16xf32> to vector<16xf32>
          %sub3A_604 = arith.subf %get3A_603, %get3A_597 : vector<16xf32>
          %mul3A_605 = arith.mulf %sub3A_604, %sub3A_604 : vector<16xf32>
          %add3A_606 = arith.addf %add3A_591, %mul3A_605 : vector<16xf32>
          %get3A_607 = arith.constant 0 : i32
          %get3A_608 = arith.index_cast %while3A_290 : i32 to index
          %get3A_609 = arith.index_cast %get3A_607 : i32 to index
          %get3A_610 = arith.constant 336 : index
          %get3A_611 = tpu.vector_load %arg7[%get3A_608, %get3A_609, %get3A_610] {strides = array<i32>} : memref<96x1x512xf32, #tpu.memory_space<vmem>>, vector<1x1x16xf32>,
          %get3A_612 = vector.shape_cast %get3A_611 : vector<1x1x16xf32> to vector<16xf32>
          %get3A_613 = arith.constant 0 : i32
          %get3A_614 = arith.index_cast %while3A_290 : i32 to index
          %get3A_615 = arith.index_cast %get3A_613 : i32 to index
          %get3A_616 = arith.constant 336 : index
          %get3A_617 = tpu.vector_load %arg8[%get3A_614, %get3A_615, %get3A_616] {strides = array<i32>} : memref<96x1x512xf32, #tpu.memory_space<vmem>>, vector<1x1x16xf32>,
          %get3A_618 = vector.shape_cast %get3A_617 : vector<1x1x16xf32> to vector<16xf32>
          %sub3A_619 = arith.subf %get3A_618, %get3A_612 : vector<16xf32>
          %mul3A_620 = arith.mulf %sub3A_619, %sub3A_619 : vector<16xf32>
          %add3A_621 = arith.addf %add3A_606, %mul3A_620 : vector<16xf32>
          %get3A_622 = arith.constant 0 : i32
          %get3A_623 = arith.index_cast %while3A_290 : i32 to index
          %get3A_624 = arith.index_cast %get3A_622 : i32 to index
          %get3A_625 = arith.constant 352 : index
          %get3A_626 = tpu.vector_load %arg7[%get3A_623, %get3A_624, %get3A_625] {strides = array<i32>} : memref<96x1x512xf32, #tpu.memory_space<vmem>>, vector<1x1x16xf32>,
          %get3A_627 = vector.shape_cast %get3A_626 : vector<1x1x16xf32> to vector<16xf32>
          %get3A_628 = arith.constant 0 : i32
          %get3A_629 = arith.index_cast %while3A_290 : i32 to index
          %get3A_630 = arith.index_cast %get3A_628 : i32 to index
          %get3A_631 = arith.constant 352 : index
          %get3A_632 = tpu.vector_load %arg8[%get3A_629, %get3A_630, %get3A_631] {strides = array<i32>} : memref<96x1x512xf32, #tpu.memory_space<vmem>>, vector<1x1x16xf32>,
          %get3A_633 = vector.shape_cast %get3A_632 : vector<1x1x16xf32> to vector<16xf32>
          %sub3A_634 = arith.subf %get3A_633, %get3A_627 : vector<16xf32>
          %mul3A_635 = arith.mulf %sub3A_634, %sub3A_634 : vector<16xf32>
          %add3A_636 = arith.addf %add3A_621, %mul3A_635 : vector<16xf32>
          %get3A_637 = arith.constant 0 : i32
          %get3A_638 = arith.index_cast %while3A_290 : i32 to index
          %get3A_639 = arith.index_cast %get3A_637 : i32 to index
          %get3A_640 = arith.constant 368 : index
          %get3A_641 = tpu.vector_load %arg7[%get3A_638, %get3A_639, %get3A_640] {strides = array<i32>} : memref<96x1x512xf32, #tpu.memory_space<vmem>>, vector<1x1x16xf32>,
          %get3A_642 = vector.shape_cast %get3A_641 : vector<1x1x16xf32> to vector<16xf32>
          %get3A_643 = arith.constant 0 : i32
          %get3A_644 = arith.index_cast %while3A_290 : i32 to index
          %get3A_645 = arith.index_cast %get3A_643 : i32 to index
          %get3A_646 = arith.constant 368 : index
          %get3A_647 = tpu.vector_load %arg8[%get3A_644, %get3A_645, %get3A_646] {strides = array<i32>} : memref<96x1x512xf32, #tpu.memory_space<vmem>>, vector<1x1x16xf32>,
          %get3A_648 = vector.shape_cast %get3A_647 : vector<1x1x16xf32> to vector<16xf32>
          %sub3A_649 = arith.subf %get3A_648, %get3A_642 : vector<16xf32>
          %mul3A_650 = arith.mulf %sub3A_649, %sub3A_649 : vector<16xf32>
          %add3A_651 = arith.addf %add3A_636, %mul3A_650 : vector<16xf32>
          %get3A_652 = arith.constant 0 : i32
          %get3A_653 = arith.index_cast %while3A_290 : i32 to index
          %get3A_654 = arith.index_cast %get3A_652 : i32 to index
          %get3A_655 = arith.constant 384 : index
          %get3A_656 = tpu.vector_load %arg7[%get3A_653, %get3A_654, %get3A_655] {strides = array<i32>} : memref<96x1x512xf32, #tpu.memory_space<vmem>>, vector<1x1x16xf32>,
          %get3A_657 = vector.shape_cast %get3A_656 : vector<1x1x16xf32> to vector<16xf32>
          %get3A_658 = arith.constant 0 : i32
          %get3A_659 = arith.index_cast %while3A_290 : i32 to index
          %get3A_660 = arith.index_cast %get3A_658 : i32 to index
          %get3A_661 = arith.constant 384 : index
          %get3A_662 = tpu.vector_load %arg8[%get3A_659, %get3A_660, %get3A_661] {strides = array<i32>} : memref<96x1x512xf32, #tpu.memory_space<vmem>>, vector<1x1x16xf32>,
          %get3A_663 = vector.shape_cast %get3A_662 : vector<1x1x16xf32> to vector<16xf32>
          %sub3A_664 = arith.subf %get3A_663, %get3A_657 : vector<16xf32>
          %mul3A_665 = arith.mulf %sub3A_664, %sub3A_664 : vector<16xf32>
          %add3A_666 = arith.addf %add3A_651, %mul3A_665 : vector<16xf32>
          %get3A_667 = arith.constant 0 : i32
          %get3A_668 = arith.index_cast %while3A_290 : i32 to index
          %get3A_669 = arith.index_cast %get3A_667 : i32 to index
          %get3A_670 = arith.constant 400 : index
          %get3A_671 = tpu.vector_load %arg7[%get3A_668, %get3A_669, %get3A_670] {strides = array<i32>} : memref<96x1x512xf32, #tpu.memory_space<vmem>>, vector<1x1x16xf32>,
          %get3A_672 = vector.shape_cast %get3A_671 : vector<1x1x16xf32> to vector<16xf32>
          %get3A_673 = arith.constant 0 : i32
          %get3A_674 = arith.index_cast %while3A_290 : i32 to index
          %get3A_675 = arith.index_cast %get3A_673 : i32 to index
          %get3A_676 = arith.constant 400 : index
          %get3A_677 = tpu.vector_load %arg8[%get3A_674, %get3A_675, %get3A_676] {strides = array<i32>} : memref<96x1x512xf32, #tpu.memory_space<vmem>>, vector<1x1x16xf32>,
          %get3A_678 = vector.shape_cast %get3A_677 : vector<1x1x16xf32> to vector<16xf32>
          %sub3A_679 = arith.subf %get3A_678, %get3A_672 : vector<16xf32>
          %mul3A_680 = arith.mulf %sub3A_679, %sub3A_679 : vector<16xf32>
          %add3A_681 = arith.addf %add3A_666, %mul3A_680 : vector<16xf32>
          %get3A_682 = arith.constant 0 : i32
          %get3A_683 = arith.index_cast %while3A_290 : i32 to index
          %get3A_684 = arith.index_cast %get3A_682 : i32 to index
          %get3A_685 = arith.constant 416 : index
          %get3A_686 = tpu.vector_load %arg7[%get3A_683, %get3A_684, %get3A_685] {strides = array<i32>} : memref<96x1x512xf32, #tpu.memory_space<vmem>>, vector<1x1x16xf32>,
          %get3A_687 = vector.shape_cast %get3A_686 : vector<1x1x16xf32> to vector<16xf32>
          %get3A_688 = arith.constant 0 : i32
          %get3A_689 = arith.index_cast %while3A_290 : i32 to index
          %get3A_690 = arith.index_cast %get3A_688 : i32 to index
          %get3A_691 = arith.constant 416 : index
          %get3A_692 = tpu.vector_load %arg8[%get3A_689, %get3A_690, %get3A_691] {strides = array<i32>} : memref<96x1x512xf32, #tpu.memory_space<vmem>>, vector<1x1x16xf32>,
          %get3A_693 = vector.shape_cast %get3A_692 : vector<1x1x16xf32> to vector<16xf32>
          %sub3A_694 = arith.subf %get3A_693, %get3A_687 : vector<16xf32>
          %mul3A_695 = arith.mulf %sub3A_694, %sub3A_694 : vector<16xf32>
          %add3A_696 = arith.addf %add3A_681, %mul3A_695 : vector<16xf32>
          %get3A_697 = arith.constant 0 : i32
          %get3A_698 = arith.index_cast %while3A_290 : i32 to index
          %get3A_699 = arith.index_cast %get3A_697 : i32 to index
          %get3A_700 = arith.constant 432 : index
          %get3A_701 = tpu.vector_load %arg7[%get3A_698, %get3A_699, %get3A_700] {strides = array<i32>} : memref<96x1x512xf32, #tpu.memory_space<vmem>>, vector<1x1x16xf32>,
          %get3A_702 = vector.shape_cast %get3A_701 : vector<1x1x16xf32> to vector<16xf32>
          %get3A_703 = arith.constant 0 : i32
          %get3A_704 = arith.index_cast %while3A_290 : i32 to index
          %get3A_705 = arith.index_cast %get3A_703 : i32 to index
          %get3A_706 = arith.constant 432 : index
          %get3A_707 = tpu.vector_load %arg8[%get3A_704, %get3A_705, %get3A_706] {strides = array<i32>} : memref<96x1x512xf32, #tpu.memory_space<vmem>>, vector<1x1x16xf32>,
          %get3A_708 = vector.shape_cast %get3A_707 : vector<1x1x16xf32> to vector<16xf32>
          %sub3A_709 = arith.subf %get3A_708, %get3A_702 : vector<16xf32>
          %mul3A_710 = arith.mulf %sub3A_709, %sub3A_709 : vector<16xf32>
          %add3A_711 = arith.addf %add3A_696, %mul3A_710 : vector<16xf32>
          %get3A_712 = arith.constant 0 : i32
          %get3A_713 = arith.index_cast %while3A_290 : i32 to index
          %get3A_714 = arith.index_cast %get3A_712 : i32 to index
          %get3A_715 = arith.constant 448 : index
          %get3A_716 = tpu.vector_load %arg7[%get3A_713, %get3A_714, %get3A_715] {strides = array<i32>} : memref<96x1x512xf32, #tpu.memory_space<vmem>>, vector<1x1x16xf32>,
          %get3A_717 = vector.shape_cast %get3A_716 : vector<1x1x16xf32> to vector<16xf32>
          %get3A_718 = arith.constant 0 : i32
          %get3A_719 = arith.index_cast %while3A_290 : i32 to index
          %get3A_720 = arith.index_cast %get3A_718 : i32 to index
          %get3A_721 = arith.constant 448 : index
          %get3A_722 = tpu.vector_load %arg8[%get3A_719, %get3A_720, %get3A_721] {strides = array<i32>} : memref<96x1x512xf32, #tpu.memory_space<vmem>>, vector<1x1x16xf32>,
          %get3A_723 = vector.shape_cast %get3A_722 : vector<1x1x16xf32> to vector<16xf32>
          %sub3A_724 = arith.subf %get3A_723, %get3A_717 : vector<16xf32>
          %mul3A_725 = arith.mulf %sub3A_724, %sub3A_724 : vector<16xf32>
          %add3A_726 = arith.addf %add3A_711, %mul3A_725 : vector<16xf32>
          %get3A_727 = arith.constant 0 : i32
          %get3A_728 = arith.index_cast %while3A_290 : i32 to index
          %get3A_729 = arith.index_cast %get3A_727 : i32 to index
          %get3A_730 = arith.constant 464 : index
          %get3A_731 = tpu.vector_load %arg7[%get3A_728, %get3A_729, %get3A_730] {strides = array<i32>} : memref<96x1x512xf32, #tpu.memory_space<vmem>>, vector<1x1x16xf32>,
          %get3A_732 = vector.shape_cast %get3A_731 : vector<1x1x16xf32> to vector<16xf32>
          %get3A_733 = arith.constant 0 : i32
          %get3A_734 = arith.index_cast %while3A_290 : i32 to index
          %get3A_735 = arith.index_cast %get3A_733 : i32 to index
          %get3A_736 = arith.constant 464 : index
          %get3A_737 = tpu.vector_load %arg8[%get3A_734, %get3A_735, %get3A_736] {strides = array<i32>} : memref<96x1x512xf32, #tpu.memory_space<vmem>>, vector<1x1x16xf32>,
          %get3A_738 = vector.shape_cast %get3A_737 : vector<1x1x16xf32> to vector<16xf32>
          %sub3A_739 = arith.subf %get3A_738, %get3A_732 : vector<16xf32>
          %mul3A_740 = arith.mulf %sub3A_739, %sub3A_739 : vector<16xf32>
          %add3A_741 = arith.addf %add3A_726, %mul3A_740 : vector<16xf32>
          %get3A_742 = arith.constant 0 : i32
          %get3A_743 = arith.index_cast %while3A_290 : i32 to index
          %get3A_744 = arith.index_cast %get3A_742 : i32 to index
          %get3A_745 = arith.constant 480 : index
          %get3A_746 = tpu.vector_load %arg7[%get3A_743, %get3A_744, %get3A_745] {strides = array<i32>} : memref<96x1x512xf32, #tpu.memory_space<vmem>>, vector<1x1x16xf32>,
          %get3A_747 = vector.shape_cast %get3A_746 : vector<1x1x16xf32> to vector<16xf32>
          %get3A_748 = arith.constant 0 : i32
          %get3A_749 = arith.index_cast %while3A_290 : i32 to index
          %get3A_750 = arith.index_cast %get3A_748 : i32 to index
          %get3A_751 = arith.constant 480 : index
          %get3A_752 = tpu.vector_load %arg8[%get3A_749, %get3A_750, %get3A_751] {strides = array<i32>} : memref<96x1x512xf32, #tpu.memory_space<vmem>>, vector<1x1x16xf32>,
          %get3A_753 = vector.shape_cast %get3A_752 : vector<1x1x16xf32> to vector<16xf32>
          %sub3A_754 = arith.subf %get3A_753, %get3A_747 : vector<16xf32>
          %mul3A_755 = arith.mulf %sub3A_754, %sub3A_754 : vector<16xf32>
          %add3A_756 = arith.addf %add3A_741, %mul3A_755 : vector<16xf32>
          %get3A_757 = arith.constant 0 : i32
          %get3A_758 = arith.index_cast %while3A_290 : i32 to index
          %get3A_759 = arith.index_cast %get3A_757 : i32 to index
          %get3A_760 = arith.constant 496 : index
          %get3A_761 = tpu.vector_load %arg7[%get3A_758, %get3A_759, %get3A_760] {strides = array<i32>} : memref<96x1x512xf32, #tpu.memory_space<vmem>>, vector<1x1x16xf32>,
          %get3A_762 = vector.shape_cast %get3A_761 : vector<1x1x16xf32> to vector<16xf32>
          %get3A_763 = arith.constant 0 : i32
          %get3A_764 = arith.index_cast %while3A_290 : i32 to index
          %get3A_765 = arith.index_cast %get3A_763 : i32 to index
          %get3A_766 = arith.constant 496 : index
          %get3A_767 = tpu.vector_load %arg8[%get3A_764, %get3A_765, %get3A_766] {strides = array<i32>} : memref<96x1x512xf32, #tpu.memory_space<vmem>>, vector<1x1x16xf32>,
          %get3A_768 = vector.shape_cast %get3A_767 : vector<1x1x16xf32> to vector<16xf32>
          %sub3A_769 = arith.subf %get3A_768, %get3A_762 : vector<16xf32>
          %mul3A_770 = arith.mulf %sub3A_769, %sub3A_769 : vector<16xf32>
          %add3A_771 = arith.addf %add3A_756, %mul3A_770 : vector<16xf32>
          scf.yield %add3A_771 : vector<16xf32>
        }
        scf.yield %while3A_289 : vector<16xf32>
      }
      %get3A_215 = arith.index_cast %scan3A_154 : i32 to index
      %get3A_216 = arith.constant 0 : index
      %get3A_217 = tpu.vector_load %arg9[%get3A_215, %get3A_216] {strides = array<i32>} : memref<16x16xf32, #tpu.memory_space<vmem>>, vector<1x16xf32>,
      %get3A_218 = vector.shape_cast %get3A_217 : vector<1x16xf32> to vector<16xf32>
      %add3A_219 = arith.addf %get3A_218, %while3A_214 : vector<16xf32>
      %swap3A_220 = arith.index_cast %scan3A_154 : i32 to index
      %swap3A_221 = arith.constant 0 : index
      %swap3A_222 = tpu.vector_load %arg9[%swap3A_220, %swap3A_221] {strides = array<i32>} : memref<16x16xf32, #tpu.memory_space<vmem>>, vector<1x16xf32>,
      %swap3A_223 = vector.shape_cast %swap3A_222 : vector<1x16xf32> to vector<16xf32>
      %swap3A_224 = vector.shape_cast %add3A_219 : vector<16xf32> to vector<1x16xf32>
      tpu.vector_store %arg9[%swap3A_220, %swap3A_221], %swap3A_224 {strides = array<i32>} : memref<16x16xf32, #tpu.memory_space<vmem>>, vector<1x16xf32>,
      %add3A_225 = arith.addi %scan3A_155, %max3A_160 : i32
      scf.yield %add3A_225 : i32
    }
    %scan3A_153 = arith.constant 16 : i32
    "tpu.region"() ({
      %run_scoped3A = tpu.sem_alloc : memref<!tpu.dma_semaphore, #tpu.memory_space<semaphore_mem>>
      %dma_start3A = arith.constant 0 : i32
      %dma_start3A_154 = arith.constant 0 : i32
      %dma_start3A_155 = tpu.memref_slice %arg5[%add3A, %dma_start3A, %dma_start3A_154] : memref<32x16x16xf32, #tpu.memory_space<hbm>> -> memref<1x16x16xf32, #tpu.memory_space<hbm>>
      %dma_start3A_156 = tpu.memref_squeeze %dma_start3A_155 : memref<1x16x16xf32, #tpu.memory_space<hbm>> -> memref<16x16xf32, #tpu.memory_space<hbm>>
      %dma_start3A_157 = arith.constant 0 : i32
      %dma_start3A_158 = arith.constant 0 : i32
      %dma_start3A_159 = tpu.memref_slice %arg5[%add3A, %dma_start3A_157, %dma_start3A_158] : memref<32x16x16xf32, #tpu.memory_space<hbm>> -> memref<1x16x16xf32, #tpu.memory_space<hbm>>
      %dma_start3A_160 = tpu.memref_squeeze %dma_start3A_159 : memref<1x16x16xf32, #tpu.memory_space<hbm>> -> memref<16x16xf32, #tpu.memory_space<hbm>>
      tpu.enqueue_dma source(%arg9 : memref<16x16xf32, #tpu.memory_space<vmem>>) target(%dma_start3A_160 : memref<16x16xf32, #tpu.memory_space<hbm>>) target_semaphore(%run_scoped3A : memref<!tpu.dma_semaphore, #tpu.memory_space<semaphore_mem>>)
      %dma_wait3A = arith.constant 0 : i32
      %dma_wait3A_161 = arith.constant 0 : i32
      %dma_wait3A_162 = tpu.memref_slice %arg5[%add3A, %dma_wait3A, %dma_wait3A_161] : memref<32x16x16xf32, #tpu.memory_space<hbm>> -> memref<1x16x16xf32, #tpu.memory_space<hbm>>
      %dma_wait3A_163 = tpu.memref_squeeze %dma_wait3A_162 : memref<1x16x16xf32, #tpu.memory_space<hbm>> -> memref<16x16xf32, #tpu.memory_space<hbm>>
      %dma_wait3A_164 = arith.constant 0 : i32
      %dma_wait3A_165 = arith.constant 0 : i32
      %dma_wait3A_166 = tpu.memref_slice %arg5[%add3A, %dma_wait3A_164, %dma_wait3A_165] : memref<32x16x16xf32, #tpu.memory_space<hbm>> -> memref<1x16x16xf32, #tpu.memory_space<hbm>>
      %dma_wait3A_167 = tpu.memref_squeeze %dma_wait3A_166 : memref<1x16x16xf32, #tpu.memory_space<hbm>> -> memref<16x16xf32, #tpu.memory_space<hbm>>
      tpu.wait_dma2 semaphore(%run_scoped3A : memref<!tpu.dma_semaphore, #tpu.memory_space<semaphore_mem>>) src(%arg9 : memref<16x16xf32, #tpu.memory_space<vmem>>) dst(%dma_wait3A_167 : memref<16x16xf32, #tpu.memory_space<hbm>>)
      tpu.yield
    }) : () -> ()
    return
  }
}

module attributes {stable_mosaic.version = 14 : i64} {
  func.func @_tc_prefix_body(%arg0: i32, %arg1: memref<1x16xi32, #tpu.memory_space<vmem>>, %arg2: memref<128x16x512xf32, #tpu.memory_space<vmem>>, %arg3: memref<128x16x512xf32, #tpu.memory_space<vmem>>, %arg4: memref<16x512xf32, #tpu.memory_space<vmem>>) attributes {dimension_semantics = [#tpu.dimension_semantics<arbitrary>], iteration_bounds = array<i64: 6>, scalar_prefetch = 0 : i64, scratch_operands = 0 : i64, tpu.core_type = #tpu.core_type<tc>, window_params = [{pipeline_mode = #tpu.pipeline_mode<synchronous>, transform_indices = @transform_0, window_bounds = array<i64: 1, 16>}, {transform_indices = @transform_1, window_bounds = array<i64: 128, 16, 512>}, {transform_indices = @transform_2, window_bounds = array<i64: 128, 16, 512>}, {pipeline_mode = #tpu.pipeline_mode<synchronous>, transform_indices = @transform_3, window_bounds = array<i64: 16, 512>}]} {
    %get3A = arith.constant 0 : index
    %get3A_0 = arith.constant 0 : index
    %get3A_1 = arith.constant 0 : index
    %get3A_2 = vector.load %arg3[%get3A, %get3A_0, %get3A_1] : memref<128x16x512xf32, #tpu.memory_space<vmem>>, vector<128x16x512xf32>
    %get3A_3 = arith.constant 0 : index
    %get3A_4 = arith.constant 0 : index
    %get3A_5 = arith.constant 0 : index
    %get3A_6 = vector.load %arg2[%get3A_3, %get3A_4, %get3A_5] : memref<128x16x512xf32, #tpu.memory_space<vmem>>, vector<128x16x512xf32>
    %sub3A = arith.subf %get3A_2, %get3A_6 : vector<128x16x512xf32>
    %mul3A = arith.mulf %sub3A, %sub3A : vector<128x16x512xf32>
    %iota3A = tpu.iota {dimensions = array<i32: 0>} : vector<128x16x1xi32>
    %mul3A_7 = arith.constant 128 : i32
    %mul3A_8 = arith.muli %arg0, %mul3A_7 : i32
    %add3A = vector.broadcast %mul3A_8 : i32 to vector<128x16x1xi32>
    %add3A_9 = arith.addi %iota3A, %add3A : vector<128x16x1xi32>
    %get3A_10 = arith.constant 0 : index
    %get3A_11 = arith.constant 0 : index
    %get3A_12 = vector.load %arg1[%get3A_10, %get3A_11] : memref<1x16xi32, #tpu.memory_space<vmem>>, vector<1x16xi32>
    %broadcast_in_dim3A = vector.shape_cast %get3A_12 : vector<1x16xi32> to vector<1x16x1xi32>
    %lt3A = vector.broadcast %broadcast_in_dim3A : vector<1x16x1xi32> to vector<128x16x1xi32>
    %lt3A_13 = arith.cmpi slt, %add3A_9, %lt3A : vector<128x16x1xi32>
    %jit3A = arith.constant 0.000000e+00 : f32
    %broadcast_in_dim3A_14 = vector.shape_cast %lt3A_13 : vector<128x16x1xi1> to vector<128x16x1xi1>
    %broadcast_in_dim3A_15 = vector.broadcast %broadcast_in_dim3A_14 : vector<128x16x1xi1> to vector<128x16x512xi1>
    %broadcast_in_dim3A_16 = vector.broadcast %jit3A : f32 to vector<128x16x512xf32>
    %select_n3A = arith.select %broadcast_in_dim3A_15, %mul3A, %broadcast_in_dim3A_16 : vector<128x16x512xi1>, vector<128x16x512xf32>
    %reduce_sum3A = arith.constant dense<0.000000e+00> : vector<16x512xf32>
    %reduce_sum3A_17 = vector.multi_reduction <add>, %select_n3A, %reduce_sum3A [0] : vector<128x16x512xf32> to vector<16x512xf32>
    %eq3A = arith.constant 0 : i32
    %eq3A_18 = arith.cmpi eq, %arg0, %eq3A : i32
    %convert_element_type3A = arith.extui %eq3A_18 : i1 to i32
    %cond3A = arith.constant 0 : i32
    %cond3A_19 = arith.cmpi ne, %convert_element_type3A, %cond3A : i32
    scf.if %cond3A_19 {
      %broadcast_in_dim3A_26 = arith.constant 0.000000e+00 : f32
      %broadcast_in_dim3A_27 = vector.broadcast %broadcast_in_dim3A_26 : f32 to vector<16x512xf32>
      %swap3A_28 = arith.constant 0 : index
      %swap3A_29 = arith.constant 0 : index
      %swap3A_30 = vector.load %arg4[%swap3A_28, %swap3A_29] : memref<16x512xf32, #tpu.memory_space<vmem>>, vector<16x512xf32>
      tpu.vector_store %arg4[%swap3A_28, %swap3A_29], %broadcast_in_dim3A_27 {strides = array<i32>} : memref<16x512xf32, #tpu.memory_space<vmem>>, vector<16x512xf32>,
    } else {
    }
    %get3A_20 = arith.constant 0 : index
    %get3A_21 = arith.constant 0 : index
    %get3A_22 = vector.load %arg4[%get3A_20, %get3A_21] : memref<16x512xf32, #tpu.memory_space<vmem>>, vector<16x512xf32>
    %add3A_23 = arith.addf %get3A_22, %reduce_sum3A_17 : vector<16x512xf32>
    %swap3A = arith.constant 0 : index
    %swap3A_24 = arith.constant 0 : index
    %swap3A_25 = vector.load %arg4[%swap3A, %swap3A_24] : memref<16x512xf32, #tpu.memory_space<vmem>>, vector<16x512xf32>
    tpu.vector_store %arg4[%swap3A, %swap3A_24], %add3A_23 {strides = array<i32>} : memref<16x512xf32, #tpu.memory_space<vmem>>, vector<16x512xf32>,
    return
  }
  func.func @transform_0(%arg0: i32) -> (i32, i32) {
    %c0_i32 = arith.constant 0 : i32
    %c0_i32_0 = arith.constant 0 : i32
    %c0_i32_1 = arith.constant 0 : i32
    return %c0_i32, %c0_i32_0 : i32, i32
  }
  func.func @transform_1(%arg0: i32) -> (i32, i32, i32) {
    %c0_i32 = arith.constant 0 : i32
    %c0_i32_0 = arith.constant 0 : i32
    %c0_i32_1 = arith.constant 0 : i32
    return %arg0, %c0_i32, %c0_i32_0 : i32, i32, i32
  }
  func.func @transform_2(%arg0: i32) -> (i32, i32, i32) {
    %c0_i32 = arith.constant 0 : i32
    %c0_i32_0 = arith.constant 0 : i32
    %c0_i32_1 = arith.constant 0 : i32
    return %arg0, %c0_i32, %c0_i32_0 : i32, i32, i32
  }
  func.func @transform_3(%arg0: i32) -> (i32, i32) {
    %c0_i32 = arith.constant 0 : i32
    %c0_i32_0 = arith.constant 0 : i32
    %c0_i32_1 = arith.constant 0 : i32
    return %c0_i32, %c0_i32_0 : i32, i32
  }
}

</mosaic_0001>

<sc_bundles>
// kernel: kernel.4.cloned.1.call-start
scs
__scs_entry_jumppad:
0x0: {  	(pc) =	sbr.rel $0x88, $3  }
0x1: {  	(tag) =	ssettag $0x0;
	lr =	simm.s32 $0x1  }
0x2: {  	[smem:$0x3F9E] =	sst lr;
	_ =	strace $0xD0000000  }
0x3: {  	_ = 	snop  }
0x4: {  	_ = 	snop  }
0x5: {  	_ = 	snop  }
0x6: {  	_ = 	snop  }
0x7: {  	_ = 	snop  }
__scs_overlays_trampoline_lowered:
0x8: {  	[smem:$0x3FAD] =	sst s0  }
0x9: {  	[smem:$0x3FAE] =	sst s1  }
0xa: {  	[smem:$0x3FAF] =	sst s2  }
0xb: {  	[smem:$0x3FB0] =	sst s3  }
0xc: {  	[smem:$0x3FB1] =	sst s4  }
0xd: {  	[smem:$0x3FB2] =	sst s5  }
0xe: {  	[smem:$0x3FB3] =	sst s6  }
0xf: {  	[smem:$0x3FB4] =	sst s7  }
0x10: {  	[smem:$0x3FB5] =	sst s8  }
0x11: {  	[smem:$0x3FB6] =	sst s9;
	s0 =	simm.s32 @!p0 $0x0  }
0x12: {  	s1 =	sld [smem:$0x3F9C];
	s0 =	simm.s32 @p0 $0x1  }
0x13: {  	[smem:$0x3FB7] =	sst s0;
	s0 =	simm.s32 @!p1 $0x0  }
0x14: {  	s2 =	sld [smem:$0x3F9B];
	s0 =	simm.s32 @p1 $0x1  }
0x15: {  	[smem:$0x3FB8] =	sst s0;
	s0 =	simm.s32 @!p2 $0x0  }
0x16: {  	s3 =	sld [smem:$0x3FDB];
	s0 =	simm.s32 @p2 $0x1  }
0x17: {  	s4 =	simm.s32 $0x1BF5;
	[smem:$0x3FBA] =	sst s0  }
0x18: {  	s0 =	sld [smem:$0x3F9D];
	_ =	swait.ge [sflag:s4], $0x0  }
0x19: {  	s7 =	sld [smem:$0x3F9E]  }
0x1a: {  	s8 =	sadd.s32 $0xFFFFE003, lr  }
0x1b: {  	s9 =	sadd.s32 $0xFFFFFEF7, lr;
	s5 =	simm.s32 $0xFFFFFFFF;
	p2 =	slt.u32 s8, $0xFFFFF086  }
0x1c: {  	p1 =	slt.u32 s9, $0xF7A;
	s5 =	simm.s32 @!p2 $0x0  }
0x1d: {  	s5 =	simm.s32 @p1 $0x1;
	p0 =	seq.s32 s7, s2  }
0x1e: {  	s7 =	smul.u32 @!p0 $0xF7A, s2;
	p2 =	seq.s32 @!p0 s5, $0x0  }
0x1f: {  	s9 =	smul.u32 $0xF7A, s1;
	s8 =	simm.s32 @!p0 $0x1BF5;
	p2 =	por !p2, p0  }
0x20: {  	[sflag:s8] =	ssyncset.s32 @!p0 $0xFFFFF086;
	s6 =	sadd.s32 @!p0 s3, s7;
	s7 =	simm.s32 @!p0 $0x108  }
0x21: {  	s3 =	sadd.s32 s3, s9;
	s6 =	sadd.s32 @!p0 $0x88, s6;
	s7 =	simm.s32 @p2 $0x1082  }
0x22: {  	[simem:s7], [sflag:s8] =	dma.local @!p0 [hbm:s6], $0xF7A  }
0x23: {  	s9 =	sor.u32 $0xD0000000, s2;
	s6 =	simm.s32 $0x108;
	_ =	swait.ge @!p0 [sflag:s8], $0x0  }
0x24: {  	s3 =	sadd.s32 $0x88, s3;
	s6 =	simm.s32 @!p1 $0x1082;
	[sflag:s4] =	ssyncset.s32 $0xFFFFF086  }
0x25: {  	[simem:s6], [sflag:s4] =	dma.local [hbm:s3], $0xF7A  }
0x26: {  	[smem:$0x3F9E] =	sst s1;
	(tag) =	ssettag s2;
	_ =	strace s9  }
0x27: {  	s1 =	sld [smem:$0x3FAE]  }
0x28: {  	s2 =	sld [smem:$0x3FAF]  }
0x29: {  	s4 =	sld [smem:$0x3FB1]  }
0x2a: {  	p0 =	seq.s32 s5, $0x0;
	s5 =	sld [smem:$0x3FB2]  }
0x2b: {  	s6 =	sld [smem:$0x3FB3]  }
0x2c: {  	s7 =	sld [smem:$0x3FB4]  }
0x2d: {  	s3 =	simm.s32 $0x108;
	s8 =	sld [smem:$0x3FB5]  }
0x2e: {  	s3 =	simm.s32 @!p0 $0x1082;
	s9 =	sld [smem:$0x3FB6]  }
0x2f: {  	lr =	sadd.s32 s0, s3;
	s0 =	sld [smem:$0x3FAD]  }
0x30: {  	s3 =	sld [smem:$0x3FB0]  }
0x31: {  	[smem:$0x3FB9] =	sst s10  }
0x32: {  	s10 =	sld [smem:$0x3FB7];
	_ =	sdelay $0x3  }
0x33: {  	p0 =	seq.s32 s10, $0x1;
	s10 =	sld [smem:$0x3FB9];
	_ =	sdelay $0x3  }
0x34: {  	[smem:$0x3FB9] =	sst s10  }
0x35: {  	s10 =	sld [smem:$0x3FB8];
	_ =	sdelay $0x3  }
0x36: {  	p1 =	seq.s32 s10, $0x1;
	s10 =	sld [smem:$0x3FB9];
	_ =	sdelay $0x3  }
0x37: {  	[smem:$0x3FB9] =	sst s10  }
0x38: {  	s10 =	sld [smem:$0x3FBA]  }
0x39: {  	_ = 	snop;
	(pc) =	sbr.ind lr, $3  }
0x3a: {  	_ = 	snop  }
0x3b: {  	_ = 	snop  }
0x3c: {  	p2 =	seq.s32 s10, $0x1;
	s10 =	sld [smem:$0x3FB9]  }
0x3d: {  	_ =	shalt  }
0x3e: {  	_ =	shalt  }
0x3f: {  	_ =	shalt  }
0x40: {  	_ =	shalt  }
0x41: {  	_ =	shalt  }
0x42: {  	_ =	shalt  }
0x43: {  	_ =	shalt  }
0x44: {  	_ =	shalt  }
0x45: {  	_ =	shalt  }
0x46: {  	_ =	shalt  }
0x47: {  	_ =	shalt  }
0x48: {  	_ =	shalt  }
0x49: {  	_ =	shalt  }
0x4a: {  	_ =	shalt  }
0x4b: {  	_ =	shalt  }
0x4c: {  	_ =	shalt  }
0x4d: {  	_ =	shalt  }
0x4e: {  	_ =	shalt  }
0x4f: {  	_ =	shalt  }
0x50: {  	_ =	shalt  }
0x51: {  	_ =	shalt  }
0x52: {  	_ =	shalt  }
0x53: {  	_ =	shalt  }
0x54: {  	_ =	shalt  }
0x55: {  	_ =	shalt  }
0x56: {  	_ =	shalt  }
0x57: {  	_ =	shalt  }
0x58: {  	_ =	shalt  }
0x59: {  	_ =	shalt  }
0x5a: {  	_ =	shalt  }
0x5b: {  	_ =	shalt  }
0x5c: {  	_ =	shalt  }
0x5d: {  	_ =	shalt  }
0x5e: {  	_ =	shalt  }
0x5f: {  	_ =	shalt  }
0x60: {  	_ =	shalt  }
0x61: {  	_ =	shalt  }
0x62: {  	_ =	shalt  }
0x63: {  	_ =	shalt  }
0x64: {  	_ =	shalt  }
0x65: {  	_ =	shalt  }
0x66: {  	_ =	shalt  }
0x67: {  	_ =	shalt  }
0x68: {  	_ =	shalt  }
0x69: {  	_ =	shalt  }
0x6a: {  	_ =	shalt  }
0x6b: {  	_ =	shalt  }
0x6c: {  	_ =	shalt  }
0x6d: {  	_ =	shalt  }
0x6e: {  	_ =	shalt  }
0x6f: {  	_ =	shalt  }
0x70: {  	_ =	shalt  }
0x71: {  	_ =	shalt  }
0x72: {  	_ =	shalt  }
0x73: {  	_ =	shalt  }
0x74: {  	_ =	shalt  }
0x75: {  	_ =	shalt  }
0x76: {  	_ =	shalt  }
0x77: {  	_ =	shalt  }
0x78: {  	_ =	shalt  }
0x79: {  	_ =	shalt  }
0x7a: {  	_ =	shalt  }
0x7b: {  	_ =	shalt  }
0x7c: {  	_ =	shalt  }
0x7d: {  	_ =	shalt  }
0x7e: {  	_ =	shalt  }
0x7f: {  	_ =	shalt  }
0x80: {  	_ =	shalt  }
0x81: {  	_ =	shalt  }
0x82: {  	_ =	shalt  }
0x83: {  	_ =	shalt  }
0x84: {  	_ =	shalt  }
0x85: {  	_ =	shalt  }
0x86: {  	_ =	shalt  }
0x87: {  	_ =	shalt  }
.Lfunc_end0:
.L_simem_size_0:
called_computation_lowered:
.L_overlay_start_0:
0x88: {  	s2 =	sld [smem:$0x3FD9]  }
0x89: {  	s3 =	sld [smem:$0x3FFE];
	_ =	sdelay $0x1  }
0x8a: {  	s1 =	srdreg.scid  }
0x8b: {  	s0 =	sand.u32 $0x1, s1  }
0x8c: {  	s17 =	sshll.u32 s0, $0xA;
	s2 =	sadd.s32 s3, s2  }
0x8d: {  	s2 =	sadd.s32 s2, s17  }
0x8e: {  	[smem:$0x3FC5] =	sst s2  }
0x8f: {  	_ = 	snop  }
0x90: {  	s2 =	sld [smem:$0x3FC9]  }
0x91: {  	s18 =	sld [smem:$0x3FC8]  }
0x92: {  	s4 =	sld [smem:$0x3FC7];
	(tm) =	ssettm $0x1  }
0x93: {  	s5 =	sld [smem:$0x3FFB];
	_ =	sdelay $0x3  }
0x94: {  	_ =	strace s5  }
0x95: {  	s5 =	sld [smem:$0x3FFC];
	_ =	sdelay $0x3  }
0x96: {  	_ =	strace s5  }
0x97: {  	s5 =	sld [smem:$0x3FFD];
	_ =	sdelay $0x3  }
0x98: {  	_ =	strace s5  }
0x99: {  	_ =	strace $0x8FFFFFFF  }
0x9a: {  	s19 =	sld [smem:$0x3FDB];
	_ =	sdelay $0x1  }
0x9b: {  	s6 =	simm.s32 $_scs_section_size  }
0x9c: {  	s7 =	simm.s32 $_size__tile_overlayer_lowered;
	s8 =	simm.s32 $_tile_overlayer_lowered  }
0x9d: {  	s22 =	simm.s32 $0x1BFF;
	s21 =	sshll.u32 s8, $0x1;
	s5 =	sadd.s32 s6, s19  }
0x9e: {  	s9 =	simm.s32 $0x0;
	s20 =	sshll.u32 s7, $0x1;
	s7 =	sadd.s32 s21, s5  }
0x9f: {  	[timem:s9], [sflag:s22] =	dma.local [hbm:s7], s20  }
0xa0: {  	_ =	swait.ge [sflag:s22], s20  }
0xa1: {  	s6 =	ssub.s32 $0x0, s20;
	[sflag:s22] =	ssyncset.done $0x0  }
0xa2: {  	[sflag:s22] =	ssyncadd.s32 s6;
	_ =	sdelay $0x1  }
0xa3: {  	s23 =	simm.s32 $0x1B8B  }
0xa4: {  	_ =	swait.ge [sflag:s23], $0x1  }
0xa5: {  	[sflag:s23] =	ssyncset.done $0x0  }
0xa6: {  	s25 =	simm.s32 $0x1B8E;
	s24 =	sld [smem:$0x3FFE];
	[sflag:s23] =	ssyncadd.s32 $0xFFFFFFFF  }
0xa7: {  	s26 =	simm.s32 $execute0_lowered;
	[smem:$0x3FD2] =	sst s25  }
0xa8: {  	s7 =	sshll.u32 s26, $0x1;
	_ =	strace $0x80000046;
	[dreg:$0x1] =	wrdreg $0xFFFFFFFF  }
0xa9: {  	s28 =	simm.s32 $_size_execute0_lowered;
	s5 =	sadd.s32 s5, s7;
	[dreg:$0x0] =	wrdreg $0x0  }
0xaa: {  	s7 =	sshll.u32 s28, $0x1;
	[dreg:$0x2] =	wrdreg s5  }
0xab: {  	[dreg:$0x3] =	wrdreg s7  }
0xac: {  	[dreg:$0x4] =	wrdreg $0xC0  }
0xad: {  	_ =	task [dreg:s9], $0x5FFFF  }
0xae: {  	[dreg:$0x1] =	wrdreg $0xFFFFFFFF  }
0xaf: {  	[dreg:$0x0] =	wrdreg $0x60  }
0xb0: {  	[dreg:$0x2] =	wrdreg s2  }
0xb1: {  	[dreg:$0x3] =	wrdreg s18  }
0xb2: {  	[dreg:$0x4] =	wrdreg s4  }
0xb3: {  	[dreg:$0x5] =	wrdreg s24  }
0xb4: {  	[dreg:$0x6] =	wrdreg $0x9  }
0xb5: {  	_ =	task.clear_ibuf [dreg:s9], $0x7FFFF;
	_ =	strace $0x90000046  }
0xb6: {  	s29 =	simm.s32 $0x9;
	_ =	strace $0x80000048  }
0xb7: {  	_ =	swait.ge [sflag:s29], $0x1  }
0xb8: {  	[sflag:s29] =	ssyncadd.s32 $0xFFFFFFFF  }
0xb9: {  	_ =	strace $0x90000048  }
0xba: {  	_ =	sfence  }
0xbb: {  	s30 =	sld [smem:$0x0];
	_ =	sdelay $0x2  }
0xbc: {  	s31 =	sshll.u32 s1, $0xD;
	s1 =	sshrl.u32 s1, $0x2  }
0xbd: {  	s3 =	sand.u32 $0x4000, s31;
	s1 =	sadd.s32 s1, s30  }
0xbe: {  	s0 =	sor.u32 s3, s0;
	s1 =	sshll.u32 s1, $0x11  }
0xbf: {  	s0 =	sor.u32 s1, s0  }
0xc0: {  	s0 =	sadd.s32 $0x8F2B, s0  }
0xc1: {  	[sflag:s0] =	ssyncadd.remote.s32 $0x1  }
0xc2: {  	_ =	sfence.sel $0xFFFF  }
0xc3: {  	[dreg:$0x0] =	wrdreg $0xFFFFFFFF;
	(pc) =	sbr.abs _section_cstart, $3  }
0xc4: {  	[dreg:$0x1] =	wrdreg $0xFFFFFFFF  }
0xc5: {  	_ =	task.clear_ibuf [dreg:s9], $0x2FFFF;
	_ =	strace $0x9FFFFFFF  }
0xc6: {  	(tm) =	ssettm $0x7FFFFFFF  }
0xc7: {  	_ =	shalt  }
tec
execute0_lowered:
.L_overlay_start_1:
0x0: {  	(tag) =	ssettag $0x1  }
0x1: {  	s1 =	rddreg [dreg:$0x0]  }
0x2: {  	s2 =	rddreg [dreg:$0x1]  }
0x3: {  	s0 =	rddreg [dreg:$0x3]  }
0x4: {  	s3 =	srdreg.scid;
	s4 =	stileid.u32;
	s6 =	simm.s32 $0x0  }
0x5: {  	s10 =	simm.s32 $0x7;
	s3 =	sand.u32 $0x1, s3;
	s4 =	sshll.u32 s4, $0x1  }
0x6: {  	[smem:$0x7FF] =	sst s6;
	s5 =	ssub.s32 $0x2, s3;
	s7 =	sor.u32 s3, s4  }
.Ltmp0:
0x7: {  	_ =	strace $0x80000047;
	s29 =	sshrl.u32 s5, $0x1;
	(pc) =	sbr.rel .LBB2_1-.Ltmp0, $4  }
0x8: {  	s4 =	sshll.u32 s7, $0x8;
	[dreg:$0x5] =	wrdreg s7;
	s30 =	sadd.s32 $0x1, s7  }
0x9: {  	s3 =	ssub.s32 s5, s29;
	[dreg:$0x6] =	wrdreg s30;
	s0 =	sadd.s32 s0, s4  }
0xa: {  	s11 =	simm.s32 $0x80;
	[dreg:$0x7] =	wrdreg s0;
	s31 =	smax.u32 s3, $0x1  }
0xb: {  	v0 =	vimm.f32 $0.0e+00;
	s12 =	simm.s32 $0x400;
	s14 =	simm.s32 $0x0;
	[dreg:$0x8] =	wrdreg s31  }
.LBB2_26:
0xc: {  	s6 =	simm.s32 $0x0;
	s0 =	rddreg [dreg:$0x7];
	s3 =	simm.s32 $0x18080  }
0xd: {  	[hbm4b:s0+s6] =	stream.linear.scatter [tilespmem:s3], [sflag:$0x7], $0x800, $0x38;
	[tilespmem:$0x18880] =	vst v63  }
0xe: {  	_ =	swait.ge [sflag:s10], $0x800  }
0xf: {  	s14 =	sadd.s32 $0x1, s14;
	s31 =	rddreg [dreg:$0x8]  }
0x10: {  	p0 =	sne.s32 s14, s31  }
.Ltmp1:
0x11: {  	_ = 	snop;
	(pc) =	sbr.rel @!p0 .LBB2_27-.Ltmp1, $3  }
0x12: {  	_ =	sdelay $0x1  }
0x13: {  	[sflag:s10] =	ssyncset.done $0x0  }
0x14: {  	[sflag:s10] =	ssyncadd.s32 $0xFFFFF800  }
.LBB2_1:
0x15: {  	s0 =	rddreg [dreg:$0x2]  }
0x16: {  	[tilespmem:s6], [sflag:$0x7] =	stream.linear.gather [hbm4b:s0+s6], $0x10, $0x38;
	[tilespmem:$0x18880] =	vst v63  }
0x17: {  	_ =	swait.ge [sflag:s10], $0x10  }
0x18: {  	[sflag:s10] =	ssyncset.done $0x0  }
0x19: {  	[sflag:s10] =	ssyncadd.s32 $0xFFFFFFF0  }
0x1a: {  	v1 =	vld [tilespmem:$0x0];
	_ =	sdelay $0x1  }
0x1b: {  	v2 =	vld [tilespmem:$0x1]  }
0x1c: {  	v3 =	vld [tilespmem:$0x2]  }
0x1d: {  	v4 =	vld [tilespmem:$0x3]  }
0x1e: {  	(v2sf) =	vpush v1, $0x0;
	_ =	sdelay $0x1  }
0x1f: {  	v1 =	vld [tilespmem:$0x4];
	(v2sf) =	vpush v2, $0x0  }
0x20: {  	v2 =	vld [tilespmem:$0x5];
	(v2sf) =	vpush v3, $0x0  }
0x21: {  	v3 =	vld [tilespmem:$0x6];
	(v2sf) =	vpush v4, $0x0;
	_ =	sdelay $0x2  }
0x22: {  	(v2sf) =	vpush v1, $0x0;
	v1 =	vld [tilespmem:$0x7]  }
0x23: {  	(v2sf) =	vpush v2, $0x0;
	v2 =	vld [tilespmem:$0x8]  }
0x24: {  	(v2sf) =	vpush v3, $0x0;
	v3 =	vld [tilespmem:$0x9];
	_ =	sdelay $0x2  }
0x25: {  	(v2sf) =	vpush v1, $0x0;
	v1 =	vld [tilespmem:$0xA]  }
0x26: {  	(v2sf) =	vpush v2, $0x0;
	v2 =	vld [tilespmem:$0xB]  }
0x27: {  	(v2sf) =	vpush v3, $0x0;
	v3 =	vld [tilespmem:$0xC]  }
0x28: {  	s8 =	spop (v2sf)  }
0x29: {  	s0 =	sadd.s32 $0xFFFFFD00, s8  }
0x2a: {  	(v2sf) =	vpush v1, $0x0;
	v1 =	vld [tilespmem:$0xD];
	s3 =	spop (v2sf);
	p0 =	sgt.s32 s0, $0x0  }
0x2b: {  	(v2sf) =	vpush v2, $0x0;
	v2 =	vld [tilespmem:$0xE];
	s3 =	sadd.s32 $0xFFFFFD00, s3;
	s4 =	spop (v2sf);
	s0 =	simm.s32 @!p0 $0x0  }
0x2c: {  	(v2sf) =	vpush v3, $0x0;
	v3 =	vld [tilespmem:$0xF];
	p0 =	sgt.s32 s3, $0x0;
	s4 =	sadd.s32 $0xFFFFFD00, s4;
	s5 =	spop (v2sf)  }
0x2d: {  	s3 =	simm.s32 @!p0 $0x0;
	p0 =	sgt.s32 s4, $0x0;
	s5 =	sadd.s32 $0xFFFFFD00, s5  }
0x2e: {  	s0 =	sadd.s32 s0, s3;
	s4 =	simm.s32 @!p0 $0x0;
	p0 =	sgt.s32 s5, $0x0  }
0x2f: {  	(v2sf) =	vpush v1, $0x0;
	s9 =	spop (v2sf);
	s0 =	sadd.s32 s0, s4;
	s5 =	simm.s32 @!p0 $0x0  }
0x30: {  	(v2sf) =	vpush v2, $0x0;
	s13 =	spop (v2sf);
	s3 =	sadd.s32 $0xFFFFFD00, s9;
	s0 =	sadd.s32 s0, s5  }
0x31: {  	p0 =	sgt.s32 s3, $0x0;
	s4 =	sadd.s32 $0xFFFFFD00, s13;
	s15 =	spop (v2sf);
	(v2sf) =	vpush v3, $0x0  }
0x32: {  	s3 =	simm.s32 @!p0 $0x0;
	p0 =	sgt.s32 s4, $0x0;
	s5 =	sadd.s32 $0xFFFFFD00, s15  }
0x33: {  	s0 =	sadd.s32 s0, s3;
	s4 =	simm.s32 @!p0 $0x0;
	p0 =	sgt.s32 s5, $0x0  }
0x34: {  	s16 =	spop (v2sf);
	s0 =	sadd.s32 s0, s4;
	s5 =	simm.s32 @!p0 $0x0  }
0x35: {  	s17 =	spop (v2sf);
	s0 =	sadd.s32 s0, s5;
	s3 =	sadd.s32 $0xFFFFFD00, s16  }
0x36: {  	s18 =	spop (v2sf);
	p0 =	sgt.s32 s3, $0x0;
	s4 =	sadd.s32 $0xFFFFFD00, s17  }
0x37: {  	s3 =	simm.s32 @!p0 $0x0;
	p0 =	sgt.s32 s4, $0x0;
	s5 =	sadd.s32 $0xFFFFFD00, s18  }
0x38: {  	s0 =	sadd.s32 s0, s3;
	s4 =	simm.s32 @!p0 $0x0;
	p0 =	sgt.s32 s5, $0x0  }
0x39: {  	s19 =	spop (v2sf);
	s0 =	sadd.s32 s0, s4;
	s5 =	simm.s32 @!p0 $0x0  }
0x3a: {  	s20 =	spop (v2sf);
	s0 =	sadd.s32 s0, s5;
	s3 =	sadd.s32 $0xFFFFFD00, s19  }
0x3b: {  	s21 =	spop (v2sf);
	p0 =	sgt.s32 s3, $0x0;
	s4 =	sadd.s32 $0xFFFFFD00, s20  }
0x3c: {  	s3 =	simm.s32 @!p0 $0x0;
	p0 =	sgt.s32 s4, $0x0;
	s5 =	sadd.s32 $0xFFFFFD00, s21  }
0x3d: {  	s0 =	sadd.s32 s0, s3;
	s4 =	simm.s32 @!p0 $0x0;
	p0 =	sgt.s32 s5, $0x0  }
0x3e: {  	s22 =	spop (v2sf);
	s0 =	sadd.s32 s0, s4;
	s5 =	simm.s32 @!p0 $0x0  }
0x3f: {  	s23 =	spop (v2sf);
	s0 =	sadd.s32 s0, s5;
	s3 =	sadd.s32 $0xFFFFFD00, s22  }
0x40: {  	[tilespmem:$0x18080] =	vst v0;
	p0 =	sgt.s32 s3, $0x0;
	s4 =	sadd.s32 $0xFFFFFD00, s23;
	s24 =	spop (v2sf)  }
0x41: {  	[tilespmem:$0x18100] =	vst v0;
	s3 =	simm.s32 @!p0 $0x0;
	p0 =	sgt.s32 s4, $0x0;
	s5 =	sadd.s32 $0xFFFFFD00, s24  }
0x42: {  	[tilespmem:$0x18180] =	vst v0;
	s0 =	sadd.s32 s0, s3;
	s4 =	simm.s32 @!p0 $0x0;
	p0 =	sgt.s32 s5, $0x0  }
0x43: {  	[tilespmem:$0x18200] =	vst v0;
	s0 =	sadd.s32 s0, s4;
	s5 =	simm.s32 @!p0 $0x0  }
0x44: {  	s25 =	rddreg [dreg:$0x5];
	[tilespmem:$0x18280] =	vst v0;
	s0 =	sadd.s32 s0, s5  }
0x45: {  	s29 =	rddreg [dreg:$0x6];
	[tilespmem:$0x18300] =	vst v0;
	s3 =	smul.u32 s25, s0  }
0x46: {  	[tilespmem:$0x18380] =	vst v0;
	s0 =	smul.u32 s29, s0  }
0x47: {  	[tilespmem:$0x18400] =	vst v0;
	s17 =	simm.s32 $0x0;
	s5 =	simm.s32 $0x1;
	s26 =	sand.u32 $0x1F, s3  }
0x48: {  	[tilespmem:$0x18480] =	vst v0;
	p4 =	slt.s32 s3, $0x1;
	s28 =	sshra.s32 s3, $0x1F;
	s30 =	sand.u32 $0x1F, s0  }
0x49: {  	[tilespmem:$0x18500] =	vst v0;
	s31 =	sshra.s32 s0, $0x1F;
	p6 =	slt.s32 s0, $0x1;
	p1 =	sne.s32 s26, $0x0  }
0x4a: {  	[tilespmem:$0x18580] =	vst v0;
	s4 =	sshrl.u32 s28, $0x1B;
	p5 =	sne.s32 s30, $0x0;
	p0 =	por !p4, !p1  }
.Ltmp2:
0x4b: {  	[tilespmem:$0x18600] =	vst v0;
	s3 =	sadd.s32 s4, s3;
	p0 =	por !p0, !p0;
	(pc) =	sbr.rel .LBB2_2-.Ltmp2, $4  }
0x4c: {  	[tilespmem:$0x18680] =	vst v0;
	s4 =	sshrl.u32 s31, $0x1B;
	s5 =	simm.s32 @!p0 $0x0;
	p0 =	por !p6, !p5  }
0x4d: {  	[tilespmem:$0x18700] =	vst v0;
	s0 =	sadd.s32 s4, s0;
	s4 =	simm.s32 $0x1;
	p0 =	por !p0, !p0  }
0x4e: {  	[tilespmem:$0x18780] =	vst v0;
	s3 =	sshra.s32 s3, $0x5;
	s0 =	sshra.s32 s0, $0x5;
	s4 =	simm.s32 @!p0 $0x0  }
0x4f: {  	[tilespmem:$0x18800] =	vst v0;
	s18 =	simm.s32 $0x0;
	s15 =	ssub.s32 s3, s5;
	s16 =	ssub.s32 s0, s4  }
.LBB2_28:
0x50: {  	s20 =	sshll.u32 s17, $0x9;
	v1 =	vimm.f32 $0.0e+00  }
.LBB2_25:
0x51: {  	s0 =	sshrl.u32 s20, $0x2  }
0x52: {  	v2 =	vld [tilespmem:s0+$0x18080]  }
0x53: {  	s17 =	sadd.s32 $0x1, s17  }
0x54: {  	p0 =	sne.s32 s17, $0x10  }
.Ltmp3:
0x55: {  	_ = 	snop;
	(pc) =	sbr.rel @!p0 .LBB2_26-.Ltmp3, $3  }
0x56: {  	_ = 	snop  }
0x57: {  	v1 =	vadd.f32 v2, v1;
	_ =	sdelay $0x1  }
0x58: {  	[tilespmem:s0+$0x18080] =	vst v1  }
.LBB2_2:
0x59: {  	v1 =	vld [tilespmem:s17+$0x0];
	_ =	sdelay $0x4  }
0x5a: {  	(v2sf) =	vpush v1, $0x0;
	_ =	sdelay $0xe  }
0x5b: {  	s0 =	spop (v2sf)  }
0x5c: {  	s0 =	sadd.s32 $0xFFFFFD00, s0  }
0x5d: {  	p0 =	sgt.s32 s0, $0x0  }
0x5e: {  	s3 =	smov.u32 s18;
	s0 =	simm.s32 @!p0 $0x0  }
0x5f: {  	p0 =	sgt.s32 s15, s3;
	s18 =	sadd.s32 s18, s0  }
0x60: {  	s0 =	smov.u32 s3;
	p1 =	slt.s32 s16, s18;
	s4 =	smov.u32 s18  }
0x61: {  	s0 =	smov.u32 @p0 s15;
	s4 =	smov.u32 @p1 s16  }
0x62: {  	s0 =	ssub.s32 s0, s3;
	s3 =	ssub.s32 s4, s3  }
0x63: {  	s4 =	ssub.s32 s3, s0  }
0x64: {  	s4 =	sadd.s32 $0x1F, s4  }
0x65: {  	s5 =	sand.u32 $0x1F, s4  }
0x66: {  	s31 =	sshra.s32 s4, $0x1F;
	p6 =	slt.s32 s4, $0x1;
	p5 =	sne.s32 s5, $0x0  }
0x67: {  	s5 =	sshrl.u32 s31, $0x1B;
	p0 =	por !p6, !p5  }
0x68: {  	s4 =	sadd.s32 s5, s4;
	s5 =	simm.s32 $0x1;
	p0 =	por !p0, !p0  }
0x69: {  	s4 =	sshra.s32 s4, $0x5;
	s5 =	simm.s32 @!p0 $0x0  }
0x6a: {  	s19 =	ssub.s32 s4, s5  }
0x6b: {  	p0 =	slt.s32 s19, $0x1  }
.Ltmp4:
0x6c: {  	_ = 	snop;
	(pc) =	sbr.rel @p0 .LBB2_28-.Ltmp4, $1  }
0x6d: {  	_ =	sdelay $0x3  }
0x6e: {  	s21 =	sadd.s32 $0x300, s0  }
0x6f: {  	p0 =	slt.s32 s21, $0x7E0;
	s4 =	smov.u32 s21  }
0x70: {  	s20 =	sshll.u32 s17, $0x9;
	s4 =	simm.s32 @!p0 $0x7E0  }
0x71: {  	s5 =	sshll.u32 s17, $0x7;
	s22 =	sand.u32 $0x1000, s20;
	s4 =	sshll.u32 s4, $0xD  }
0x72: {  	s23 =	sand.u32 $0x380, s5;
	s4 =	sor.u32 s22, s4  }
0x73: {  	s4 =	sor.u32 s23, s4  }
0x74: {  	s4 =	sshrl.u32 s4, $0x3  }
0x75: {  	s24 =	sadd.s32 $0x300, s3;
	s7 =	simm.s32 $0x400;
	s3 =	sadd.s32 s1, s4  }
0x76: {  	s8 =	simm.s32 $0x280;
	s5 =	simm.s32 $0x80;
	s9 =	sadd.s32 $0x0, s3  }
.LBB2_4:
0x77: {  	[tilespmem:s5], [sflag:$0x1] =	stream.strided.gather [hbm4b:s9+s11], $0x200, s12, s11, $0x38;
	[tilespmem:$0x18880] =	vst v63  }
0x78: {  	s6 =	smov.u32 s7;
	s5 =	smov.u32 s8;
	p0 =	sne.s32 s7, $0x7C00  }
.Ltmp5:
0x79: {  	s7 =	sadd.s32 $0x400, s7;
	(pc) =	sbr.rel @p0 .LBB2_4-.Ltmp5, $2  }
0x7a: {  	_ =	sdelay $0x2  }
0x7b: {  	s8 =	sadd.s32 $0x200, s8;
	s9 =	sadd.s32 s6, s3  }
0x7c: {  	[tilespmem:s5], [sflag:$0x1] =	stream.strided.gather [hbm4b:s9+s11], $0x200, s12, s11, $0x38;
	[tilespmem:$0x18880] =	vst v63  }
0x7d: {  	s3 =	sadd.s32 s2, s4;
	s4 =	simm.s32 $0xC080  }
0x7e: {  	s5 =	simm.s32 $0x400;
	s7 =	simm.s32 $0xC280;
	s8 =	sadd.s32 $0x0, s3  }
.LBB2_6:
0x7f: {  	[tilespmem:s4], [sflag:$0x4] =	stream.strided.gather [hbm4b:s8+s11], $0x200, s12, s11, $0x38;
	[tilespmem:$0x18880] =	vst v63  }
0x80: {  	s6 =	smov.u32 s5;
	s4 =	smov.u32 s7;
	p0 =	sne.s32 s5, $0x7C00  }
.Ltmp6:
0x81: {  	s5 =	sadd.s32 $0x400, s5;
	(pc) =	sbr.rel @p0 .LBB2_6-.Ltmp6, $2  }
0x82: {  	_ =	sdelay $0x2  }
0x83: {  	s7 =	sadd.s32 $0x200, s7;
	s8 =	sadd.s32 s6, s3  }
0x84: {  	p0 =	seq.s32 s19, $0x1  }
.Ltmp7:
0x85: {  	_ = 	snop;
	(pc) =	sbr.rel @p0 .LBB2_13-.Ltmp7, $2  }
0x86: {  	_ =	sdelay $0x2  }
0x87: {  	[tilespmem:s4], [sflag:$0x4] =	stream.strided.gather [hbm4b:s8+s11], $0x200, s12, s11, $0x38;
	[tilespmem:$0x18880] =	vst v63  }
0x88: {  	s0 =	sadd.s32 $0x320, s0  }
0x89: {  	p0 =	slt.s32 s0, $0x7E0  }
0x8a: {  	s0 =	simm.s32 @!p0 $0x7E0  }
0x8b: {  	s0 =	sshll.u32 s0, $0xD  }
0x8c: {  	s0 =	sor.u32 s22, s0  }
0x8d: {  	s0 =	sor.u32 s23, s0  }
0x8e: {  	s0 =	sshrl.u32 s0, $0x3  }
0x8f: {  	s4 =	simm.s32 $0x4080;
	s3 =	sadd.s32 s1, s0  }
0x90: {  	s5 =	simm.s32 $0x400;
	s7 =	simm.s32 $0x4280;
	s8 =	sadd.s32 $0x0, s3  }
.LBB2_9:
0x91: {  	[tilespmem:s4], [sflag:$0x2] =	stream.strided.gather [hbm4b:s8+s11], $0x200, s12, s11, $0x38;
	[tilespmem:$0x18880] =	vst v63  }
0x92: {  	s6 =	smov.u32 s5;
	s4 =	smov.u32 s7;
	p0 =	sne.s32 s5, $0x7C00  }
.Ltmp8:
0x93: {  	s5 =	sadd.s32 $0x400, s5;
	(pc) =	sbr.rel @p0 .LBB2_9-.Ltmp8, $2  }
0x94: {  	_ =	sdelay $0x2  }
0x95: {  	s7 =	sadd.s32 $0x200, s7;
	s8 =	sadd.s32 s6, s3  }
0x96: {  	[tilespmem:s4], [sflag:$0x2] =	stream.strided.gather [hbm4b:s8+s11], $0x200, s12, s11, $0x38;
	[tilespmem:$0x18880] =	vst v63  }
0x97: {  	s0 =	sadd.s32 s2, s0;
	s3 =	simm.s32 $0x10080  }
0x98: {  	s4 =	simm.s32 $0x400;
	s5 =	simm.s32 $0x10280;
	s7 =	sadd.s32 $0x0, s0  }
.LBB2_11:
0x99: {  	[tilespmem:s3], [sflag:$0x5] =	stream.strided.gather [hbm4b:s7+s11], $0x200, s12, s11, $0x38;
	[tilespmem:$0x18880] =	vst v63  }
0x9a: {  	s6 =	smov.u32 s4;
	s3 =	smov.u32 s5;
	p0 =	seq.s32 s4, $0x7C00  }
.Ltmp9:
0x9b: {  	s4 =	sadd.s32 $0x400, s4;
	(pc) =	sbr.rel @!p0 .LBB2_11-.Ltmp9, $2  }
0x9c: {  	_ =	sdelay $0x2  }
0x9d: {  	s5 =	sadd.s32 $0x200, s5;
	s7 =	sadd.s32 s6, s0  }
0x9e: {  	[tilespmem:s3], [sflag:$0x5] =	stream.strided.gather [hbm4b:s7+s11], $0x200, s12, s11, $0x38;
	[tilespmem:$0x18880] =	vst v63  }
.LBB2_13:
.Ltmp10:
0x9f: {  	(pc) =	sbr.rel .LBB2_14-.Ltmp10, $3  }
0xa0: {  	_ =	sdelay $0x1  }
0xa1: {  	s25 =	simm.s32 $0x0;
	s26 =	simm.s32 $0x8080;
	s28 =	simm.s32 $0x2  }
0xa2: {  	v1 =	vimm.f32 $0.0e+00;
	s29 =	simm.s32 $0x14080;
	s30 =	smov.u32 s21;
	s31 =	smov.u32 s21  }
.LBB2_23:
0xa3: {  	v7 =	vadd.f32 v8, v7;
	v62 =	vmul.f32 v9, v9;
	v2 =	vsub.f32 v4, v2;
	_ =	sdelay $0x1  }
0xa4: {  	v1 =	vsub.f32 v5, v1;
	v63 =	vadd.f32 v62, v7;
	v2 =	vmul.f32 v2, v2;
	_ =	sdelay $0x1  }
0xa5: {  	v3 =	vsub.f32 v6, v3;
	v1 =	vmul.f32 v1, v1;
	v2 =	vadd.f32 v2, v63;
	_ =	sdelay $0x1  }
0xa6: {  	v1 =	vadd.f32 v1, v2;
	v2 =	vmul.f32 v3, v3;
	_ =	sdelay $0x1  }
0xa7: {  	v1 =	vadd.f32 v2, v1  }
.LBB2_24:
0xa8: {  	s25 =	sadd.s32 $0x1, s25  }
0xa9: {  	p0 =	sne.s32 s25, s19  }
.Ltmp11:
0xaa: {  	_ = 	snop;
	(pc) =	sbr.rel @!p0 .LBB2_25-.Ltmp11, $3  }
0xab: {  	_ =	sdelay $0x1  }
0xac: {  	s26 =	sadd.s32 $0x4000, s26;
	s28 =	sadd.s32 $0x1, s28  }
0xad: {  	s29 =	sadd.s32 $0x4000, s29;
	s31 =	sadd.s32 $0x40, s31;
	s30 =	sadd.s32 $0x20, s30  }
.LBB2_14:
0xae: {  	s3 =	sadd.s32 $0x2, s25  }
0xaf: {  	p0 =	sge.s32 s3, s19  }
.Ltmp12:
0xb0: {  	_ = 	snop;
	(pc) =	sbr.rel @p0 .LBB2_20-.Ltmp12, $1  }
0xb1: {  	_ =	sdelay $0x3  }
0xb2: {  	s0 =	sshll.u32 s3, $0x5  }
0xb3: {  	s4 =	smulhi.u32 $0xAAAAAAAB, s28;
	s0 =	sadd.s32 s21, s0  }
0xb4: {  	s5 =	smulhi.u32 $0xAAAAAAAB, s3;
	p0 =	slt.s32 s0, $0x7E0  }
0xb5: {  	s4 =	sshrl.u32 s4, $0x1;
	s0 =	simm.s32 @!p0 $0x7E0  }
0xb6: {  	s5 =	sshrl.u32 s5, $0x1;
	s4 =	smul.u32 $0xFFFD0000, s4;
	s0 =	sshll.u32 s0, $0xD  }
0xb7: {  	s5 =	smul.u32 $0x3, s5;
	s0 =	sor.u32 s0, s23  }
0xb8: {  	s8 =	simm.s32 $0x400;
	s13 =	sor.u32 s22, s0  }
0xb9: {  	s6 =	sshra.s32 s4, $0x2;
	s3 =	ssub.s32 s3, s5;
	s4 =	sshrl.u32 s13, $0x3  }
0xba: {  	s0 =	sadd.s32 s6, s29;
	s5 =	sadd.s32 s6, s26;
	s7 =	sadd.s32 s1, s4  }
0xbb: {  	s13 =	sadd.s32 $0x1, s3;
	s9 =	sadd.s32 $0x200, s5;
	s6 =	sadd.s32 $0x0, s7  }
.LBB2_16:
0xbc: {  	[tilespmem:s5], [sflag:s13] =	stream.strided.gather [hbm4b:s6+s11], $0x200, s12, s11, $0x38;
	[tilespmem:$0x18880] =	vst v63  }
0xbd: {  	s6 =	smov.u32 s8;
	s5 =	smov.u32 s9;
	p0 =	sne.s32 s8, $0x7C00  }
.Ltmp13:
0xbe: {  	s8 =	sadd.s32 $0x400, s8;
	(pc) =	sbr.rel @p0 .LBB2_16-.Ltmp13, $2  }
0xbf: {  	_ =	sdelay $0x2  }
0xc0: {  	s9 =	sadd.s32 $0x200, s9;
	s6 =	sadd.s32 s6, s7  }
0xc1: {  	[tilespmem:s5], [sflag:s13] =	stream.strided.gather [hbm4b:s6+s11], $0x200, s12, s11, $0x38;
	[tilespmem:$0x18880] =	vst v63  }
0xc2: {  	s3 =	sadd.s32 $0x4, s3;
	s4 =	sadd.s32 s2, s4  }
0xc3: {  	s5 =	simm.s32 $0x400;
	s7 =	sadd.s32 $0x200, s0;
	s6 =	sadd.s32 $0x0, s4  }
.LBB2_18:
0xc4: {  	[tilespmem:s0], [sflag:s3] =	stream.strided.gather [hbm4b:s6+s11], $0x200, s12, s11, $0x38;
	[tilespmem:$0x18880] =	vst v63  }
0xc5: {  	s6 =	smov.u32 s5;
	s0 =	smov.u32 s7;
	p0 =	sne.s32 s5, $0x7C00  }
.Ltmp14:
0xc6: {  	s5 =	sadd.s32 $0x400, s5;
	(pc) =	sbr.rel @p0 .LBB2_18-.Ltmp14, $2  }
0xc7: {  	_ =	sdelay $0x2  }
0xc8: {  	s7 =	sadd.s32 $0x200, s7;
	s6 =	sadd.s32 s6, s4  }
0xc9: {  	[tilespmem:s0], [sflag:s3] =	stream.strided.gather [hbm4b:s6+s11], $0x200, s12, s11, $0x38;
	[tilespmem:$0x18880] =	vst v63  }
.LBB2_20:
0xca: {  	s0 =	smulhi.u32 $0xAAAAAAAB, s25;
	_ =	sdelay $0x1  }
0xcb: {  	s3 =	sshrl.u32 s0, $0x1  }
0xcc: {  	s0 =	smul.u32 $0x3, s3;
	_ =	sdelay $0x1  }
0xcd: {  	s0 =	ssub.s32 s25, s0  }
0xce: {  	s5 =	sshll.u32 s25, $0x5;
	s4 =	sadd.s32 $0x1, s0  }
0xcf: {  	s5 =	sadd.s32 s21, s5;
	_ =	swait.ge [sflag:s4], $0x4000  }
0xd0: {  	p0 =	slt.s32 s5, $0x7E0;
	[sflag:s4] =	ssyncset.done $0x0  }
0xd1: {  	s7 =	sadd.s32 $0x20, s5;
	[sflag:s4] =	ssyncadd.s32 $0xFFFFC000;
	s4 =	smov.u32 s5  }
0xd2: {  	s6 =	sshll.u32 s0, $0x5;
	s4 =	simm.s32 @!p0 $0x7E0;
	p0 =	slt.s32 s24, s7  }
0xd3: {  	s9 =	sadd.s32 s5, s6;
	s7 =	smov.u32 @p0 s24;
	s13 =	ssub.s32 s6, s4  }
0xd4: {  	s8 =	sadd.s32 $0x4, s0;
	s4 =	ssub.s32 s9, s4;
	s0 =	sadd.s32 s7, s13  }
0xd5: {  	p0 =	sge.s32 s4, s0  }
.Ltmp15:
0xd6: {  	_ = 	snop;
	(pc) =	sbr.rel @p0 .LBB2_24-.Ltmp15, $4  }
0xd7: {  	_ = 	snop  }
0xd8: {  	_ =	swait.ge [sflag:s8], $0x4000  }
0xd9: {  	[sflag:s8] =	ssyncset.done $0x0  }
0xda: {  	[sflag:s8] =	ssyncadd.s32 $0xFFFFC000  }
0xdb: {  	p0 =	slt.s32 s30, $0x7E0;
	s5 =	smov.u32 s30  }
0xdc: {  	s3 =	smul.u32 $0x60, s3;
	s5 =	simm.s32 @!p0 $0x7E0  }
0xdd: {  	s5 =	ssub.s32 s31, s5  }
0xde: {  	s3 =	ssub.s32 s5, s3  }
0xdf: {  	s3 =	sshll.u32 s3, $0xB  }
0xe0: {  	s3 =	sshra.s32 s3, $0x2  }
0xe1: {  	s13 =	sor.u32 $0x180, s3  }
0xe2: {  	s3 =	sadd.s32 $0xC180, s3;
	v2 =	vld [tilespmem:s13+$0xFFFFFF00]  }
0xe3: {  	v3 =	vld [tilespmem:s3+$0xFFFFFF00]  }
0xe4: {  	v4 =	vld [tilespmem:s13+$0xFFFFFF10]  }
0xe5: {  	v5 =	vld [tilespmem:s3+$0xFFFFFF10]  }
0xe6: {  	v6 =	vld [tilespmem:s13+$0xFFFFFF20]  }
0xe7: {  	v7 =	vld [tilespmem:s3+$0xFFFFFF20]  }
0xe8: {  	v8 =	vld [tilespmem:s13+$0xFFFFFF30];
	v2 =	vsub.f32 v3, v2  }
0xe9: {  	v3 =	vld [tilespmem:s3+$0xFFFFFF30]  }
0xea: {  	v9 =	vld [tilespmem:s13+$0xFFFFFF40];
	v4 =	vsub.f32 v5, v4;
	v2 =	vmul.f32 v2, v2  }
0xeb: {  	v5 =	vld [tilespmem:s3+$0xFFFFFF40]  }
0xec: {  	v10 =	vld [tilespmem:s13+$0xFFFFFF50];
	v1 =	vadd.f32 v2, v1;
	v2 =	vmul.f32 v4, v4;
	v4 =	vsub.f32 v7, v6  }
0xed: {  	v6 =	vld [tilespmem:s3+$0xFFFFFF50]  }
0xee: {  	v7 =	vld [tilespmem:s13+$0xFFFFFF60];
	v3 =	vsub.f32 v3, v8;
	v1 =	vadd.f32 v2, v1;
	v2 =	vmul.f32 v4, v4  }
0xef: {  	v4 =	vld [tilespmem:s3+$0xFFFFFF60]  }
0xf0: {  	v8 =	vld [tilespmem:s13+$0xFFFFFF70];
	v1 =	vadd.f32 v2, v1;
	v2 =	vmul.f32 v3, v3;
	v3 =	vsub.f32 v5, v9  }
0xf1: {  	v5 =	vld [tilespmem:s3+$0xFFFFFF70]  }
0xf2: {  	v9 =	vld [tilespmem:s13+$0xFFFFFF80];
	v1 =	vadd.f32 v2, v1;
	v2 =	vmul.f32 v3, v3;
	v3 =	vsub.f32 v6, v10  }
0xf3: {  	v6 =	vld [tilespmem:s3+$0xFFFFFF80]  }
0xf4: {  	v10 =	vld [tilespmem:s13+$0xFFFFFF90];
	v1 =	vadd.f32 v2, v1;
	v2 =	vmul.f32 v3, v3;
	v3 =	vsub.f32 v4, v7  }
0xf5: {  	v4 =	vld [tilespmem:s3+$0xFFFFFF90]  }
0xf6: {  	v7 =	vld [tilespmem:s13+$0xFFFFFFA0];
	v1 =	vadd.f32 v2, v1;
	v2 =	vmul.f32 v3, v3;
	v3 =	vsub.f32 v5, v8  }
0xf7: {  	v5 =	vld [tilespmem:s3+$0xFFFFFFA0]  }
0xf8: {  	v8 =	vld [tilespmem:s13+$0xFFFFFFB0];
	v1 =	vadd.f32 v2, v1;
	v2 =	vmul.f32 v3, v3;
	v3 =	vsub.f32 v6, v9  }
0xf9: {  	v6 =	vld [tilespmem:s3+$0xFFFFFFB0]  }
0xfa: {  	v9 =	vld [tilespmem:s13+$0xFFFFFFC0];
	v1 =	vadd.f32 v2, v1;
	v2 =	vmul.f32 v3, v3;
	v3 =	vsub.f32 v4, v10  }
0xfb: {  	v4 =	vld [tilespmem:s3+$0xFFFFFFC0]  }
0xfc: {  	v10 =	vld [tilespmem:s13+$0xFFFFFFD0];
	v1 =	vadd.f32 v2, v1;
	v2 =	vmul.f32 v3, v3;
	v3 =	vsub.f32 v5, v7  }
0xfd: {  	v5 =	vld [tilespmem:s3+$0xFFFFFFD0]  }
0xfe: {  	v7 =	vld [tilespmem:s13+$0xFFFFFFE0];
	v1 =	vadd.f32 v2, v1;
	v2 =	vmul.f32 v3, v3;
	v3 =	vsub.f32 v6, v8  }
0xff: {  	v6 =	vld [tilespmem:s3+$0xFFFFFFE0]  }
0x100: {  	v8 =	vld [tilespmem:s13+$0xFFFFFFF0];
	v1 =	vadd.f32 v2, v1;
	v2 =	vmul.f32 v3, v3;
	v3 =	vsub.f32 v4, v9  }
0x101: {  	v4 =	vld [tilespmem:s3+$0xFFFFFFF0]  }
0x102: {  	v9 =	vld [tilespmem:s13+$0x0];
	v1 =	vadd.f32 v2, v1;
	v2 =	vmul.f32 v3, v3;
	v3 =	vsub.f32 v5, v10  }
0x103: {  	v5 =	vld [tilespmem:s3+$0x0]  }
0x104: {  	v10 =	vld [tilespmem:s13+$0x10];
	v1 =	vadd.f32 v2, v1;
	v2 =	vmul.f32 v3, v3;
	v3 =	vsub.f32 v6, v7  }
0x105: {  	v6 =	vld [tilespmem:s3+$0x10]  }
0x106: {  	v7 =	vld [tilespmem:s13+$0x20];
	v1 =	vadd.f32 v2, v1;
	v2 =	vmul.f32 v3, v3;
	v3 =	vsub.f32 v4, v8  }
0x107: {  	v4 =	vld [tilespmem:s3+$0x20]  }
0x108: {  	v8 =	vld [tilespmem:s13+$0x30];
	v1 =	vadd.f32 v2, v1;
	v2 =	vmul.f32 v3, v3;
	v3 =	vsub.f32 v5, v9  }
0x109: {  	v5 =	vld [tilespmem:s3+$0x30]  }
0x10a: {  	v9 =	vld [tilespmem:s13+$0x40];
	v1 =	vadd.f32 v2, v1;
	v2 =	vmul.f32 v3, v3;
	v3 =	vsub.f32 v6, v10  }
0x10b: {  	v6 =	vld [tilespmem:s3+$0x40]  }
0x10c: {  	v10 =	vld [tilespmem:s13+$0x50];
	v1 =	vadd.f32 v2, v1;
	v2 =	vmul.f32 v3, v3;
	v3 =	vsub.f32 v4, v7  }
0x10d: {  	v4 =	vld [tilespmem:s3+$0x50]  }
0x10e: {  	v7 =	vld [tilespmem:s13+$0x60];
	v1 =	vadd.f32 v2, v1;
	v2 =	vmul.f32 v3, v3;
	v3 =	vsub.f32 v5, v8  }
0x10f: {  	v5 =	vld [tilespmem:s3+$0x60]  }
0x110: {  	v8 =	vld [tilespmem:s13+$0x70];
	v1 =	vadd.f32 v2, v1;
	v2 =	vmul.f32 v3, v3;
	v3 =	vsub.f32 v6, v9  }
0x111: {  	v6 =	vld [tilespmem:s3+$0x70]  }
0x112: {  	v9 =	vld [tilespmem:s13+$0x80];
	v1 =	vadd.f32 v2, v1;
	v2 =	vmul.f32 v3, v3;
	v3 =	vsub.f32 v4, v10  }
0x113: {  	v4 =	vld [tilespmem:s3+$0x80]  }
0x114: {  	v10 =	vld [tilespmem:s13+$0x90];
	v1 =	vadd.f32 v2, v1;
	v2 =	vmul.f32 v3, v3;
	v3 =	vsub.f32 v5, v7  }
0x115: {  	v5 =	vld [tilespmem:s3+$0x90]  }
0x116: {  	v7 =	vld [tilespmem:s13+$0xA0];
	v1 =	vadd.f32 v2, v1;
	v2 =	vmul.f32 v3, v3;
	v3 =	vsub.f32 v6, v8  }
0x117: {  	v6 =	vld [tilespmem:s3+$0xA0]  }
0x118: {  	v8 =	vld [tilespmem:s13+$0xB0];
	v1 =	vadd.f32 v2, v1;
	v2 =	vmul.f32 v3, v3;
	v3 =	vsub.f32 v4, v9  }
0x119: {  	v9 =	vld [tilespmem:s3+$0xB0]  }
0x11a: {  	v11 =	vld [tilespmem:s13+$0xC0];
	v4 =	vsub.f32 v5, v10;
	v1 =	vadd.f32 v2, v1;
	v3 =	vmul.f32 v3, v3  }
0x11b: {  	s4 =	sadd.s32 $0x1, s4;
	v10 =	vld [tilespmem:s3+$0xC0]  }
0x11c: {  	p0 =	slt.s32 s4, s0;
	v2 =	vld [tilespmem:s13+$0xD0];
	v5 =	vmul.f32 v4, v4;
	v6 =	vsub.f32 v6, v7;
	v3 =	vadd.f32 v3, v1  }
.Ltmp16:
0x11d: {  	v4 =	vld [tilespmem:s3+$0xD0];
	(pc) =	sbr.rel @!p0 .LBB2_23-.Ltmp16, $4  }
0x11e: {  	v1 =	vld [tilespmem:s13+$0xE0];
	v6 =	vmul.f32 v6, v6;
	v8 =	vsub.f32 v9, v8;
	v7 =	vadd.f32 v5, v3  }
0x11f: {  	v5 =	vld [tilespmem:s3+$0xE0]  }
0x120: {  	v3 =	vld [tilespmem:s13+$0xF0];
	v9 =	vsub.f32 v10, v11;
	v8 =	vmul.f32 v8, v8;
	v7 =	vadd.f32 v6, v7  }
0x121: {  	s13 =	sadd.s32 $0x200, s13;
	v6 =	vld [tilespmem:s3+$0xF0]  }
.LBB2_22:
0x122: {  	v10 =	vld [tilespmem:s13+$0xFFFFFF00];
	v7 =	vadd.f32 v8, v7;
	v8 =	vmul.f32 v9, v9;
	v2 =	vsub.f32 v4, v2;
	s3 =	sadd.s32 $0x200, s3  }
0x123: {  	s4 =	sadd.s32 $0x1, s4;
	v4 =	vld [tilespmem:s3+$0xFFFFFF00]  }
0x124: {  	v1 =	vsub.f32 v5, v1;
	p0 =	slt.s32 s4, s0;
	v9 =	vld [tilespmem:s13+$0xFFFFFF10];
	v7 =	vadd.f32 v8, v7;
	v2 =	vmul.f32 v2, v2  }
0x125: {  	v5 =	vld [tilespmem:s3+$0xFFFFFF10]  }
0x126: {  	v3 =	vsub.f32 v6, v3;
	v1 =	vmul.f32 v1, v1;
	v8 =	vld [tilespmem:s13+$0xFFFFFF20];
	v2 =	vadd.f32 v2, v7  }
0x127: {  	v6 =	vld [tilespmem:s3+$0xFFFFFF20]  }
0x128: {  	v4 =	vsub.f32 v4, v10;
	v7 =	vld [tilespmem:s13+$0xFFFFFF30];
	v1 =	vadd.f32 v1, v2;
	v2 =	vmul.f32 v3, v3  }
0x129: {  	v3 =	vld [tilespmem:s3+$0xFFFFFF30]  }
0x12a: {  	v4 =	vmul.f32 v4, v4;
	v5 =	vsub.f32 v5, v9;
	v9 =	vld [tilespmem:s13+$0xFFFFFF40];
	v1 =	vadd.f32 v2, v1  }
0x12b: {  	v2 =	vld [tilespmem:s3+$0xFFFFFF40]  }
0x12c: {  	v1 =	vadd.f32 v4, v1;
	v4 =	vmul.f32 v5, v5;
	v5 =	vsub.f32 v6, v8;
	v6 =	vld [tilespmem:s13+$0xFFFFFF50]  }
0x12d: {  	v8 =	vld [tilespmem:s3+$0xFFFFFF50]  }
0x12e: {  	v1 =	vadd.f32 v4, v1;
	v4 =	vmul.f32 v5, v5;
	v3 =	vsub.f32 v3, v7;
	v5 =	vld [tilespmem:s13+$0xFFFFFF60]  }
0x12f: {  	v7 =	vld [tilespmem:s3+$0xFFFFFF60]  }
0x130: {  	v1 =	vadd.f32 v4, v1;
	v3 =	vmul.f32 v3, v3;
	v2 =	vsub.f32 v2, v9;
	v4 =	vld [tilespmem:s13+$0xFFFFFF70]  }
0x131: {  	v9 =	vld [tilespmem:s3+$0xFFFFFF70]  }
0x132: {  	v1 =	vadd.f32 v3, v1;
	v2 =	vmul.f32 v2, v2;
	v3 =	vsub.f32 v8, v6;
	v6 =	vld [tilespmem:s13+$0xFFFFFF80]  }
0x133: {  	v8 =	vld [tilespmem:s3+$0xFFFFFF80]  }
0x134: {  	v1 =	vadd.f32 v2, v1;
	v2 =	vmul.f32 v3, v3;
	v3 =	vsub.f32 v7, v5;
	v5 =	vld [tilespmem:s13+$0xFFFFFF90]  }
0x135: {  	v7 =	vld [tilespmem:s3+$0xFFFFFF90]  }
0x136: {  	v1 =	vadd.f32 v2, v1;
	v2 =	vmul.f32 v3, v3;
	v3 =	vsub.f32 v9, v4;
	v4 =	vld [tilespmem:s13+$0xFFFFFFA0]  }
0x137: {  	v9 =	vld [tilespmem:s3+$0xFFFFFFA0]  }
0x138: {  	v1 =	vadd.f32 v2, v1;
	v2 =	vmul.f32 v3, v3;
	v3 =	vsub.f32 v8, v6;
	v6 =	vld [tilespmem:s13+$0xFFFFFFB0]  }
0x139: {  	v8 =	vld [tilespmem:s3+$0xFFFFFFB0]  }
0x13a: {  	v1 =	vadd.f32 v2, v1;
	v2 =	vmul.f32 v3, v3;
	v3 =	vsub.f32 v7, v5;
	v5 =	vld [tilespmem:s13+$0xFFFFFFC0]  }
0x13b: {  	v7 =	vld [tilespmem:s3+$0xFFFFFFC0]  }
0x13c: {  	v1 =	vadd.f32 v2, v1;
	v2 =	vmul.f32 v3, v3;
	v3 =	vsub.f32 v9, v4;
	v4 =	vld [tilespmem:s13+$0xFFFFFFD0]  }
0x13d: {  	v9 =	vld [tilespmem:s3+$0xFFFFFFD0]  }
0x13e: {  	v1 =	vadd.f32 v2, v1;
	v2 =	vmul.f32 v3, v3;
	v3 =	vsub.f32 v8, v6;
	v6 =	vld [tilespmem:s13+$0xFFFFFFE0]  }
0x13f: {  	v8 =	vld [tilespmem:s3+$0xFFFFFFE0]  }
0x140: {  	v1 =	vadd.f32 v2, v1;
	v2 =	vmul.f32 v3, v3;
	v3 =	vsub.f32 v7, v5;
	v5 =	vld [tilespmem:s13+$0xFFFFFFF0]  }
0x141: {  	v7 =	vld [tilespmem:s3+$0xFFFFFFF0]  }
0x142: {  	v1 =	vadd.f32 v2, v1;
	v2 =	vmul.f32 v3, v3;
	v3 =	vsub.f32 v9, v4;
	v4 =	vld [tilespmem:s13+$0x0]  }
0x143: {  	v9 =	vld [tilespmem:s3+$0x0]  }
0x144: {  	v1 =	vadd.f32 v2, v1;
	v2 =	vmul.f32 v3, v3;
	v3 =	vsub.f32 v8, v6;
	v6 =	vld [tilespmem:s13+$0x10]  }
0x145: {  	v8 =	vld [tilespmem:s3+$0x10]  }
0x146: {  	v1 =	vadd.f32 v2, v1;
	v2 =	vmul.f32 v3, v3;
	v3 =	vsub.f32 v7, v5;
	v5 =	vld [tilespmem:s13+$0x20]  }
0x147: {  	v7 =	vld [tilespmem:s3+$0x20]  }
0x148: {  	v1 =	vadd.f32 v2, v1;
	v2 =	vmul.f32 v3, v3;
	v3 =	vsub.f32 v9, v4;
	v4 =	vld [tilespmem:s13+$0x30]  }
0x149: {  	v9 =	vld [tilespmem:s3+$0x30]  }
0x14a: {  	v1 =	vadd.f32 v2, v1;
	v2 =	vmul.f32 v3, v3;
	v3 =	vsub.f32 v8, v6;
	v6 =	vld [tilespmem:s13+$0x40]  }
0x14b: {  	v8 =	vld [tilespmem:s3+$0x40]  }
0x14c: {  	v1 =	vadd.f32 v2, v1;
	v2 =	vmul.f32 v3, v3;
	v3 =	vsub.f32 v7, v5;
	v5 =	vld [tilespmem:s13+$0x50]  }
0x14d: {  	v7 =	vld [tilespmem:s3+$0x50]  }
0x14e: {  	v1 =	vadd.f32 v2, v1;
	v2 =	vmul.f32 v3, v3;
	v3 =	vsub.f32 v9, v4;
	v4 =	vld [tilespmem:s13+$0x60]  }
0x14f: {  	v9 =	vld [tilespmem:s3+$0x60]  }
0x150: {  	v1 =	vadd.f32 v2, v1;
	v2 =	vmul.f32 v3, v3;
	v3 =	vsub.f32 v8, v6;
	v6 =	vld [tilespmem:s13+$0x70]  }
0x151: {  	v8 =	vld [tilespmem:s3+$0x70]  }
0x152: {  	v1 =	vadd.f32 v2, v1;
	v2 =	vmul.f32 v3, v3;
	v3 =	vsub.f32 v7, v5;
	v5 =	vld [tilespmem:s13+$0x80]  }
0x153: {  	v7 =	vld [tilespmem:s3+$0x80]  }
0x154: {  	v1 =	vadd.f32 v2, v1;
	v2 =	vmul.f32 v3, v3;
	v3 =	vsub.f32 v9, v4;
	v4 =	vld [tilespmem:s13+$0x90]  }
0x155: {  	v9 =	vld [tilespmem:s3+$0x90]  }
0x156: {  	v1 =	vadd.f32 v2, v1;
	v2 =	vmul.f32 v3, v3;
	v3 =	vsub.f32 v8, v6;
	v6 =	vld [tilespmem:s13+$0xA0]  }
0x157: {  	v8 =	vld [tilespmem:s3+$0xA0]  }
0x158: {  	v1 =	vadd.f32 v2, v1;
	v2 =	vmul.f32 v3, v3;
	v3 =	vsub.f32 v7, v5;
	v5 =	vld [tilespmem:s13+$0xB0]  }
0x159: {  	v7 =	vld [tilespmem:s3+$0xB0]  }
0x15a: {  	v1 =	vadd.f32 v2, v1;
	v2 =	vmul.f32 v3, v3;
	v3 =	vsub.f32 v9, v4;
	v9 =	vld [tilespmem:s13+$0xC0]  }
0x15b: {  	v10 =	vld [tilespmem:s3+$0xC0]  }
0x15c: {  	v1 =	vadd.f32 v2, v1;
	v3 =	vmul.f32 v3, v3;
	v6 =	vsub.f32 v8, v6;
	v2 =	vld [tilespmem:s13+$0xD0]  }
.Ltmp17:
0x15d: {  	v4 =	vld [tilespmem:s3+$0xD0];
	(pc) =	sbr.rel @p0 .LBB2_22-.Ltmp17, $4  }
0x15e: {  	v3 =	vadd.f32 v3, v1;
	v6 =	vmul.f32 v6, v6;
	v8 =	vsub.f32 v7, v5;
	v1 =	vld [tilespmem:s13+$0xE0]  }
0x15f: {  	v5 =	vld [tilespmem:s3+$0xE0]  }
0x160: {  	v7 =	vadd.f32 v6, v3;
	v8 =	vmul.f32 v8, v8;
	v9 =	vsub.f32 v10, v9;
	v3 =	vld [tilespmem:s13+$0xF0]  }
0x161: {  	s13 =	sadd.s32 $0x200, s13;
	v6 =	vld [tilespmem:s3+$0xF0]  }
.Ltmp18:
0x162: {  	_ = 	snop;
	(pc) =	sbr.rel .LBB2_23-.Ltmp18, $1  }
0x163: {  	_ =	sdelay $0x3  }
.LBB2_27:
0x164: {  	_ =	sfence.sel $0x180000  }
0x165: {  	[bflag:$0x0] =	sbarrier.arrive $0xFFFF  }
0x166: {  	_ =	strace $0x90000047  }
0x167: {  	s0 =	stileid.u32;
	[bflag:$0x2] =	sbarrier.arrive $0xFFFF  }
0x168: {  	p0 =	sne.s32 s0, $0x0;
	s0 =	rddreg [dreg:$0x4]  }
0x169: {  	s0 =	sadd.s32 @!p0 $0x100000, s0  }
0x16a: {  	[sflag:s0] =	ssyncadd.tile.s32 @!p0 $0x1;
	_ =	shalt  }
.Lfunc_end2:
_tile_overlayer_lowered:
.L_overlay_start_2:
0x16b: {  	(tag) =	ssettag $0x2  }
0x16c: {  	s0 =	rddreg [dreg:$0x0];
	s2 =	stileid.u32  }
0x16d: {  	s1 =	rddreg [dreg:$0x1];
	p0 =	sne.s32 s2, $0x0  }
0x16e: {  	s3 =	rddreg [dreg:$0x2];
	[bflag:$0x3] =	sbarrier.arrive $0xFFFF;
	s2 =	simm.s32 @!p0 $0x1C07  }
0x16f: {  	[timem:s3], [sflag:s2] =	dma.local @!p0 [hbm:s0], s1  }
0x170: {  	s0 =	simm.s32 @!p0 $0x7  }
0x171: {  	_ =	swait.ge @!p0 [sflag:s0], s1  }
0x172: {  	s1 =	ssub.s32 @!p0 $0x0, s1;
	[sflag:s0] =	ssyncset.done @!p0 $0x0  }
0x173: {  	[sflag:s0] =	ssyncadd.s32 @!p0 s1  }
0x174: {  	[bflag:$0x3] =	sbarrier.arrive $0xFFFF  }
0x175: {  	_ =	shalt  }

</sc_bundles>
